<compile_context>
chip_gen: v7x
topology: tpu7x:2x2x1
jax: 0.10.2.dev20260603
libtpu: 0.0.44.dev20260713+nightly
codegen_flags: <defaults>
</compile_context>

<pallas_src>
import functools

import jax
import jax.numpy as jnp
from jax import lax
from jax.experimental import pallas as pl
from jax.experimental.pallas import tpu as pltpu
from jax.experimental.pallas import tpu_sc as plsc

NUM_WORKERS = 32
CB = 8
NBUF = 4


@functools.partial(jax.jit, static_argnums=(2, 3, 4))
def _gather_rows(indices, table, b, h, d):
    rows_per_w = b // NUM_WORKERS
    n_chunks = rows_per_w // CB
    n_groups = n_chunks // NBUF
    mesh = plsc.VectorSubcoreMesh(core_axis_name="c", subcore_axis_name="s")

    @functools.partial(
        pl.kernel,
        mesh=mesh,
        out_type=jax.ShapeDtypeStruct((b, h, d), jnp.float32),
        scratch_types=[
            pltpu.VMEM((rows_per_w, h), jnp.int32),
            [pltpu.VMEM((CB, h, d), jnp.float32) for _ in range(NBUF)],
            [pltpu.SemaphoreType.DMA for _ in range(NBUF)],
            [pltpu.SemaphoreType.DMA for _ in range(NBUF)],
        ],
        compiler_params=pltpu.CompilerParams(use_tc_tiling_on_sc=False),
    )
    def k(idx_hbm, table_hbm, out_hbm, idx_v, rows, semg, semw):
        wid = lax.axis_index("s") * 2 + lax.axis_index("c")
        base = wid * rows_per_w

        def start_gather(c, p):
            for k_ in range(CB):
                pltpu.async_copy(
                    table_hbm.at[idx_v.at[c * CB + k_]], rows[p].at[k_], semg[p]
                )

        def wait_gather(c, p):
            for k_ in range(CB):
                pltpu.make_async_copy(
                    table_hbm.at[idx_v.at[c * CB + k_]], rows[p].at[k_], semg[p]
                ).wait()

        def start_write(c, p):
            pltpu.async_copy(
                rows[p], out_hbm.at[pl.ds(base + c * CB, CB)], semw[p]
            )

        def wait_write(c, p):
            pltpu.make_async_copy(
                rows[p], out_hbm.at[pl.ds(base + c * CB, CB)], semw[p]
            ).wait()

        pltpu.sync_copy(idx_hbm.at[pl.ds(base, rows_per_w)], idx_v)

        for p in range(NBUF):
            start_gather(p, p)
            if p >= 2:
                wait_gather(p - 2, p - 2)
                start_write(p - 2, p - 2)

        def body(g, carry):
            for p in range(NBUF):
                c = g * NBUF + p
                wait_write(c - NBUF, p)
                start_gather(c, p)
                wait_gather(c - 2, (p - 2) % NBUF)
                start_write(c - 2, (p - 2) % NBUF)
            return carry

        lax.fori_loop(1, n_groups, body, 0)

        n = n_chunks
        for c in (n - 2, n - 1):
            p = c % NBUF
            wait_gather(c, p)
            start_write(c, p)
        for p in range(NBUF):
            wait_write(n - NBUF + p, p)

    return k(indices, table)


def kernel(indices, table):
    b, h = indices.shape
    v, d = table.shape
    return _gather_rows(indices, table, b, h, d)

# --- scband reference (transcript-rebuilt; emitter-appended) ---
"""Pipeline reference for scband-dummy-embed-host-34694745817469 (READ-ONLY COPY).

The authoritative reference and input builder live on the scoring server;
editing this copy changes nothing except your own understanding.
"""

import jax, jax.numpy as jnp
import numpy as np

VOCAB = 1000000
DIM = 64
BATCH = 16384
HIST = 50

def setup_inputs(seed: int = 0) -> dict:
    key = jax.random.key(seed)
    k_idx, k_tab = jax.random.split(key)
    indices = jax.random.randint(k_idx, (BATCH, HIST), 0, VOCAB, dtype=jnp.int64 if jax.config.jax_enable_x64 else jnp.int32)
    table = jax.random.normal(k_tab, (VOCAB, DIM), dtype=jnp.float32)
    return {"indices": indices, "table": table}

def reference(indices, table):
    # nn.Embedding forward: row gather from the embedding table
    return jnp.take(table, indices, axis=0)

if __name__ == "__main__":
    import jax
    _d = setup_inputs()
    print(jax.jit(kernel)(*tuple(_d.values())))

</pallas_src>

<mosaic_0001>
#map = affine_map<(d0, d1) -> (0, 0)>
#map1 = affine_map<(d0, d1) -> (0, 0, 0)>
module attributes {stable_mosaic.version = 14 : i64} {
  func.func @k(%arg0: i32, %arg1: i32, %arg2: memref<16384x50xi32, #tpu.memory_space<hbm>>, %arg3: memref<1000000x64xf32, #tpu.memory_space<hbm>>, %arg4: memref<16384x50x64xf32, #tpu.memory_space<hbm>>, %arg5: memref<512x50xi32, #tpu.memory_space<vmem>>, %arg6: memref<8x50x64xf32, #tpu.memory_space<vmem>>, %arg7: memref<8x50x64xf32, #tpu.memory_space<vmem>>, %arg8: memref<8x50x64xf32, #tpu.memory_space<vmem>>, %arg9: memref<8x50x64xf32, #tpu.memory_space<vmem>>, %arg10: memref<!tpu.dma_semaphore, #tpu.memory_space<semaphore_mem>>, %arg11: memref<!tpu.dma_semaphore, #tpu.memory_space<semaphore_mem>>, %arg12: memref<!tpu.dma_semaphore, #tpu.memory_space<semaphore_mem>>, %arg13: memref<!tpu.dma_semaphore, #tpu.memory_space<semaphore_mem>>, %arg14: memref<!tpu.dma_semaphore, #tpu.memory_space<semaphore_mem>>, %arg15: memref<!tpu.dma_semaphore, #tpu.memory_space<semaphore_mem>>, %arg16: memref<!tpu.dma_semaphore, #tpu.memory_space<semaphore_mem>>, %arg17: memref<!tpu.dma_semaphore, #tpu.memory_space<semaphore_mem>>) attributes {dimension_semantics = [#tpu.dimension_semantics<core_parallel>, #tpu.dimension_semantics<subcore_parallel>], iteration_bounds = array<i64: 2, 16>, scalar_prefetch = 0 : i64, scratch_operands = 13 : i64, tpu.core_type = #tpu.core_type<sc_vector_subcore>, window_params = [{transform_indices = #map}, {transform_indices = #map}, {transform_indices = #map1}]} {
    %mul3A = arith.constant 2 : i32
    %mul3A_0 = arith.muli %arg1, %mul3A : i32
    %add3A = arith.addi %mul3A_0, %arg0 : i32
    %mul3A_1 = arith.constant 512 : i32
    %mul3A_2 = arith.muli %add3A, %mul3A_1 : i32
    "tpu.region"() ({
      %run_scoped3A = tpu.sem_alloc : memref<!tpu.dma_semaphore, #tpu.memory_space<semaphore_mem>>
      %dma_start3A_838 = arith.constant 0 : i32
      %dma_start3A_839 = tpu.memref_slice %arg2[%mul3A_2, %dma_start3A_838] : memref<16384x50xi32, #tpu.memory_space<hbm>> -> memref<512x50xi32, #tpu.memory_space<hbm>>
      %dma_start3A_840 = arith.constant 0 : i32
      %dma_start3A_841 = tpu.memref_slice %arg2[%mul3A_2, %dma_start3A_840] : memref<16384x50xi32, #tpu.memory_space<hbm>> -> memref<512x50xi32, #tpu.memory_space<hbm>>
      tpu.enqueue_dma source(%dma_start3A_841 : memref<512x50xi32, #tpu.memory_space<hbm>>) target(%arg5 : memref<512x50xi32, #tpu.memory_space<vmem>>) target_semaphore(%run_scoped3A : memref<!tpu.dma_semaphore, #tpu.memory_space<semaphore_mem>>)
      %dma_wait3A_842 = arith.constant 0 : i32
      %dma_wait3A_843 = tpu.memref_slice %arg2[%mul3A_2, %dma_wait3A_842] : memref<16384x50xi32, #tpu.memory_space<hbm>> -> memref<512x50xi32, #tpu.memory_space<hbm>>
      %dma_wait3A_844 = arith.constant 0 : i32
      %dma_wait3A_845 = tpu.memref_slice %arg2[%mul3A_2, %dma_wait3A_844] : memref<16384x50xi32, #tpu.memory_space<hbm>> -> memref<512x50xi32, #tpu.memory_space<hbm>>
      tpu.wait_dma2 semaphore(%run_scoped3A : memref<!tpu.dma_semaphore, #tpu.memory_space<semaphore_mem>>) src(%dma_wait3A_845 : memref<512x50xi32, #tpu.memory_space<hbm>>) dst(%arg5 : memref<512x50xi32, #tpu.memory_space<vmem>>)
      tpu.yield
    }) : () -> ()
    %dma_start3A = arith.constant 0 : i32
    %dma_start3A_3 = arith.constant 0 : i32
    %dma_start3A_4 = arith.constant 0 : i32
    %dma_start3A_5 = arith.constant 0 : i32
    %dma_start3A_6 = tpu.memref_slice %arg6[%dma_start3A_3, %dma_start3A_4, %dma_start3A_5] : memref<8x50x64xf32, #tpu.memory_space<vmem>> -> memref<1x50x64xf32, #tpu.memory_space<vmem>>
    %dma_start3A_7 = tpu.memref_squeeze %dma_start3A_6 : memref<1x50x64xf32, #tpu.memory_space<vmem>> -> memref<50x64xf32, #tpu.memory_space<vmem>>
    %dma_start3A_8 = arith.constant 0 : i32
    %dma_start3A_9 = tpu.memref_slice %arg5[%dma_start3A, %dma_start3A_8] : memref<512x50xi32, #tpu.memory_space<vmem>> -> memref<1x50xi32, #tpu.memory_space<vmem>>
    %dma_start3A_10 = tpu.memref_squeeze %dma_start3A_9 : memref<1x50xi32, #tpu.memory_space<vmem>> -> memref<50xi32, #tpu.memory_space<vmem>>
    %dma_start3A_11 = arith.constant 0 : i32
    %dma_start3A_12 = arith.constant 0 : i32
    %dma_start3A_13 = tpu.memref_slice %arg3[%dma_start3A_11, %dma_start3A_12] : memref<1000000x64xf32, #tpu.memory_space<hbm>> -> memref<1000000x64xf32, #tpu.memory_space<hbm>>
    tpu.enqueue_indirect_dma source(%dma_start3A_13 : memref<1000000x64xf32, #tpu.memory_space<hbm>>) target(%dma_start3A_7 : memref<50x64xf32, #tpu.memory_space<vmem>>) offsets(%dma_start3A_10 : memref<50xi32, #tpu.memory_space<vmem>>) semaphore(%arg10 : memref<!tpu.dma_semaphore, #tpu.memory_space<semaphore_mem>>)
    %dma_start3A_14 = arith.constant 1 : i32
    %dma_start3A_15 = arith.constant 1 : i32
    %dma_start3A_16 = arith.constant 0 : i32
    %dma_start3A_17 = arith.constant 0 : i32
    %dma_start3A_18 = tpu.memref_slice %arg6[%dma_start3A_15, %dma_start3A_16, %dma_start3A_17] : memref<8x50x64xf32, #tpu.memory_space<vmem>> -> memref<1x50x64xf32, #tpu.memory_space<vmem>>
    %dma_start3A_19 = tpu.memref_squeeze %dma_start3A_18 : memref<1x50x64xf32, #tpu.memory_space<vmem>> -> memref<50x64xf32, #tpu.memory_space<vmem>>
    %dma_start3A_20 = arith.constant 0 : i32
    %dma_start3A_21 = tpu.memref_slice %arg5[%dma_start3A_14, %dma_start3A_20] : memref<512x50xi32, #tpu.memory_space<vmem>> -> memref<1x50xi32, #tpu.memory_space<vmem>>
    %dma_start3A_22 = tpu.memref_squeeze %dma_start3A_21 : memref<1x50xi32, #tpu.memory_space<vmem>> -> memref<50xi32, #tpu.memory_space<vmem>>
    %dma_start3A_23 = arith.constant 0 : i32
    %dma_start3A_24 = arith.constant 0 : i32
    %dma_start3A_25 = tpu.memref_slice %arg3[%dma_start3A_23, %dma_start3A_24] : memref<1000000x64xf32, #tpu.memory_space<hbm>> -> memref<1000000x64xf32, #tpu.memory_space<hbm>>
    tpu.enqueue_indirect_dma source(%dma_start3A_25 : memref<1000000x64xf32, #tpu.memory_space<hbm>>) target(%dma_start3A_19 : memref<50x64xf32, #tpu.memory_space<vmem>>) offsets(%dma_start3A_22 : memref<50xi32, #tpu.memory_space<vmem>>) semaphore(%arg10 : memref<!tpu.dma_semaphore, #tpu.memory_space<semaphore_mem>>)
    %dma_start3A_26 = arith.constant 2 : i32
    %dma_start3A_27 = arith.constant 2 : i32
    %dma_start3A_28 = arith.constant 0 : i32
    %dma_start3A_29 = arith.constant 0 : i32
    %dma_start3A_30 = tpu.memref_slice %arg6[%dma_start3A_27, %dma_start3A_28, %dma_start3A_29] : memref<8x50x64xf32, #tpu.memory_space<vmem>> -> memref<1x50x64xf32, #tpu.memory_space<vmem>>
    %dma_start3A_31 = tpu.memref_squeeze %dma_start3A_30 : memref<1x50x64xf32, #tpu.memory_space<vmem>> -> memref<50x64xf32, #tpu.memory_space<vmem>>
    %dma_start3A_32 = arith.constant 0 : i32
    %dma_start3A_33 = tpu.memref_slice %arg5[%dma_start3A_26, %dma_start3A_32] : memref<512x50xi32, #tpu.memory_space<vmem>> -> memref<1x50xi32, #tpu.memory_space<vmem>>
    %dma_start3A_34 = tpu.memref_squeeze %dma_start3A_33 : memref<1x50xi32, #tpu.memory_space<vmem>> -> memref<50xi32, #tpu.memory_space<vmem>>
    %dma_start3A_35 = arith.constant 0 : i32
    %dma_start3A_36 = arith.constant 0 : i32
    %dma_start3A_37 = tpu.memref_slice %arg3[%dma_start3A_35, %dma_start3A_36] : memref<1000000x64xf32, #tpu.memory_space<hbm>> -> memref<1000000x64xf32, #tpu.memory_space<hbm>>
    tpu.enqueue_indirect_dma source(%dma_start3A_37 : memref<1000000x64xf32, #tpu.memory_space<hbm>>) target(%dma_start3A_31 : memref<50x64xf32, #tpu.memory_space<vmem>>) offsets(%dma_start3A_34 : memref<50xi32, #tpu.memory_space<vmem>>) semaphore(%arg10 : memref<!tpu.dma_semaphore, #tpu.memory_space<semaphore_mem>>)
    %dma_start3A_38 = arith.constant 3 : i32
    %dma_start3A_39 = arith.constant 3 : i32
    %dma_start3A_40 = arith.constant 0 : i32
    %dma_start3A_41 = arith.constant 0 : i32
    %dma_start3A_42 = tpu.memref_slice %arg6[%dma_start3A_39, %dma_start3A_40, %dma_start3A_41] : memref<8x50x64xf32, #tpu.memory_space<vmem>> -> memref<1x50x64xf32, #tpu.memory_space<vmem>>
    %dma_start3A_43 = tpu.memref_squeeze %dma_start3A_42 : memref<1x50x64xf32, #tpu.memory_space<vmem>> -> memref<50x64xf32, #tpu.memory_space<vmem>>
    %dma_start3A_44 = arith.constant 0 : i32
    %dma_start3A_45 = tpu.memref_slice %arg5[%dma_start3A_38, %dma_start3A_44] : memref<512x50xi32, #tpu.memory_space<vmem>> -> memref<1x50xi32, #tpu.memory_space<vmem>>
    %dma_start3A_46 = tpu.memref_squeeze %dma_start3A_45 : memref<1x50xi32, #tpu.memory_space<vmem>> -> memref<50xi32, #tpu.memory_space<vmem>>
    %dma_start3A_47 = arith.constant 0 : i32
    %dma_start3A_48 = arith.constant 0 : i32
    %dma_start3A_49 = tpu.memref_slice %arg3[%dma_start3A_47, %dma_start3A_48] : memref<1000000x64xf32, #tpu.memory_space<hbm>> -> memref<1000000x64xf32, #tpu.memory_space<hbm>>
    tpu.enqueue_indirect_dma source(%dma_start3A_49 : memref<1000000x64xf32, #tpu.memory_space<hbm>>) target(%dma_start3A_43 : memref<50x64xf32, #tpu.memory_space<vmem>>) offsets(%dma_start3A_46 : memref<50xi32, #tpu.memory_space<vmem>>) semaphore(%arg10 : memref<!tpu.dma_semaphore, #tpu.memory_space<semaphore_mem>>)
    %dma_start3A_50 = arith.constant 4 : i32
    %dma_start3A_51 = arith.constant 4 : i32
    %dma_start3A_52 = arith.constant 0 : i32
    %dma_start3A_53 = arith.constant 0 : i32
    %dma_start3A_54 = tpu.memref_slice %arg6[%dma_start3A_51, %dma_start3A_52, %dma_start3A_53] : memref<8x50x64xf32, #tpu.memory_space<vmem>> -> memref<1x50x64xf32, #tpu.memory_space<vmem>>
    %dma_start3A_55 = tpu.memref_squeeze %dma_start3A_54 : memref<1x50x64xf32, #tpu.memory_space<vmem>> -> memref<50x64xf32, #tpu.memory_space<vmem>>
    %dma_start3A_56 = arith.constant 0 : i32
    %dma_start3A_57 = tpu.memref_slice %arg5[%dma_start3A_50, %dma_start3A_56] : memref<512x50xi32, #tpu.memory_space<vmem>> -> memref<1x50xi32, #tpu.memory_space<vmem>>
    %dma_start3A_58 = tpu.memref_squeeze %dma_start3A_57 : memref<1x50xi32, #tpu.memory_space<vmem>> -> memref<50xi32, #tpu.memory_space<vmem>>
    %dma_start3A_59 = arith.constant 0 : i32
    %dma_start3A_60 = arith.constant 0 : i32
    %dma_start3A_61 = tpu.memref_slice %arg3[%dma_start3A_59, %dma_start3A_60] : memref<1000000x64xf32, #tpu.memory_space<hbm>> -> memref<1000000x64xf32, #tpu.memory_space<hbm>>
    tpu.enqueue_indirect_dma source(%dma_start3A_61 : memref<1000000x64xf32, #tpu.memory_space<hbm>>) target(%dma_start3A_55 : memref<50x64xf32, #tpu.memory_space<vmem>>) offsets(%dma_start3A_58 : memref<50xi32, #tpu.memory_space<vmem>>) semaphore(%arg10 : memref<!tpu.dma_semaphore, #tpu.memory_space<semaphore_mem>>)
    %dma_start3A_62 = arith.constant 5 : i32
    %dma_start3A_63 = arith.constant 5 : i32
    %dma_start3A_64 = arith.constant 0 : i32
    %dma_start3A_65 = arith.constant 0 : i32
    %dma_start3A_66 = tpu.memref_slice %arg6[%dma_start3A_63, %dma_start3A_64, %dma_start3A_65] : memref<8x50x64xf32, #tpu.memory_space<vmem>> -> memref<1x50x64xf32, #tpu.memory_space<vmem>>
    %dma_start3A_67 = tpu.memref_squeeze %dma_start3A_66 : memref<1x50x64xf32, #tpu.memory_space<vmem>> -> memref<50x64xf32, #tpu.memory_space<vmem>>
    %dma_start3A_68 = arith.constant 0 : i32
    %dma_start3A_69 = tpu.memref_slice %arg5[%dma_start3A_62, %dma_start3A_68] : memref<512x50xi32, #tpu.memory_space<vmem>> -> memref<1x50xi32, #tpu.memory_space<vmem>>
    %dma_start3A_70 = tpu.memref_squeeze %dma_start3A_69 : memref<1x50xi32, #tpu.memory_space<vmem>> -> memref<50xi32, #tpu.memory_space<vmem>>
    %dma_start3A_71 = arith.constant 0 : i32
    %dma_start3A_72 = arith.constant 0 : i32
    %dma_start3A_73 = tpu.memref_slice %arg3[%dma_start3A_71, %dma_start3A_72] : memref<1000000x64xf32, #tpu.memory_space<hbm>> -> memref<1000000x64xf32, #tpu.memory_space<hbm>>
    tpu.enqueue_indirect_dma source(%dma_start3A_73 : memref<1000000x64xf32, #tpu.memory_space<hbm>>) target(%dma_start3A_67 : memref<50x64xf32, #tpu.memory_space<vmem>>) offsets(%dma_start3A_70 : memref<50xi32, #tpu.memory_space<vmem>>) semaphore(%arg10 : memref<!tpu.dma_semaphore, #tpu.memory_space<semaphore_mem>>)
    %dma_start3A_74 = arith.constant 6 : i32
    %dma_start3A_75 = arith.constant 6 : i32
    %dma_start3A_76 = arith.constant 0 : i32
    %dma_start3A_77 = arith.constant 0 : i32
    %dma_start3A_78 = tpu.memref_slice %arg6[%dma_start3A_75, %dma_start3A_76, %dma_start3A_77] : memref<8x50x64xf32, #tpu.memory_space<vmem>> -> memref<1x50x64xf32, #tpu.memory_space<vmem>>
    %dma_start3A_79 = tpu.memref_squeeze %dma_start3A_78 : memref<1x50x64xf32, #tpu.memory_space<vmem>> -> memref<50x64xf32, #tpu.memory_space<vmem>>
    %dma_start3A_80 = arith.constant 0 : i32
    %dma_start3A_81 = tpu.memref_slice %arg5[%dma_start3A_74, %dma_start3A_80] : memref<512x50xi32, #tpu.memory_space<vmem>> -> memref<1x50xi32, #tpu.memory_space<vmem>>
    %dma_start3A_82 = tpu.memref_squeeze %dma_start3A_81 : memref<1x50xi32, #tpu.memory_space<vmem>> -> memref<50xi32, #tpu.memory_space<vmem>>
    %dma_start3A_83 = arith.constant 0 : i32
    %dma_start3A_84 = arith.constant 0 : i32
    %dma_start3A_85 = tpu.memref_slice %arg3[%dma_start3A_83, %dma_start3A_84] : memref<1000000x64xf32, #tpu.memory_space<hbm>> -> memref<1000000x64xf32, #tpu.memory_space<hbm>>
    tpu.enqueue_indirect_dma source(%dma_start3A_85 : memref<1000000x64xf32, #tpu.memory_space<hbm>>) target(%dma_start3A_79 : memref<50x64xf32, #tpu.memory_space<vmem>>) offsets(%dma_start3A_82 : memref<50xi32, #tpu.memory_space<vmem>>) semaphore(%arg10 : memref<!tpu.dma_semaphore, #tpu.memory_space<semaphore_mem>>)
    %dma_start3A_86 = arith.constant 7 : i32
    %dma_start3A_87 = arith.constant 7 : i32
    %dma_start3A_88 = arith.constant 0 : i32
    %dma_start3A_89 = arith.constant 0 : i32
    %dma_start3A_90 = tpu.memref_slice %arg6[%dma_start3A_87, %dma_start3A_88, %dma_start3A_89] : memref<8x50x64xf32, #tpu.memory_space<vmem>> -> memref<1x50x64xf32, #tpu.memory_space<vmem>>
    %dma_start3A_91 = tpu.memref_squeeze %dma_start3A_90 : memref<1x50x64xf32, #tpu.memory_space<vmem>> -> memref<50x64xf32, #tpu.memory_space<vmem>>
    %dma_start3A_92 = arith.constant 0 : i32
    %dma_start3A_93 = tpu.memref_slice %arg5[%dma_start3A_86, %dma_start3A_92] : memref<512x50xi32, #tpu.memory_space<vmem>> -> memref<1x50xi32, #tpu.memory_space<vmem>>
    %dma_start3A_94 = tpu.memref_squeeze %dma_start3A_93 : memref<1x50xi32, #tpu.memory_space<vmem>> -> memref<50xi32, #tpu.memory_space<vmem>>
    %dma_start3A_95 = arith.constant 0 : i32
    %dma_start3A_96 = arith.constant 0 : i32
    %dma_start3A_97 = tpu.memref_slice %arg3[%dma_start3A_95, %dma_start3A_96] : memref<1000000x64xf32, #tpu.memory_space<hbm>> -> memref<1000000x64xf32, #tpu.memory_space<hbm>>
    tpu.enqueue_indirect_dma source(%dma_start3A_97 : memref<1000000x64xf32, #tpu.memory_space<hbm>>) target(%dma_start3A_91 : memref<50x64xf32, #tpu.memory_space<vmem>>) offsets(%dma_start3A_94 : memref<50xi32, #tpu.memory_space<vmem>>) semaphore(%arg10 : memref<!tpu.dma_semaphore, #tpu.memory_space<semaphore_mem>>)
    %dma_start3A_98 = arith.constant 8 : i32
    %dma_start3A_99 = arith.constant 0 : i32
    %dma_start3A_100 = arith.constant 0 : i32
    %dma_start3A_101 = arith.constant 0 : i32
    %dma_start3A_102 = tpu.memref_slice %arg7[%dma_start3A_99, %dma_start3A_100, %dma_start3A_101] : memref<8x50x64xf32, #tpu.memory_space<vmem>> -> memref<1x50x64xf32, #tpu.memory_space<vmem>>
    %dma_start3A_103 = tpu.memref_squeeze %dma_start3A_102 : memref<1x50x64xf32, #tpu.memory_space<vmem>> -> memref<50x64xf32, #tpu.memory_space<vmem>>
    %dma_start3A_104 = arith.constant 0 : i32
    %dma_start3A_105 = tpu.memref_slice %arg5[%dma_start3A_98, %dma_start3A_104] : memref<512x50xi32, #tpu.memory_space<vmem>> -> memref<1x50xi32, #tpu.memory_space<vmem>>
    %dma_start3A_106 = tpu.memref_squeeze %dma_start3A_105 : memref<1x50xi32, #tpu.memory_space<vmem>> -> memref<50xi32, #tpu.memory_space<vmem>>
    %dma_start3A_107 = arith.constant 0 : i32
    %dma_start3A_108 = arith.constant 0 : i32
    %dma_start3A_109 = tpu.memref_slice %arg3[%dma_start3A_107, %dma_start3A_108] : memref<1000000x64xf32, #tpu.memory_space<hbm>> -> memref<1000000x64xf32, #tpu.memory_space<hbm>>
    tpu.enqueue_indirect_dma source(%dma_start3A_109 : memref<1000000x64xf32, #tpu.memory_space<hbm>>) target(%dma_start3A_103 : memref<50x64xf32, #tpu.memory_space<vmem>>) offsets(%dma_start3A_106 : memref<50xi32, #tpu.memory_space<vmem>>) semaphore(%arg11 : memref<!tpu.dma_semaphore, #tpu.memory_space<semaphore_mem>>)
    %dma_start3A_110 = arith.constant 9 : i32
    %dma_start3A_111 = arith.constant 1 : i32
    %dma_start3A_112 = arith.constant 0 : i32
    %dma_start3A_113 = arith.constant 0 : i32
    %dma_start3A_114 = tpu.memref_slice %arg7[%dma_start3A_111, %dma_start3A_112, %dma_start3A_113] : memref<8x50x64xf32, #tpu.memory_space<vmem>> -> memref<1x50x64xf32, #tpu.memory_space<vmem>>
    %dma_start3A_115 = tpu.memref_squeeze %dma_start3A_114 : memref<1x50x64xf32, #tpu.memory_space<vmem>> -> memref<50x64xf32, #tpu.memory_space<vmem>>
    %dma_start3A_116 = arith.constant 0 : i32
    %dma_start3A_117 = tpu.memref_slice %arg5[%dma_start3A_110, %dma_start3A_116] : memref<512x50xi32, #tpu.memory_space<vmem>> -> memref<1x50xi32, #tpu.memory_space<vmem>>
    %dma_start3A_118 = tpu.memref_squeeze %dma_start3A_117 : memref<1x50xi32, #tpu.memory_space<vmem>> -> memref<50xi32, #tpu.memory_space<vmem>>
    %dma_start3A_119 = arith.constant 0 : i32
    %dma_start3A_120 = arith.constant 0 : i32
    %dma_start3A_121 = tpu.memref_slice %arg3[%dma_start3A_119, %dma_start3A_120] : memref<1000000x64xf32, #tpu.memory_space<hbm>> -> memref<1000000x64xf32, #tpu.memory_space<hbm>>
    tpu.enqueue_indirect_dma source(%dma_start3A_121 : memref<1000000x64xf32, #tpu.memory_space<hbm>>) target(%dma_start3A_115 : memref<50x64xf32, #tpu.memory_space<vmem>>) offsets(%dma_start3A_118 : memref<50xi32, #tpu.memory_space<vmem>>) semaphore(%arg11 : memref<!tpu.dma_semaphore, #tpu.memory_space<semaphore_mem>>)
    %dma_start3A_122 = arith.constant 10 : i32
    %dma_start3A_123 = arith.constant 2 : i32
    %dma_start3A_124 = arith.constant 0 : i32
    %dma_start3A_125 = arith.constant 0 : i32
    %dma_start3A_126 = tpu.memref_slice %arg7[%dma_start3A_123, %dma_start3A_124, %dma_start3A_125] : memref<8x50x64xf32, #tpu.memory_space<vmem>> -> memref<1x50x64xf32, #tpu.memory_space<vmem>>
    %dma_start3A_127 = tpu.memref_squeeze %dma_start3A_126 : memref<1x50x64xf32, #tpu.memory_space<vmem>> -> memref<50x64xf32, #tpu.memory_space<vmem>>
    %dma_start3A_128 = arith.constant 0 : i32
    %dma_start3A_129 = tpu.memref_slice %arg5[%dma_start3A_122, %dma_start3A_128] : memref<512x50xi32, #tpu.memory_space<vmem>> -> memref<1x50xi32, #tpu.memory_space<vmem>>
    %dma_start3A_130 = tpu.memref_squeeze %dma_start3A_129 : memref<1x50xi32, #tpu.memory_space<vmem>> -> memref<50xi32, #tpu.memory_space<vmem>>
    %dma_start3A_131 = arith.constant 0 : i32
    %dma_start3A_132 = arith.constant 0 : i32
    %dma_start3A_133 = tpu.memref_slice %arg3[%dma_start3A_131, %dma_start3A_132] : memref<1000000x64xf32, #tpu.memory_space<hbm>> -> memref<1000000x64xf32, #tpu.memory_space<hbm>>
    tpu.enqueue_indirect_dma source(%dma_start3A_133 : memref<1000000x64xf32, #tpu.memory_space<hbm>>) target(%dma_start3A_127 : memref<50x64xf32, #tpu.memory_space<vmem>>) offsets(%dma_start3A_130 : memref<50xi32, #tpu.memory_space<vmem>>) semaphore(%arg11 : memref<!tpu.dma_semaphore, #tpu.memory_space<semaphore_mem>>)
    %dma_start3A_134 = arith.constant 11 : i32
    %dma_start3A_135 = arith.constant 3 : i32
    %dma_start3A_136 = arith.constant 0 : i32
    %dma_start3A_137 = arith.constant 0 : i32
    %dma_start3A_138 = tpu.memref_slice %arg7[%dma_start3A_135, %dma_start3A_136, %dma_start3A_137] : memref<8x50x64xf32, #tpu.memory_space<vmem>> -> memref<1x50x64xf32, #tpu.memory_space<vmem>>
    %dma_start3A_139 = tpu.memref_squeeze %dma_start3A_138 : memref<1x50x64xf32, #tpu.memory_space<vmem>> -> memref<50x64xf32, #tpu.memory_space<vmem>>
    %dma_start3A_140 = arith.constant 0 : i32
    %dma_start3A_141 = tpu.memref_slice %arg5[%dma_start3A_134, %dma_start3A_140] : memref<512x50xi32, #tpu.memory_space<vmem>> -> memref<1x50xi32, #tpu.memory_space<vmem>>
    %dma_start3A_142 = tpu.memref_squeeze %dma_start3A_141 : memref<1x50xi32, #tpu.memory_space<vmem>> -> memref<50xi32, #tpu.memory_space<vmem>>
    %dma_start3A_143 = arith.constant 0 : i32
    %dma_start3A_144 = arith.constant 0 : i32
    %dma_start3A_145 = tpu.memref_slice %arg3[%dma_start3A_143, %dma_start3A_144] : memref<1000000x64xf32, #tpu.memory_space<hbm>> -> memref<1000000x64xf32, #tpu.memory_space<hbm>>
    tpu.enqueue_indirect_dma source(%dma_start3A_145 : memref<1000000x64xf32, #tpu.memory_space<hbm>>) target(%dma_start3A_139 : memref<50x64xf32, #tpu.memory_space<vmem>>) offsets(%dma_start3A_142 : memref<50xi32, #tpu.memory_space<vmem>>) semaphore(%arg11 : memref<!tpu.dma_semaphore, #tpu.memory_space<semaphore_mem>>)
    %dma_start3A_146 = arith.constant 12 : i32
    %dma_start3A_147 = arith.constant 4 : i32
    %dma_start3A_148 = arith.constant 0 : i32
    %dma_start3A_149 = arith.constant 0 : i32
    %dma_start3A_150 = tpu.memref_slice %arg7[%dma_start3A_147, %dma_start3A_148, %dma_start3A_149] : memref<8x50x64xf32, #tpu.memory_space<vmem>> -> memref<1x50x64xf32, #tpu.memory_space<vmem>>
    %dma_start3A_151 = tpu.memref_squeeze %dma_start3A_150 : memref<1x50x64xf32, #tpu.memory_space<vmem>> -> memref<50x64xf32, #tpu.memory_space<vmem>>
    %dma_start3A_152 = arith.constant 0 : i32
    %dma_start3A_153 = tpu.memref_slice %arg5[%dma_start3A_146, %dma_start3A_152] : memref<512x50xi32, #tpu.memory_space<vmem>> -> memref<1x50xi32, #tpu.memory_space<vmem>>
    %dma_start3A_154 = tpu.memref_squeeze %dma_start3A_153 : memref<1x50xi32, #tpu.memory_space<vmem>> -> memref<50xi32, #tpu.memory_space<vmem>>
    %dma_start3A_155 = arith.constant 0 : i32
    %dma_start3A_156 = arith.constant 0 : i32
    %dma_start3A_157 = tpu.memref_slice %arg3[%dma_start3A_155, %dma_start3A_156] : memref<1000000x64xf32, #tpu.memory_space<hbm>> -> memref<1000000x64xf32, #tpu.memory_space<hbm>>
    tpu.enqueue_indirect_dma source(%dma_start3A_157 : memref<1000000x64xf32, #tpu.memory_space<hbm>>) target(%dma_start3A_151 : memref<50x64xf32, #tpu.memory_space<vmem>>) offsets(%dma_start3A_154 : memref<50xi32, #tpu.memory_space<vmem>>) semaphore(%arg11 : memref<!tpu.dma_semaphore, #tpu.memory_space<semaphore_mem>>)
    %dma_start3A_158 = arith.constant 13 : i32
    %dma_start3A_159 = arith.constant 5 : i32
    %dma_start3A_160 = arith.constant 0 : i32
    %dma_start3A_161 = arith.constant 0 : i32
    %dma_start3A_162 = tpu.memref_slice %arg7[%dma_start3A_159, %dma_start3A_160, %dma_start3A_161] : memref<8x50x64xf32, #tpu.memory_space<vmem>> -> memref<1x50x64xf32, #tpu.memory_space<vmem>>
    %dma_start3A_163 = tpu.memref_squeeze %dma_start3A_162 : memref<1x50x64xf32, #tpu.memory_space<vmem>> -> memref<50x64xf32, #tpu.memory_space<vmem>>
    %dma_start3A_164 = arith.constant 0 : i32
    %dma_start3A_165 = tpu.memref_slice %arg5[%dma_start3A_158, %dma_start3A_164] : memref<512x50xi32, #tpu.memory_space<vmem>> -> memref<1x50xi32, #tpu.memory_space<vmem>>
    %dma_start3A_166 = tpu.memref_squeeze %dma_start3A_165 : memref<1x50xi32, #tpu.memory_space<vmem>> -> memref<50xi32, #tpu.memory_space<vmem>>
    %dma_start3A_167 = arith.constant 0 : i32
    %dma_start3A_168 = arith.constant 0 : i32
    %dma_start3A_169 = tpu.memref_slice %arg3[%dma_start3A_167, %dma_start3A_168] : memref<1000000x64xf32, #tpu.memory_space<hbm>> -> memref<1000000x64xf32, #tpu.memory_space<hbm>>
    tpu.enqueue_indirect_dma source(%dma_start3A_169 : memref<1000000x64xf32, #tpu.memory_space<hbm>>) target(%dma_start3A_163 : memref<50x64xf32, #tpu.memory_space<vmem>>) offsets(%dma_start3A_166 : memref<50xi32, #tpu.memory_space<vmem>>) semaphore(%arg11 : memref<!tpu.dma_semaphore, #tpu.memory_space<semaphore_mem>>)
    %dma_start3A_170 = arith.constant 14 : i32
    %dma_start3A_171 = arith.constant 6 : i32
    %dma_start3A_172 = arith.constant 0 : i32
    %dma_start3A_173 = arith.constant 0 : i32
    %dma_start3A_174 = tpu.memref_slice %arg7[%dma_start3A_171, %dma_start3A_172, %dma_start3A_173] : memref<8x50x64xf32, #tpu.memory_space<vmem>> -> memref<1x50x64xf32, #tpu.memory_space<vmem>>
    %dma_start3A_175 = tpu.memref_squeeze %dma_start3A_174 : memref<1x50x64xf32, #tpu.memory_space<vmem>> -> memref<50x64xf32, #tpu.memory_space<vmem>>
    %dma_start3A_176 = arith.constant 0 : i32
    %dma_start3A_177 = tpu.memref_slice %arg5[%dma_start3A_170, %dma_start3A_176] : memref<512x50xi32, #tpu.memory_space<vmem>> -> memref<1x50xi32, #tpu.memory_space<vmem>>
    %dma_start3A_178 = tpu.memref_squeeze %dma_start3A_177 : memref<1x50xi32, #tpu.memory_space<vmem>> -> memref<50xi32, #tpu.memory_space<vmem>>
    %dma_start3A_179 = arith.constant 0 : i32
    %dma_start3A_180 = arith.constant 0 : i32
    %dma_start3A_181 = tpu.memref_slice %arg3[%dma_start3A_179, %dma_start3A_180] : memref<1000000x64xf32, #tpu.memory_space<hbm>> -> memref<1000000x64xf32, #tpu.memory_space<hbm>>
    tpu.enqueue_indirect_dma source(%dma_start3A_181 : memref<1000000x64xf32, #tpu.memory_space<hbm>>) target(%dma_start3A_175 : memref<50x64xf32, #tpu.memory_space<vmem>>) offsets(%dma_start3A_178 : memref<50xi32, #tpu.memory_space<vmem>>) semaphore(%arg11 : memref<!tpu.dma_semaphore, #tpu.memory_space<semaphore_mem>>)
    %dma_start3A_182 = arith.constant 15 : i32
    %dma_start3A_183 = arith.constant 7 : i32
    %dma_start3A_184 = arith.constant 0 : i32
    %dma_start3A_185 = arith.constant 0 : i32
    %dma_start3A_186 = tpu.memref_slice %arg7[%dma_start3A_183, %dma_start3A_184, %dma_start3A_185] : memref<8x50x64xf32, #tpu.memory_space<vmem>> -> memref<1x50x64xf32, #tpu.memory_space<vmem>>
    %dma_start3A_187 = tpu.memref_squeeze %dma_start3A_186 : memref<1x50x64xf32, #tpu.memory_space<vmem>> -> memref<50x64xf32, #tpu.memory_space<vmem>>
    %dma_start3A_188 = arith.constant 0 : i32
    %dma_start3A_189 = tpu.memref_slice %arg5[%dma_start3A_182, %dma_start3A_188] : memref<512x50xi32, #tpu.memory_space<vmem>> -> memref<1x50xi32, #tpu.memory_space<vmem>>
    %dma_start3A_190 = tpu.memref_squeeze %dma_start3A_189 : memref<1x50xi32, #tpu.memory_space<vmem>> -> memref<50xi32, #tpu.memory_space<vmem>>
    %dma_start3A_191 = arith.constant 0 : i32
    %dma_start3A_192 = arith.constant 0 : i32
    %dma_start3A_193 = tpu.memref_slice %arg3[%dma_start3A_191, %dma_start3A_192] : memref<1000000x64xf32, #tpu.memory_space<hbm>> -> memref<1000000x64xf32, #tpu.memory_space<hbm>>
    tpu.enqueue_indirect_dma source(%dma_start3A_193 : memref<1000000x64xf32, #tpu.memory_space<hbm>>) target(%dma_start3A_187 : memref<50x64xf32, #tpu.memory_space<vmem>>) offsets(%dma_start3A_190 : memref<50xi32, #tpu.memory_space<vmem>>) semaphore(%arg11 : memref<!tpu.dma_semaphore, #tpu.memory_space<semaphore_mem>>)
    %dma_start3A_194 = arith.constant 16 : i32
    %dma_start3A_195 = arith.constant 0 : i32
    %dma_start3A_196 = arith.constant 0 : i32
    %dma_start3A_197 = arith.constant 0 : i32
    %dma_start3A_198 = tpu.memref_slice %arg8[%dma_start3A_195, %dma_start3A_196, %dma_start3A_197] : memref<8x50x64xf32, #tpu.memory_space<vmem>> -> memref<1x50x64xf32, #tpu.memory_space<vmem>>
    %dma_start3A_199 = tpu.memref_squeeze %dma_start3A_198 : memref<1x50x64xf32, #tpu.memory_space<vmem>> -> memref<50x64xf32, #tpu.memory_space<vmem>>
    %dma_start3A_200 = arith.constant 0 : i32
    %dma_start3A_201 = tpu.memref_slice %arg5[%dma_start3A_194, %dma_start3A_200] : memref<512x50xi32, #tpu.memory_space<vmem>> -> memref<1x50xi32, #tpu.memory_space<vmem>>
    %dma_start3A_202 = tpu.memref_squeeze %dma_start3A_201 : memref<1x50xi32, #tpu.memory_space<vmem>> -> memref<50xi32, #tpu.memory_space<vmem>>
    %dma_start3A_203 = arith.constant 0 : i32
    %dma_start3A_204 = arith.constant 0 : i32
    %dma_start3A_205 = tpu.memref_slice %arg3[%dma_start3A_203, %dma_start3A_204] : memref<1000000x64xf32, #tpu.memory_space<hbm>> -> memref<1000000x64xf32, #tpu.memory_space<hbm>>
    tpu.enqueue_indirect_dma source(%dma_start3A_205 : memref<1000000x64xf32, #tpu.memory_space<hbm>>) target(%dma_start3A_199 : memref<50x64xf32, #tpu.memory_space<vmem>>) offsets(%dma_start3A_202 : memref<50xi32, #tpu.memory_space<vmem>>) semaphore(%arg12 : memref<!tpu.dma_semaphore, #tpu.memory_space<semaphore_mem>>)
    %dma_start3A_206 = arith.constant 17 : i32
    %dma_start3A_207 = arith.constant 1 : i32
    %dma_start3A_208 = arith.constant 0 : i32
    %dma_start3A_209 = arith.constant 0 : i32
    %dma_start3A_210 = tpu.memref_slice %arg8[%dma_start3A_207, %dma_start3A_208, %dma_start3A_209] : memref<8x50x64xf32, #tpu.memory_space<vmem>> -> memref<1x50x64xf32, #tpu.memory_space<vmem>>
    %dma_start3A_211 = tpu.memref_squeeze %dma_start3A_210 : memref<1x50x64xf32, #tpu.memory_space<vmem>> -> memref<50x64xf32, #tpu.memory_space<vmem>>
    %dma_start3A_212 = arith.constant 0 : i32
    %dma_start3A_213 = tpu.memref_slice %arg5[%dma_start3A_206, %dma_start3A_212] : memref<512x50xi32, #tpu.memory_space<vmem>> -> memref<1x50xi32, #tpu.memory_space<vmem>>
    %dma_start3A_214 = tpu.memref_squeeze %dma_start3A_213 : memref<1x50xi32, #tpu.memory_space<vmem>> -> memref<50xi32, #tpu.memory_space<vmem>>
    %dma_start3A_215 = arith.constant 0 : i32
    %dma_start3A_216 = arith.constant 0 : i32
    %dma_start3A_217 = tpu.memref_slice %arg3[%dma_start3A_215, %dma_start3A_216] : memref<1000000x64xf32, #tpu.memory_space<hbm>> -> memref<1000000x64xf32, #tpu.memory_space<hbm>>
    tpu.enqueue_indirect_dma source(%dma_start3A_217 : memref<1000000x64xf32, #tpu.memory_space<hbm>>) target(%dma_start3A_211 : memref<50x64xf32, #tpu.memory_space<vmem>>) offsets(%dma_start3A_214 : memref<50xi32, #tpu.memory_space<vmem>>) semaphore(%arg12 : memref<!tpu.dma_semaphore, #tpu.memory_space<semaphore_mem>>)
    %dma_start3A_218 = arith.constant 18 : i32
    %dma_start3A_219 = arith.constant 2 : i32
    %dma_start3A_220 = arith.constant 0 : i32
    %dma_start3A_221 = arith.constant 0 : i32
    %dma_start3A_222 = tpu.memref_slice %arg8[%dma_start3A_219, %dma_start3A_220, %dma_start3A_221] : memref<8x50x64xf32, #tpu.memory_space<vmem>> -> memref<1x50x64xf32, #tpu.memory_space<vmem>>
    %dma_start3A_223 = tpu.memref_squeeze %dma_start3A_222 : memref<1x50x64xf32, #tpu.memory_space<vmem>> -> memref<50x64xf32, #tpu.memory_space<vmem>>
    %dma_start3A_224 = arith.constant 0 : i32
    %dma_start3A_225 = tpu.memref_slice %arg5[%dma_start3A_218, %dma_start3A_224] : memref<512x50xi32, #tpu.memory_space<vmem>> -> memref<1x50xi32, #tpu.memory_space<vmem>>
    %dma_start3A_226 = tpu.memref_squeeze %dma_start3A_225 : memref<1x50xi32, #tpu.memory_space<vmem>> -> memref<50xi32, #tpu.memory_space<vmem>>
    %dma_start3A_227 = arith.constant 0 : i32
    %dma_start3A_228 = arith.constant 0 : i32
    %dma_start3A_229 = tpu.memref_slice %arg3[%dma_start3A_227, %dma_start3A_228] : memref<1000000x64xf32, #tpu.memory_space<hbm>> -> memref<1000000x64xf32, #tpu.memory_space<hbm>>
    tpu.enqueue_indirect_dma source(%dma_start3A_229 : memref<1000000x64xf32, #tpu.memory_space<hbm>>) target(%dma_start3A_223 : memref<50x64xf32, #tpu.memory_space<vmem>>) offsets(%dma_start3A_226 : memref<50xi32, #tpu.memory_space<vmem>>) semaphore(%arg12 : memref<!tpu.dma_semaphore, #tpu.memory_space<semaphore_mem>>)
    %dma_start3A_230 = arith.constant 19 : i32
    %dma_start3A_231 = arith.constant 3 : i32
    %dma_start3A_232 = arith.constant 0 : i32
    %dma_start3A_233 = arith.constant 0 : i32
    %dma_start3A_234 = tpu.memref_slice %arg8[%dma_start3A_231, %dma_start3A_232, %dma_start3A_233] : memref<8x50x64xf32, #tpu.memory_space<vmem>> -> memref<1x50x64xf32, #tpu.memory_space<vmem>>
    %dma_start3A_235 = tpu.memref_squeeze %dma_start3A_234 : memref<1x50x64xf32, #tpu.memory_space<vmem>> -> memref<50x64xf32, #tpu.memory_space<vmem>>
    %dma_start3A_236 = arith.constant 0 : i32
    %dma_start3A_237 = tpu.memref_slice %arg5[%dma_start3A_230, %dma_start3A_236] : memref<512x50xi32, #tpu.memory_space<vmem>> -> memref<1x50xi32, #tpu.memory_space<vmem>>
    %dma_start3A_238 = tpu.memref_squeeze %dma_start3A_237 : memref<1x50xi32, #tpu.memory_space<vmem>> -> memref<50xi32, #tpu.memory_space<vmem>>
    %dma_start3A_239 = arith.constant 0 : i32
    %dma_start3A_240 = arith.constant 0 : i32
    %dma_start3A_241 = tpu.memref_slice %arg3[%dma_start3A_239, %dma_start3A_240] : memref<1000000x64xf32, #tpu.memory_space<hbm>> -> memref<1000000x64xf32, #tpu.memory_space<hbm>>
    tpu.enqueue_indirect_dma source(%dma_start3A_241 : memref<1000000x64xf32, #tpu.memory_space<hbm>>) target(%dma_start3A_235 : memref<50x64xf32, #tpu.memory_space<vmem>>) offsets(%dma_start3A_238 : memref<50xi32, #tpu.memory_space<vmem>>) semaphore(%arg12 : memref<!tpu.dma_semaphore, #tpu.memory_space<semaphore_mem>>)
    %dma_start3A_242 = arith.constant 20 : i32
    %dma_start3A_243 = arith.constant 4 : i32
    %dma_start3A_244 = arith.constant 0 : i32
    %dma_start3A_245 = arith.constant 0 : i32
    %dma_start3A_246 = tpu.memref_slice %arg8[%dma_start3A_243, %dma_start3A_244, %dma_start3A_245] : memref<8x50x64xf32, #tpu.memory_space<vmem>> -> memref<1x50x64xf32, #tpu.memory_space<vmem>>
    %dma_start3A_247 = tpu.memref_squeeze %dma_start3A_246 : memref<1x50x64xf32, #tpu.memory_space<vmem>> -> memref<50x64xf32, #tpu.memory_space<vmem>>
    %dma_start3A_248 = arith.constant 0 : i32
    %dma_start3A_249 = tpu.memref_slice %arg5[%dma_start3A_242, %dma_start3A_248] : memref<512x50xi32, #tpu.memory_space<vmem>> -> memref<1x50xi32, #tpu.memory_space<vmem>>
    %dma_start3A_250 = tpu.memref_squeeze %dma_start3A_249 : memref<1x50xi32, #tpu.memory_space<vmem>> -> memref<50xi32, #tpu.memory_space<vmem>>
    %dma_start3A_251 = arith.constant 0 : i32
    %dma_start3A_252 = arith.constant 0 : i32
    %dma_start3A_253 = tpu.memref_slice %arg3[%dma_start3A_251, %dma_start3A_252] : memref<1000000x64xf32, #tpu.memory_space<hbm>> -> memref<1000000x64xf32, #tpu.memory_space<hbm>>
    tpu.enqueue_indirect_dma source(%dma_start3A_253 : memref<1000000x64xf32, #tpu.memory_space<hbm>>) target(%dma_start3A_247 : memref<50x64xf32, #tpu.memory_space<vmem>>) offsets(%dma_start3A_250 : memref<50xi32, #tpu.memory_space<vmem>>) semaphore(%arg12 : memref<!tpu.dma_semaphore, #tpu.memory_space<semaphore_mem>>)
    %dma_start3A_254 = arith.constant 21 : i32
    %dma_start3A_255 = arith.constant 5 : i32
    %dma_start3A_256 = arith.constant 0 : i32
    %dma_start3A_257 = arith.constant 0 : i32
    %dma_start3A_258 = tpu.memref_slice %arg8[%dma_start3A_255, %dma_start3A_256, %dma_start3A_257] : memref<8x50x64xf32, #tpu.memory_space<vmem>> -> memref<1x50x64xf32, #tpu.memory_space<vmem>>
    %dma_start3A_259 = tpu.memref_squeeze %dma_start3A_258 : memref<1x50x64xf32, #tpu.memory_space<vmem>> -> memref<50x64xf32, #tpu.memory_space<vmem>>
    %dma_start3A_260 = arith.constant 0 : i32
    %dma_start3A_261 = tpu.memref_slice %arg5[%dma_start3A_254, %dma_start3A_260] : memref<512x50xi32, #tpu.memory_space<vmem>> -> memref<1x50xi32, #tpu.memory_space<vmem>>
    %dma_start3A_262 = tpu.memref_squeeze %dma_start3A_261 : memref<1x50xi32, #tpu.memory_space<vmem>> -> memref<50xi32, #tpu.memory_space<vmem>>
    %dma_start3A_263 = arith.constant 0 : i32
    %dma_start3A_264 = arith.constant 0 : i32
    %dma_start3A_265 = tpu.memref_slice %arg3[%dma_start3A_263, %dma_start3A_264] : memref<1000000x64xf32, #tpu.memory_space<hbm>> -> memref<1000000x64xf32, #tpu.memory_space<hbm>>
    tpu.enqueue_indirect_dma source(%dma_start3A_265 : memref<1000000x64xf32, #tpu.memory_space<hbm>>) target(%dma_start3A_259 : memref<50x64xf32, #tpu.memory_space<vmem>>) offsets(%dma_start3A_262 : memref<50xi32, #tpu.memory_space<vmem>>) semaphore(%arg12 : memref<!tpu.dma_semaphore, #tpu.memory_space<semaphore_mem>>)
    %dma_start3A_266 = arith.constant 22 : i32
    %dma_start3A_267 = arith.constant 6 : i32
    %dma_start3A_268 = arith.constant 0 : i32
    %dma_start3A_269 = arith.constant 0 : i32
    %dma_start3A_270 = tpu.memref_slice %arg8[%dma_start3A_267, %dma_start3A_268, %dma_start3A_269] : memref<8x50x64xf32, #tpu.memory_space<vmem>> -> memref<1x50x64xf32, #tpu.memory_space<vmem>>
    %dma_start3A_271 = tpu.memref_squeeze %dma_start3A_270 : memref<1x50x64xf32, #tpu.memory_space<vmem>> -> memref<50x64xf32, #tpu.memory_space<vmem>>
    %dma_start3A_272 = arith.constant 0 : i32
    %dma_start3A_273 = tpu.memref_slice %arg5[%dma_start3A_266, %dma_start3A_272] : memref<512x50xi32, #tpu.memory_space<vmem>> -> memref<1x50xi32, #tpu.memory_space<vmem>>
    %dma_start3A_274 = tpu.memref_squeeze %dma_start3A_273 : memref<1x50xi32, #tpu.memory_space<vmem>> -> memref<50xi32, #tpu.memory_space<vmem>>
    %dma_start3A_275 = arith.constant 0 : i32
    %dma_start3A_276 = arith.constant 0 : i32
    %dma_start3A_277 = tpu.memref_slice %arg3[%dma_start3A_275, %dma_start3A_276] : memref<1000000x64xf32, #tpu.memory_space<hbm>> -> memref<1000000x64xf32, #tpu.memory_space<hbm>>
    tpu.enqueue_indirect_dma source(%dma_start3A_277 : memref<1000000x64xf32, #tpu.memory_space<hbm>>) target(%dma_start3A_271 : memref<50x64xf32, #tpu.memory_space<vmem>>) offsets(%dma_start3A_274 : memref<50xi32, #tpu.memory_space<vmem>>) semaphore(%arg12 : memref<!tpu.dma_semaphore, #tpu.memory_space<semaphore_mem>>)
    %dma_start3A_278 = arith.constant 23 : i32
    %dma_start3A_279 = arith.constant 7 : i32
    %dma_start3A_280 = arith.constant 0 : i32
    %dma_start3A_281 = arith.constant 0 : i32
    %dma_start3A_282 = tpu.memref_slice %arg8[%dma_start3A_279, %dma_start3A_280, %dma_start3A_281] : memref<8x50x64xf32, #tpu.memory_space<vmem>> -> memref<1x50x64xf32, #tpu.memory_space<vmem>>
    %dma_start3A_283 = tpu.memref_squeeze %dma_start3A_282 : memref<1x50x64xf32, #tpu.memory_space<vmem>> -> memref<50x64xf32, #tpu.memory_space<vmem>>
    %dma_start3A_284 = arith.constant 0 : i32
    %dma_start3A_285 = tpu.memref_slice %arg5[%dma_start3A_278, %dma_start3A_284] : memref<512x50xi32, #tpu.memory_space<vmem>> -> memref<1x50xi32, #tpu.memory_space<vmem>>
    %dma_start3A_286 = tpu.memref_squeeze %dma_start3A_285 : memref<1x50xi32, #tpu.memory_space<vmem>> -> memref<50xi32, #tpu.memory_space<vmem>>
    %dma_start3A_287 = arith.constant 0 : i32
    %dma_start3A_288 = arith.constant 0 : i32
    %dma_start3A_289 = tpu.memref_slice %arg3[%dma_start3A_287, %dma_start3A_288] : memref<1000000x64xf32, #tpu.memory_space<hbm>> -> memref<1000000x64xf32, #tpu.memory_space<hbm>>
    tpu.enqueue_indirect_dma source(%dma_start3A_289 : memref<1000000x64xf32, #tpu.memory_space<hbm>>) target(%dma_start3A_283 : memref<50x64xf32, #tpu.memory_space<vmem>>) offsets(%dma_start3A_286 : memref<50xi32, #tpu.memory_space<vmem>>) semaphore(%arg12 : memref<!tpu.dma_semaphore, #tpu.memory_space<semaphore_mem>>)
    %dma_wait3A = arith.constant 0 : i32
    %dma_wait3A_290 = arith.constant 0 : i32
    %dma_wait3A_291 = arith.constant 0 : i32
    %dma_wait3A_292 = arith.constant 0 : i32
    %dma_wait3A_293 = tpu.memref_slice %arg6[%dma_wait3A_290, %dma_wait3A_291, %dma_wait3A_292] : memref<8x50x64xf32, #tpu.memory_space<vmem>> -> memref<1x50x64xf32, #tpu.memory_space<vmem>>
    %dma_wait3A_294 = tpu.memref_squeeze %dma_wait3A_293 : memref<1x50x64xf32, #tpu.memory_space<vmem>> -> memref<50x64xf32, #tpu.memory_space<vmem>>
    %dma_wait3A_295 = arith.constant 0 : i32
    %dma_wait3A_296 = tpu.memref_slice %arg5[%dma_wait3A, %dma_wait3A_295] : memref<512x50xi32, #tpu.memory_space<vmem>> -> memref<1x50xi32, #tpu.memory_space<vmem>>
    %dma_wait3A_297 = tpu.memref_squeeze %dma_wait3A_296 : memref<1x50xi32, #tpu.memory_space<vmem>> -> memref<50xi32, #tpu.memory_space<vmem>>
    %dma_wait3A_298 = arith.constant 0 : i32
    %dma_wait3A_299 = arith.constant 0 : i32
    %dma_wait3A_300 = tpu.memref_slice %arg3[%dma_wait3A_298, %dma_wait3A_299] : memref<1000000x64xf32, #tpu.memory_space<hbm>> -> memref<1000000x64xf32, #tpu.memory_space<hbm>>
    tpu.wait_indirect_dma semaphore(%arg10 : memref<!tpu.dma_semaphore, #tpu.memory_space<semaphore_mem>>) src(%dma_wait3A_300 : memref<1000000x64xf32, #tpu.memory_space<hbm>>) dst(%dma_wait3A_294 : memref<50x64xf32, #tpu.memory_space<vmem>>)
    %dma_wait3A_301 = arith.constant 1 : i32
    %dma_wait3A_302 = arith.constant 1 : i32
    %dma_wait3A_303 = arith.constant 0 : i32
    %dma_wait3A_304 = arith.constant 0 : i32
    %dma_wait3A_305 = tpu.memref_slice %arg6[%dma_wait3A_302, %dma_wait3A_303, %dma_wait3A_304] : memref<8x50x64xf32, #tpu.memory_space<vmem>> -> memref<1x50x64xf32, #tpu.memory_space<vmem>>
    %dma_wait3A_306 = tpu.memref_squeeze %dma_wait3A_305 : memref<1x50x64xf32, #tpu.memory_space<vmem>> -> memref<50x64xf32, #tpu.memory_space<vmem>>
    %dma_wait3A_307 = arith.constant 0 : i32
    %dma_wait3A_308 = tpu.memref_slice %arg5[%dma_wait3A_301, %dma_wait3A_307] : memref<512x50xi32, #tpu.memory_space<vmem>> -> memref<1x50xi32, #tpu.memory_space<vmem>>
    %dma_wait3A_309 = tpu.memref_squeeze %dma_wait3A_308 : memref<1x50xi32, #tpu.memory_space<vmem>> -> memref<50xi32, #tpu.memory_space<vmem>>
    %dma_wait3A_310 = arith.constant 0 : i32
    %dma_wait3A_311 = arith.constant 0 : i32
    %dma_wait3A_312 = tpu.memref_slice %arg3[%dma_wait3A_310, %dma_wait3A_311] : memref<1000000x64xf32, #tpu.memory_space<hbm>> -> memref<1000000x64xf32, #tpu.memory_space<hbm>>
    tpu.wait_indirect_dma semaphore(%arg10 : memref<!tpu.dma_semaphore, #tpu.memory_space<semaphore_mem>>) src(%dma_wait3A_312 : memref<1000000x64xf32, #tpu.memory_space<hbm>>) dst(%dma_wait3A_306 : memref<50x64xf32, #tpu.memory_space<vmem>>)
    %dma_wait3A_313 = arith.constant 2 : i32
    %dma_wait3A_314 = arith.constant 2 : i32
    %dma_wait3A_315 = arith.constant 0 : i32
    %dma_wait3A_316 = arith.constant 0 : i32
    %dma_wait3A_317 = tpu.memref_slice %arg6[%dma_wait3A_314, %dma_wait3A_315, %dma_wait3A_316] : memref<8x50x64xf32, #tpu.memory_space<vmem>> -> memref<1x50x64xf32, #tpu.memory_space<vmem>>
    %dma_wait3A_318 = tpu.memref_squeeze %dma_wait3A_317 : memref<1x50x64xf32, #tpu.memory_space<vmem>> -> memref<50x64xf32, #tpu.memory_space<vmem>>
    %dma_wait3A_319 = arith.constant 0 : i32
    %dma_wait3A_320 = tpu.memref_slice %arg5[%dma_wait3A_313, %dma_wait3A_319] : memref<512x50xi32, #tpu.memory_space<vmem>> -> memref<1x50xi32, #tpu.memory_space<vmem>>
    %dma_wait3A_321 = tpu.memref_squeeze %dma_wait3A_320 : memref<1x50xi32, #tpu.memory_space<vmem>> -> memref<50xi32, #tpu.memory_space<vmem>>
    %dma_wait3A_322 = arith.constant 0 : i32
    %dma_wait3A_323 = arith.constant 0 : i32
    %dma_wait3A_324 = tpu.memref_slice %arg3[%dma_wait3A_322, %dma_wait3A_323] : memref<1000000x64xf32, #tpu.memory_space<hbm>> -> memref<1000000x64xf32, #tpu.memory_space<hbm>>
    tpu.wait_indirect_dma semaphore(%arg10 : memref<!tpu.dma_semaphore, #tpu.memory_space<semaphore_mem>>) src(%dma_wait3A_324 : memref<1000000x64xf32, #tpu.memory_space<hbm>>) dst(%dma_wait3A_318 : memref<50x64xf32, #tpu.memory_space<vmem>>)
    %dma_wait3A_325 = arith.constant 3 : i32
    %dma_wait3A_326 = arith.constant 3 : i32
    %dma_wait3A_327 = arith.constant 0 : i32
    %dma_wait3A_328 = arith.constant 0 : i32
    %dma_wait3A_329 = tpu.memref_slice %arg6[%dma_wait3A_326, %dma_wait3A_327, %dma_wait3A_328] : memref<8x50x64xf32, #tpu.memory_space<vmem>> -> memref<1x50x64xf32, #tpu.memory_space<vmem>>
    %dma_wait3A_330 = tpu.memref_squeeze %dma_wait3A_329 : memref<1x50x64xf32, #tpu.memory_space<vmem>> -> memref<50x64xf32, #tpu.memory_space<vmem>>
    %dma_wait3A_331 = arith.constant 0 : i32
    %dma_wait3A_332 = tpu.memref_slice %arg5[%dma_wait3A_325, %dma_wait3A_331] : memref<512x50xi32, #tpu.memory_space<vmem>> -> memref<1x50xi32, #tpu.memory_space<vmem>>
    %dma_wait3A_333 = tpu.memref_squeeze %dma_wait3A_332 : memref<1x50xi32, #tpu.memory_space<vmem>> -> memref<50xi32, #tpu.memory_space<vmem>>
    %dma_wait3A_334 = arith.constant 0 : i32
    %dma_wait3A_335 = arith.constant 0 : i32
    %dma_wait3A_336 = tpu.memref_slice %arg3[%dma_wait3A_334, %dma_wait3A_335] : memref<1000000x64xf32, #tpu.memory_space<hbm>> -> memref<1000000x64xf32, #tpu.memory_space<hbm>>
    tpu.wait_indirect_dma semaphore(%arg10 : memref<!tpu.dma_semaphore, #tpu.memory_space<semaphore_mem>>) src(%dma_wait3A_336 : memref<1000000x64xf32, #tpu.memory_space<hbm>>) dst(%dma_wait3A_330 : memref<50x64xf32, #tpu.memory_space<vmem>>)
    %dma_wait3A_337 = arith.constant 4 : i32
    %dma_wait3A_338 = arith.constant 4 : i32
    %dma_wait3A_339 = arith.constant 0 : i32
    %dma_wait3A_340 = arith.constant 0 : i32
    %dma_wait3A_341 = tpu.memref_slice %arg6[%dma_wait3A_338, %dma_wait3A_339, %dma_wait3A_340] : memref<8x50x64xf32, #tpu.memory_space<vmem>> -> memref<1x50x64xf32, #tpu.memory_space<vmem>>
    %dma_wait3A_342 = tpu.memref_squeeze %dma_wait3A_341 : memref<1x50x64xf32, #tpu.memory_space<vmem>> -> memref<50x64xf32, #tpu.memory_space<vmem>>
    %dma_wait3A_343 = arith.constant 0 : i32
    %dma_wait3A_344 = tpu.memref_slice %arg5[%dma_wait3A_337, %dma_wait3A_343] : memref<512x50xi32, #tpu.memory_space<vmem>> -> memref<1x50xi32, #tpu.memory_space<vmem>>
    %dma_wait3A_345 = tpu.memref_squeeze %dma_wait3A_344 : memref<1x50xi32, #tpu.memory_space<vmem>> -> memref<50xi32, #tpu.memory_space<vmem>>
    %dma_wait3A_346 = arith.constant 0 : i32
    %dma_wait3A_347 = arith.constant 0 : i32
    %dma_wait3A_348 = tpu.memref_slice %arg3[%dma_wait3A_346, %dma_wait3A_347] : memref<1000000x64xf32, #tpu.memory_space<hbm>> -> memref<1000000x64xf32, #tpu.memory_space<hbm>>
    tpu.wait_indirect_dma semaphore(%arg10 : memref<!tpu.dma_semaphore, #tpu.memory_space<semaphore_mem>>) src(%dma_wait3A_348 : memref<1000000x64xf32, #tpu.memory_space<hbm>>) dst(%dma_wait3A_342 : memref<50x64xf32, #tpu.memory_space<vmem>>)
    %dma_wait3A_349 = arith.constant 5 : i32
    %dma_wait3A_350 = arith.constant 5 : i32
    %dma_wait3A_351 = arith.constant 0 : i32
    %dma_wait3A_352 = arith.constant 0 : i32
    %dma_wait3A_353 = tpu.memref_slice %arg6[%dma_wait3A_350, %dma_wait3A_351, %dma_wait3A_352] : memref<8x50x64xf32, #tpu.memory_space<vmem>> -> memref<1x50x64xf32, #tpu.memory_space<vmem>>
    %dma_wait3A_354 = tpu.memref_squeeze %dma_wait3A_353 : memref<1x50x64xf32, #tpu.memory_space<vmem>> -> memref<50x64xf32, #tpu.memory_space<vmem>>
    %dma_wait3A_355 = arith.constant 0 : i32
    %dma_wait3A_356 = tpu.memref_slice %arg5[%dma_wait3A_349, %dma_wait3A_355] : memref<512x50xi32, #tpu.memory_space<vmem>> -> memref<1x50xi32, #tpu.memory_space<vmem>>
    %dma_wait3A_357 = tpu.memref_squeeze %dma_wait3A_356 : memref<1x50xi32, #tpu.memory_space<vmem>> -> memref<50xi32, #tpu.memory_space<vmem>>
    %dma_wait3A_358 = arith.constant 0 : i32
    %dma_wait3A_359 = arith.constant 0 : i32
    %dma_wait3A_360 = tpu.memref_slice %arg3[%dma_wait3A_358, %dma_wait3A_359] : memref<1000000x64xf32, #tpu.memory_space<hbm>> -> memref<1000000x64xf32, #tpu.memory_space<hbm>>
    tpu.wait_indirect_dma semaphore(%arg10 : memref<!tpu.dma_semaphore, #tpu.memory_space<semaphore_mem>>) src(%dma_wait3A_360 : memref<1000000x64xf32, #tpu.memory_space<hbm>>) dst(%dma_wait3A_354 : memref<50x64xf32, #tpu.memory_space<vmem>>)
    %dma_wait3A_361 = arith.constant 6 : i32
    %dma_wait3A_362 = arith.constant 6 : i32
    %dma_wait3A_363 = arith.constant 0 : i32
    %dma_wait3A_364 = arith.constant 0 : i32
    %dma_wait3A_365 = tpu.memref_slice %arg6[%dma_wait3A_362, %dma_wait3A_363, %dma_wait3A_364] : memref<8x50x64xf32, #tpu.memory_space<vmem>> -> memref<1x50x64xf32, #tpu.memory_space<vmem>>
    %dma_wait3A_366 = tpu.memref_squeeze %dma_wait3A_365 : memref<1x50x64xf32, #tpu.memory_space<vmem>> -> memref<50x64xf32, #tpu.memory_space<vmem>>
    %dma_wait3A_367 = arith.constant 0 : i32
    %dma_wait3A_368 = tpu.memref_slice %arg5[%dma_wait3A_361, %dma_wait3A_367] : memref<512x50xi32, #tpu.memory_space<vmem>> -> memref<1x50xi32, #tpu.memory_space<vmem>>
    %dma_wait3A_369 = tpu.memref_squeeze %dma_wait3A_368 : memref<1x50xi32, #tpu.memory_space<vmem>> -> memref<50xi32, #tpu.memory_space<vmem>>
    %dma_wait3A_370 = arith.constant 0 : i32
    %dma_wait3A_371 = arith.constant 0 : i32
    %dma_wait3A_372 = tpu.memref_slice %arg3[%dma_wait3A_370, %dma_wait3A_371] : memref<1000000x64xf32, #tpu.memory_space<hbm>> -> memref<1000000x64xf32, #tpu.memory_space<hbm>>
    tpu.wait_indirect_dma semaphore(%arg10 : memref<!tpu.dma_semaphore, #tpu.memory_space<semaphore_mem>>) src(%dma_wait3A_372 : memref<1000000x64xf32, #tpu.memory_space<hbm>>) dst(%dma_wait3A_366 : memref<50x64xf32, #tpu.memory_space<vmem>>)
    %dma_wait3A_373 = arith.constant 7 : i32
    %dma_wait3A_374 = arith.constant 7 : i32
    %dma_wait3A_375 = arith.constant 0 : i32
    %dma_wait3A_376 = arith.constant 0 : i32
    %dma_wait3A_377 = tpu.memref_slice %arg6[%dma_wait3A_374, %dma_wait3A_375, %dma_wait3A_376] : memref<8x50x64xf32, #tpu.memory_space<vmem>> -> memref<1x50x64xf32, #tpu.memory_space<vmem>>
    %dma_wait3A_378 = tpu.memref_squeeze %dma_wait3A_377 : memref<1x50x64xf32, #tpu.memory_space<vmem>> -> memref<50x64xf32, #tpu.memory_space<vmem>>
    %dma_wait3A_379 = arith.constant 0 : i32
    %dma_wait3A_380 = tpu.memref_slice %arg5[%dma_wait3A_373, %dma_wait3A_379] : memref<512x50xi32, #tpu.memory_space<vmem>> -> memref<1x50xi32, #tpu.memory_space<vmem>>
    %dma_wait3A_381 = tpu.memref_squeeze %dma_wait3A_380 : memref<1x50xi32, #tpu.memory_space<vmem>> -> memref<50xi32, #tpu.memory_space<vmem>>
    %dma_wait3A_382 = arith.constant 0 : i32
    %dma_wait3A_383 = arith.constant 0 : i32
    %dma_wait3A_384 = tpu.memref_slice %arg3[%dma_wait3A_382, %dma_wait3A_383] : memref<1000000x64xf32, #tpu.memory_space<hbm>> -> memref<1000000x64xf32, #tpu.memory_space<hbm>>
    tpu.wait_indirect_dma semaphore(%arg10 : memref<!tpu.dma_semaphore, #tpu.memory_space<semaphore_mem>>) src(%dma_wait3A_384 : memref<1000000x64xf32, #tpu.memory_space<hbm>>) dst(%dma_wait3A_378 : memref<50x64xf32, #tpu.memory_space<vmem>>)
    %add3A_385 = arith.constant 0 : i32
    %add3A_386 = arith.addi %mul3A_2, %add3A_385 : i32
    %dma_start3A_387 = arith.constant 0 : i32
    %dma_start3A_388 = arith.constant 0 : i32
    %dma_start3A_389 = tpu.memref_slice %arg4[%add3A_386, %dma_start3A_387, %dma_start3A_388] : memref<16384x50x64xf32, #tpu.memory_space<hbm>> -> memref<8x50x64xf32, #tpu.memory_space<hbm>>
    %dma_start3A_390 = arith.constant 0 : i32
    %dma_start3A_391 = arith.constant 0 : i32
    %dma_start3A_392 = tpu.memref_slice %arg4[%add3A_386, %dma_start3A_390, %dma_start3A_391] : memref<16384x50x64xf32, #tpu.memory_space<hbm>> -> memref<8x50x64xf32, #tpu.memory_space<hbm>>
    tpu.enqueue_dma source(%arg6 : memref<8x50x64xf32, #tpu.memory_space<vmem>>) target(%dma_start3A_392 : memref<8x50x64xf32, #tpu.memory_space<hbm>>) target_semaphore(%arg14 : memref<!tpu.dma_semaphore, #tpu.memory_space<semaphore_mem>>)
    %dma_start3A_393 = arith.constant 24 : i32
    %dma_start3A_394 = arith.constant 0 : i32
    %dma_start3A_395 = arith.constant 0 : i32
    %dma_start3A_396 = arith.constant 0 : i32
    %dma_start3A_397 = tpu.memref_slice %arg9[%dma_start3A_394, %dma_start3A_395, %dma_start3A_396] : memref<8x50x64xf32, #tpu.memory_space<vmem>> -> memref<1x50x64xf32, #tpu.memory_space<vmem>>
    %dma_start3A_398 = tpu.memref_squeeze %dma_start3A_397 : memref<1x50x64xf32, #tpu.memory_space<vmem>> -> memref<50x64xf32, #tpu.memory_space<vmem>>
    %dma_start3A_399 = arith.constant 0 : i32
    %dma_start3A_400 = tpu.memref_slice %arg5[%dma_start3A_393, %dma_start3A_399] : memref<512x50xi32, #tpu.memory_space<vmem>> -> memref<1x50xi32, #tpu.memory_space<vmem>>
    %dma_start3A_401 = tpu.memref_squeeze %dma_start3A_400 : memref<1x50xi32, #tpu.memory_space<vmem>> -> memref<50xi32, #tpu.memory_space<vmem>>
    %dma_start3A_402 = arith.constant 0 : i32
    %dma_start3A_403 = arith.constant 0 : i32
    %dma_start3A_404 = tpu.memref_slice %arg3[%dma_start3A_402, %dma_start3A_403] : memref<1000000x64xf32, #tpu.memory_space<hbm>> -> memref<1000000x64xf32, #tpu.memory_space<hbm>>
    tpu.enqueue_indirect_dma source(%dma_start3A_404 : memref<1000000x64xf32, #tpu.memory_space<hbm>>) target(%dma_start3A_398 : memref<50x64xf32, #tpu.memory_space<vmem>>) offsets(%dma_start3A_401 : memref<50xi32, #tpu.memory_space<vmem>>) semaphore(%arg13 : memref<!tpu.dma_semaphore, #tpu.memory_space<semaphore_mem>>)
    %dma_start3A_405 = arith.constant 25 : i32
    %dma_start3A_406 = arith.constant 1 : i32
    %dma_start3A_407 = arith.constant 0 : i32
    %dma_start3A_408 = arith.constant 0 : i32
    %dma_start3A_409 = tpu.memref_slice %arg9[%dma_start3A_406, %dma_start3A_407, %dma_start3A_408] : memref<8x50x64xf32, #tpu.memory_space<vmem>> -> memref<1x50x64xf32, #tpu.memory_space<vmem>>
    %dma_start3A_410 = tpu.memref_squeeze %dma_start3A_409 : memref<1x50x64xf32, #tpu.memory_space<vmem>> -> memref<50x64xf32, #tpu.memory_space<vmem>>
    %dma_start3A_411 = arith.constant 0 : i32
    %dma_start3A_412 = tpu.memref_slice %arg5[%dma_start3A_405, %dma_start3A_411] : memref<512x50xi32, #tpu.memory_space<vmem>> -> memref<1x50xi32, #tpu.memory_space<vmem>>
    %dma_start3A_413 = tpu.memref_squeeze %dma_start3A_412 : memref<1x50xi32, #tpu.memory_space<vmem>> -> memref<50xi32, #tpu.memory_space<vmem>>
    %dma_start3A_414 = arith.constant 0 : i32
    %dma_start3A_415 = arith.constant 0 : i32
    %dma_start3A_416 = tpu.memref_slice %arg3[%dma_start3A_414, %dma_start3A_415] : memref<1000000x64xf32, #tpu.memory_space<hbm>> -> memref<1000000x64xf32, #tpu.memory_space<hbm>>
    tpu.enqueue_indirect_dma source(%dma_start3A_416 : memref<1000000x64xf32, #tpu.memory_space<hbm>>) target(%dma_start3A_410 : memref<50x64xf32, #tpu.memory_space<vmem>>) offsets(%dma_start3A_413 : memref<50xi32, #tpu.memory_space<vmem>>) semaphore(%arg13 : memref<!tpu.dma_semaphore, #tpu.memory_space<semaphore_mem>>)
    %dma_start3A_417 = arith.constant 26 : i32
    %dma_start3A_418 = arith.constant 2 : i32
    %dma_start3A_419 = arith.constant 0 : i32
    %dma_start3A_420 = arith.constant 0 : i32
    %dma_start3A_421 = tpu.memref_slice %arg9[%dma_start3A_418, %dma_start3A_419, %dma_start3A_420] : memref<8x50x64xf32, #tpu.memory_space<vmem>> -> memref<1x50x64xf32, #tpu.memory_space<vmem>>
    %dma_start3A_422 = tpu.memref_squeeze %dma_start3A_421 : memref<1x50x64xf32, #tpu.memory_space<vmem>> -> memref<50x64xf32, #tpu.memory_space<vmem>>
    %dma_start3A_423 = arith.constant 0 : i32
    %dma_start3A_424 = tpu.memref_slice %arg5[%dma_start3A_417, %dma_start3A_423] : memref<512x50xi32, #tpu.memory_space<vmem>> -> memref<1x50xi32, #tpu.memory_space<vmem>>
    %dma_start3A_425 = tpu.memref_squeeze %dma_start3A_424 : memref<1x50xi32, #tpu.memory_space<vmem>> -> memref<50xi32, #tpu.memory_space<vmem>>
    %dma_start3A_426 = arith.constant 0 : i32
    %dma_start3A_427 = arith.constant 0 : i32
    %dma_start3A_428 = tpu.memref_slice %arg3[%dma_start3A_426, %dma_start3A_427] : memref<1000000x64xf32, #tpu.memory_space<hbm>> -> memref<1000000x64xf32, #tpu.memory_space<hbm>>
    tpu.enqueue_indirect_dma source(%dma_start3A_428 : memref<1000000x64xf32, #tpu.memory_space<hbm>>) target(%dma_start3A_422 : memref<50x64xf32, #tpu.memory_space<vmem>>) offsets(%dma_start3A_425 : memref<50xi32, #tpu.memory_space<vmem>>) semaphore(%arg13 : memref<!tpu.dma_semaphore, #tpu.memory_space<semaphore_mem>>)
    %dma_start3A_429 = arith.constant 27 : i32
    %dma_start3A_430 = arith.constant 3 : i32
    %dma_start3A_431 = arith.constant 0 : i32
    %dma_start3A_432 = arith.constant 0 : i32
    %dma_start3A_433 = tpu.memref_slice %arg9[%dma_start3A_430, %dma_start3A_431, %dma_start3A_432] : memref<8x50x64xf32, #tpu.memory_space<vmem>> -> memref<1x50x64xf32, #tpu.memory_space<vmem>>
    %dma_start3A_434 = tpu.memref_squeeze %dma_start3A_433 : memref<1x50x64xf32, #tpu.memory_space<vmem>> -> memref<50x64xf32, #tpu.memory_space<vmem>>
    %dma_start3A_435 = arith.constant 0 : i32
    %dma_start3A_436 = tpu.memref_slice %arg5[%dma_start3A_429, %dma_start3A_435] : memref<512x50xi32, #tpu.memory_space<vmem>> -> memref<1x50xi32, #tpu.memory_space<vmem>>
    %dma_start3A_437 = tpu.memref_squeeze %dma_start3A_436 : memref<1x50xi32, #tpu.memory_space<vmem>> -> memref<50xi32, #tpu.memory_space<vmem>>
    %dma_start3A_438 = arith.constant 0 : i32
    %dma_start3A_439 = arith.constant 0 : i32
    %dma_start3A_440 = tpu.memref_slice %arg3[%dma_start3A_438, %dma_start3A_439] : memref<1000000x64xf32, #tpu.memory_space<hbm>> -> memref<1000000x64xf32, #tpu.memory_space<hbm>>
    tpu.enqueue_indirect_dma source(%dma_start3A_440 : memref<1000000x64xf32, #tpu.memory_space<hbm>>) target(%dma_start3A_434 : memref<50x64xf32, #tpu.memory_space<vmem>>) offsets(%dma_start3A_437 : memref<50xi32, #tpu.memory_space<vmem>>) semaphore(%arg13 : memref<!tpu.dma_semaphore, #tpu.memory_space<semaphore_mem>>)
    %dma_start3A_441 = arith.constant 28 : i32
    %dma_start3A_442 = arith.constant 4 : i32
    %dma_start3A_443 = arith.constant 0 : i32
    %dma_start3A_444 = arith.constant 0 : i32
    %dma_start3A_445 = tpu.memref_slice %arg9[%dma_start3A_442, %dma_start3A_443, %dma_start3A_444] : memref<8x50x64xf32, #tpu.memory_space<vmem>> -> memref<1x50x64xf32, #tpu.memory_space<vmem>>
    %dma_start3A_446 = tpu.memref_squeeze %dma_start3A_445 : memref<1x50x64xf32, #tpu.memory_space<vmem>> -> memref<50x64xf32, #tpu.memory_space<vmem>>
    %dma_start3A_447 = arith.constant 0 : i32
    %dma_start3A_448 = tpu.memref_slice %arg5[%dma_start3A_441, %dma_start3A_447] : memref<512x50xi32, #tpu.memory_space<vmem>> -> memref<1x50xi32, #tpu.memory_space<vmem>>
    %dma_start3A_449 = tpu.memref_squeeze %dma_start3A_448 : memref<1x50xi32, #tpu.memory_space<vmem>> -> memref<50xi32, #tpu.memory_space<vmem>>
    %dma_start3A_450 = arith.constant 0 : i32
    %dma_start3A_451 = arith.constant 0 : i32
    %dma_start3A_452 = tpu.memref_slice %arg3[%dma_start3A_450, %dma_start3A_451] : memref<1000000x64xf32, #tpu.memory_space<hbm>> -> memref<1000000x64xf32, #tpu.memory_space<hbm>>
    tpu.enqueue_indirect_dma source(%dma_start3A_452 : memref<1000000x64xf32, #tpu.memory_space<hbm>>) target(%dma_start3A_446 : memref<50x64xf32, #tpu.memory_space<vmem>>) offsets(%dma_start3A_449 : memref<50xi32, #tpu.memory_space<vmem>>) semaphore(%arg13 : memref<!tpu.dma_semaphore, #tpu.memory_space<semaphore_mem>>)
    %dma_start3A_453 = arith.constant 29 : i32
    %dma_start3A_454 = arith.constant 5 : i32
    %dma_start3A_455 = arith.constant 0 : i32
    %dma_start3A_456 = arith.constant 0 : i32
    %dma_start3A_457 = tpu.memref_slice %arg9[%dma_start3A_454, %dma_start3A_455, %dma_start3A_456] : memref<8x50x64xf32, #tpu.memory_space<vmem>> -> memref<1x50x64xf32, #tpu.memory_space<vmem>>
    %dma_start3A_458 = tpu.memref_squeeze %dma_start3A_457 : memref<1x50x64xf32, #tpu.memory_space<vmem>> -> memref<50x64xf32, #tpu.memory_space<vmem>>
    %dma_start3A_459 = arith.constant 0 : i32
    %dma_start3A_460 = tpu.memref_slice %arg5[%dma_start3A_453, %dma_start3A_459] : memref<512x50xi32, #tpu.memory_space<vmem>> -> memref<1x50xi32, #tpu.memory_space<vmem>>
    %dma_start3A_461 = tpu.memref_squeeze %dma_start3A_460 : memref<1x50xi32, #tpu.memory_space<vmem>> -> memref<50xi32, #tpu.memory_space<vmem>>
    %dma_start3A_462 = arith.constant 0 : i32
    %dma_start3A_463 = arith.constant 0 : i32
    %dma_start3A_464 = tpu.memref_slice %arg3[%dma_start3A_462, %dma_start3A_463] : memref<1000000x64xf32, #tpu.memory_space<hbm>> -> memref<1000000x64xf32, #tpu.memory_space<hbm>>
    tpu.enqueue_indirect_dma source(%dma_start3A_464 : memref<1000000x64xf32, #tpu.memory_space<hbm>>) target(%dma_start3A_458 : memref<50x64xf32, #tpu.memory_space<vmem>>) offsets(%dma_start3A_461 : memref<50xi32, #tpu.memory_space<vmem>>) semaphore(%arg13 : memref<!tpu.dma_semaphore, #tpu.memory_space<semaphore_mem>>)
    %dma_start3A_465 = arith.constant 30 : i32
    %dma_start3A_466 = arith.constant 6 : i32
    %dma_start3A_467 = arith.constant 0 : i32
    %dma_start3A_468 = arith.constant 0 : i32
    %dma_start3A_469 = tpu.memref_slice %arg9[%dma_start3A_466, %dma_start3A_467, %dma_start3A_468] : memref<8x50x64xf32, #tpu.memory_space<vmem>> -> memref<1x50x64xf32, #tpu.memory_space<vmem>>
    %dma_start3A_470 = tpu.memref_squeeze %dma_start3A_469 : memref<1x50x64xf32, #tpu.memory_space<vmem>> -> memref<50x64xf32, #tpu.memory_space<vmem>>
    %dma_start3A_471 = arith.constant 0 : i32
    %dma_start3A_472 = tpu.memref_slice %arg5[%dma_start3A_465, %dma_start3A_471] : memref<512x50xi32, #tpu.memory_space<vmem>> -> memref<1x50xi32, #tpu.memory_space<vmem>>
    %dma_start3A_473 = tpu.memref_squeeze %dma_start3A_472 : memref<1x50xi32, #tpu.memory_space<vmem>> -> memref<50xi32, #tpu.memory_space<vmem>>
    %dma_start3A_474 = arith.constant 0 : i32
    %dma_start3A_475 = arith.constant 0 : i32
    %dma_start3A_476 = tpu.memref_slice %arg3[%dma_start3A_474, %dma_start3A_475] : memref<1000000x64xf32, #tpu.memory_space<hbm>> -> memref<1000000x64xf32, #tpu.memory_space<hbm>>
    tpu.enqueue_indirect_dma source(%dma_start3A_476 : memref<1000000x64xf32, #tpu.memory_space<hbm>>) target(%dma_start3A_470 : memref<50x64xf32, #tpu.memory_space<vmem>>) offsets(%dma_start3A_473 : memref<50xi32, #tpu.memory_space<vmem>>) semaphore(%arg13 : memref<!tpu.dma_semaphore, #tpu.memory_space<semaphore_mem>>)
    %dma_start3A_477 = arith.constant 31 : i32
    %dma_start3A_478 = arith.constant 7 : i32
    %dma_start3A_479 = arith.constant 0 : i32
    %dma_start3A_480 = arith.constant 0 : i32
    %dma_start3A_481 = tpu.memref_slice %arg9[%dma_start3A_478, %dma_start3A_479, %dma_start3A_480] : memref<8x50x64xf32, #tpu.memory_space<vmem>> -> memref<1x50x64xf32, #tpu.memory_space<vmem>>
    %dma_start3A_482 = tpu.memref_squeeze %dma_start3A_481 : memref<1x50x64xf32, #tpu.memory_space<vmem>> -> memref<50x64xf32, #tpu.memory_space<vmem>>
    %dma_start3A_483 = arith.constant 0 : i32
    %dma_start3A_484 = tpu.memref_slice %arg5[%dma_start3A_477, %dma_start3A_483] : memref<512x50xi32, #tpu.memory_space<vmem>> -> memref<1x50xi32, #tpu.memory_space<vmem>>
    %dma_start3A_485 = tpu.memref_squeeze %dma_start3A_484 : memref<1x50xi32, #tpu.memory_space<vmem>> -> memref<50xi32, #tpu.memory_space<vmem>>
    %dma_start3A_486 = arith.constant 0 : i32
    %dma_start3A_487 = arith.constant 0 : i32
    %dma_start3A_488 = tpu.memref_slice %arg3[%dma_start3A_486, %dma_start3A_487] : memref<1000000x64xf32, #tpu.memory_space<hbm>> -> memref<1000000x64xf32, #tpu.memory_space<hbm>>
    tpu.enqueue_indirect_dma source(%dma_start3A_488 : memref<1000000x64xf32, #tpu.memory_space<hbm>>) target(%dma_start3A_482 : memref<50x64xf32, #tpu.memory_space<vmem>>) offsets(%dma_start3A_485 : memref<50xi32, #tpu.memory_space<vmem>>) semaphore(%arg13 : memref<!tpu.dma_semaphore, #tpu.memory_space<semaphore_mem>>)
    %dma_wait3A_489 = arith.constant 8 : i32
    %dma_wait3A_490 = arith.constant 0 : i32
    %dma_wait3A_491 = arith.constant 0 : i32
    %dma_wait3A_492 = arith.constant 0 : i32
    %dma_wait3A_493 = tpu.memref_slice %arg7[%dma_wait3A_490, %dma_wait3A_491, %dma_wait3A_492] : memref<8x50x64xf32, #tpu.memory_space<vmem>> -> memref<1x50x64xf32, #tpu.memory_space<vmem>>
    %dma_wait3A_494 = tpu.memref_squeeze %dma_wait3A_493 : memref<1x50x64xf32, #tpu.memory_space<vmem>> -> memref<50x64xf32, #tpu.memory_space<vmem>>
    %dma_wait3A_495 = arith.constant 0 : i32
    %dma_wait3A_496 = tpu.memref_slice %arg5[%dma_wait3A_489, %dma_wait3A_495] : memref<512x50xi32, #tpu.memory_space<vmem>> -> memref<1x50xi32, #tpu.memory_space<vmem>>
    %dma_wait3A_497 = tpu.memref_squeeze %dma_wait3A_496 : memref<1x50xi32, #tpu.memory_space<vmem>> -> memref<50xi32, #tpu.memory_space<vmem>>
    %dma_wait3A_498 = arith.constant 0 : i32
    %dma_wait3A_499 = arith.constant 0 : i32
    %dma_wait3A_500 = tpu.memref_slice %arg3[%dma_wait3A_498, %dma_wait3A_499] : memref<1000000x64xf32, #tpu.memory_space<hbm>> -> memref<1000000x64xf32, #tpu.memory_space<hbm>>
    tpu.wait_indirect_dma semaphore(%arg11 : memref<!tpu.dma_semaphore, #tpu.memory_space<semaphore_mem>>) src(%dma_wait3A_500 : memref<1000000x64xf32, #tpu.memory_space<hbm>>) dst(%dma_wait3A_494 : memref<50x64xf32, #tpu.memory_space<vmem>>)
    %dma_wait3A_501 = arith.constant 9 : i32
    %dma_wait3A_502 = arith.constant 1 : i32
    %dma_wait3A_503 = arith.constant 0 : i32
    %dma_wait3A_504 = arith.constant 0 : i32
    %dma_wait3A_505 = tpu.memref_slice %arg7[%dma_wait3A_502, %dma_wait3A_503, %dma_wait3A_504] : memref<8x50x64xf32, #tpu.memory_space<vmem>> -> memref<1x50x64xf32, #tpu.memory_space<vmem>>
    %dma_wait3A_506 = tpu.memref_squeeze %dma_wait3A_505 : memref<1x50x64xf32, #tpu.memory_space<vmem>> -> memref<50x64xf32, #tpu.memory_space<vmem>>
    %dma_wait3A_507 = arith.constant 0 : i32
    %dma_wait3A_508 = tpu.memref_slice %arg5[%dma_wait3A_501, %dma_wait3A_507] : memref<512x50xi32, #tpu.memory_space<vmem>> -> memref<1x50xi32, #tpu.memory_space<vmem>>
    %dma_wait3A_509 = tpu.memref_squeeze %dma_wait3A_508 : memref<1x50xi32, #tpu.memory_space<vmem>> -> memref<50xi32, #tpu.memory_space<vmem>>
    %dma_wait3A_510 = arith.constant 0 : i32
    %dma_wait3A_511 = arith.constant 0 : i32
    %dma_wait3A_512 = tpu.memref_slice %arg3[%dma_wait3A_510, %dma_wait3A_511] : memref<1000000x64xf32, #tpu.memory_space<hbm>> -> memref<1000000x64xf32, #tpu.memory_space<hbm>>
    tpu.wait_indirect_dma semaphore(%arg11 : memref<!tpu.dma_semaphore, #tpu.memory_space<semaphore_mem>>) src(%dma_wait3A_512 : memref<1000000x64xf32, #tpu.memory_space<hbm>>) dst(%dma_wait3A_506 : memref<50x64xf32, #tpu.memory_space<vmem>>)
    %dma_wait3A_513 = arith.constant 10 : i32
    %dma_wait3A_514 = arith.constant 2 : i32
    %dma_wait3A_515 = arith.constant 0 : i32
    %dma_wait3A_516 = arith.constant 0 : i32
    %dma_wait3A_517 = tpu.memref_slice %arg7[%dma_wait3A_514, %dma_wait3A_515, %dma_wait3A_516] : memref<8x50x64xf32, #tpu.memory_space<vmem>> -> memref<1x50x64xf32, #tpu.memory_space<vmem>>
    %dma_wait3A_518 = tpu.memref_squeeze %dma_wait3A_517 : memref<1x50x64xf32, #tpu.memory_space<vmem>> -> memref<50x64xf32, #tpu.memory_space<vmem>>
    %dma_wait3A_519 = arith.constant 0 : i32
    %dma_wait3A_520 = tpu.memref_slice %arg5[%dma_wait3A_513, %dma_wait3A_519] : memref<512x50xi32, #tpu.memory_space<vmem>> -> memref<1x50xi32, #tpu.memory_space<vmem>>
    %dma_wait3A_521 = tpu.memref_squeeze %dma_wait3A_520 : memref<1x50xi32, #tpu.memory_space<vmem>> -> memref<50xi32, #tpu.memory_space<vmem>>
    %dma_wait3A_522 = arith.constant 0 : i32
    %dma_wait3A_523 = arith.constant 0 : i32
    %dma_wait3A_524 = tpu.memref_slice %arg3[%dma_wait3A_522, %dma_wait3A_523] : memref<1000000x64xf32, #tpu.memory_space<hbm>> -> memref<1000000x64xf32, #tpu.memory_space<hbm>>
    tpu.wait_indirect_dma semaphore(%arg11 : memref<!tpu.dma_semaphore, #tpu.memory_space<semaphore_mem>>) src(%dma_wait3A_524 : memref<1000000x64xf32, #tpu.memory_space<hbm>>) dst(%dma_wait3A_518 : memref<50x64xf32, #tpu.memory_space<vmem>>)
    %dma_wait3A_525 = arith.constant 11 : i32
    %dma_wait3A_526 = arith.constant 3 : i32
    %dma_wait3A_527 = arith.constant 0 : i32
    %dma_wait3A_528 = arith.constant 0 : i32
    %dma_wait3A_529 = tpu.memref_slice %arg7[%dma_wait3A_526, %dma_wait3A_527, %dma_wait3A_528] : memref<8x50x64xf32, #tpu.memory_space<vmem>> -> memref<1x50x64xf32, #tpu.memory_space<vmem>>
    %dma_wait3A_530 = tpu.memref_squeeze %dma_wait3A_529 : memref<1x50x64xf32, #tpu.memory_space<vmem>> -> memref<50x64xf32, #tpu.memory_space<vmem>>
    %dma_wait3A_531 = arith.constant 0 : i32
    %dma_wait3A_532 = tpu.memref_slice %arg5[%dma_wait3A_525, %dma_wait3A_531] : memref<512x50xi32, #tpu.memory_space<vmem>> -> memref<1x50xi32, #tpu.memory_space<vmem>>
    %dma_wait3A_533 = tpu.memref_squeeze %dma_wait3A_532 : memref<1x50xi32, #tpu.memory_space<vmem>> -> memref<50xi32, #tpu.memory_space<vmem>>
    %dma_wait3A_534 = arith.constant 0 : i32
    %dma_wait3A_535 = arith.constant 0 : i32
    %dma_wait3A_536 = tpu.memref_slice %arg3[%dma_wait3A_534, %dma_wait3A_535] : memref<1000000x64xf32, #tpu.memory_space<hbm>> -> memref<1000000x64xf32, #tpu.memory_space<hbm>>
    tpu.wait_indirect_dma semaphore(%arg11 : memref<!tpu.dma_semaphore, #tpu.memory_space<semaphore_mem>>) src(%dma_wait3A_536 : memref<1000000x64xf32, #tpu.memory_space<hbm>>) dst(%dma_wait3A_530 : memref<50x64xf32, #tpu.memory_space<vmem>>)
    %dma_wait3A_537 = arith.constant 12 : i32
    %dma_wait3A_538 = arith.constant 4 : i32
    %dma_wait3A_539 = arith.constant 0 : i32
    %dma_wait3A_540 = arith.constant 0 : i32
    %dma_wait3A_541 = tpu.memref_slice %arg7[%dma_wait3A_538, %dma_wait3A_539, %dma_wait3A_540] : memref<8x50x64xf32, #tpu.memory_space<vmem>> -> memref<1x50x64xf32, #tpu.memory_space<vmem>>
    %dma_wait3A_542 = tpu.memref_squeeze %dma_wait3A_541 : memref<1x50x64xf32, #tpu.memory_space<vmem>> -> memref<50x64xf32, #tpu.memory_space<vmem>>
    %dma_wait3A_543 = arith.constant 0 : i32
    %dma_wait3A_544 = tpu.memref_slice %arg5[%dma_wait3A_537, %dma_wait3A_543] : memref<512x50xi32, #tpu.memory_space<vmem>> -> memref<1x50xi32, #tpu.memory_space<vmem>>
    %dma_wait3A_545 = tpu.memref_squeeze %dma_wait3A_544 : memref<1x50xi32, #tpu.memory_space<vmem>> -> memref<50xi32, #tpu.memory_space<vmem>>
    %dma_wait3A_546 = arith.constant 0 : i32
    %dma_wait3A_547 = arith.constant 0 : i32
    %dma_wait3A_548 = tpu.memref_slice %arg3[%dma_wait3A_546, %dma_wait3A_547] : memref<1000000x64xf32, #tpu.memory_space<hbm>> -> memref<1000000x64xf32, #tpu.memory_space<hbm>>
    tpu.wait_indirect_dma semaphore(%arg11 : memref<!tpu.dma_semaphore, #tpu.memory_space<semaphore_mem>>) src(%dma_wait3A_548 : memref<1000000x64xf32, #tpu.memory_space<hbm>>) dst(%dma_wait3A_542 : memref<50x64xf32, #tpu.memory_space<vmem>>)
    %dma_wait3A_549 = arith.constant 13 : i32
    %dma_wait3A_550 = arith.constant 5 : i32
    %dma_wait3A_551 = arith.constant 0 : i32
    %dma_wait3A_552 = arith.constant 0 : i32
    %dma_wait3A_553 = tpu.memref_slice %arg7[%dma_wait3A_550, %dma_wait3A_551, %dma_wait3A_552] : memref<8x50x64xf32, #tpu.memory_space<vmem>> -> memref<1x50x64xf32, #tpu.memory_space<vmem>>
    %dma_wait3A_554 = tpu.memref_squeeze %dma_wait3A_553 : memref<1x50x64xf32, #tpu.memory_space<vmem>> -> memref<50x64xf32, #tpu.memory_space<vmem>>
    %dma_wait3A_555 = arith.constant 0 : i32
    %dma_wait3A_556 = tpu.memref_slice %arg5[%dma_wait3A_549, %dma_wait3A_555] : memref<512x50xi32, #tpu.memory_space<vmem>> -> memref<1x50xi32, #tpu.memory_space<vmem>>
    %dma_wait3A_557 = tpu.memref_squeeze %dma_wait3A_556 : memref<1x50xi32, #tpu.memory_space<vmem>> -> memref<50xi32, #tpu.memory_space<vmem>>
    %dma_wait3A_558 = arith.constant 0 : i32
    %dma_wait3A_559 = arith.constant 0 : i32
    %dma_wait3A_560 = tpu.memref_slice %arg3[%dma_wait3A_558, %dma_wait3A_559] : memref<1000000x64xf32, #tpu.memory_space<hbm>> -> memref<1000000x64xf32, #tpu.memory_space<hbm>>
    tpu.wait_indirect_dma semaphore(%arg11 : memref<!tpu.dma_semaphore, #tpu.memory_space<semaphore_mem>>) src(%dma_wait3A_560 : memref<1000000x64xf32, #tpu.memory_space<hbm>>) dst(%dma_wait3A_554 : memref<50x64xf32, #tpu.memory_space<vmem>>)
    %dma_wait3A_561 = arith.constant 14 : i32
    %dma_wait3A_562 = arith.constant 6 : i32
    %dma_wait3A_563 = arith.constant 0 : i32
    %dma_wait3A_564 = arith.constant 0 : i32
    %dma_wait3A_565 = tpu.memref_slice %arg7[%dma_wait3A_562, %dma_wait3A_563, %dma_wait3A_564] : memref<8x50x64xf32, #tpu.memory_space<vmem>> -> memref<1x50x64xf32, #tpu.memory_space<vmem>>
    %dma_wait3A_566 = tpu.memref_squeeze %dma_wait3A_565 : memref<1x50x64xf32, #tpu.memory_space<vmem>> -> memref<50x64xf32, #tpu.memory_space<vmem>>
    %dma_wait3A_567 = arith.constant 0 : i32
    %dma_wait3A_568 = tpu.memref_slice %arg5[%dma_wait3A_561, %dma_wait3A_567] : memref<512x50xi32, #tpu.memory_space<vmem>> -> memref<1x50xi32, #tpu.memory_space<vmem>>
    %dma_wait3A_569 = tpu.memref_squeeze %dma_wait3A_568 : memref<1x50xi32, #tpu.memory_space<vmem>> -> memref<50xi32, #tpu.memory_space<vmem>>
    %dma_wait3A_570 = arith.constant 0 : i32
    %dma_wait3A_571 = arith.constant 0 : i32
    %dma_wait3A_572 = tpu.memref_slice %arg3[%dma_wait3A_570, %dma_wait3A_571] : memref<1000000x64xf32, #tpu.memory_space<hbm>> -> memref<1000000x64xf32, #tpu.memory_space<hbm>>
    tpu.wait_indirect_dma semaphore(%arg11 : memref<!tpu.dma_semaphore, #tpu.memory_space<semaphore_mem>>) src(%dma_wait3A_572 : memref<1000000x64xf32, #tpu.memory_space<hbm>>) dst(%dma_wait3A_566 : memref<50x64xf32, #tpu.memory_space<vmem>>)
    %dma_wait3A_573 = arith.constant 15 : i32
    %dma_wait3A_574 = arith.constant 7 : i32
    %dma_wait3A_575 = arith.constant 0 : i32
    %dma_wait3A_576 = arith.constant 0 : i32
    %dma_wait3A_577 = tpu.memref_slice %arg7[%dma_wait3A_574, %dma_wait3A_575, %dma_wait3A_576] : memref<8x50x64xf32, #tpu.memory_space<vmem>> -> memref<1x50x64xf32, #tpu.memory_space<vmem>>
    %dma_wait3A_578 = tpu.memref_squeeze %dma_wait3A_577 : memref<1x50x64xf32, #tpu.memory_space<vmem>> -> memref<50x64xf32, #tpu.memory_space<vmem>>
    %dma_wait3A_579 = arith.constant 0 : i32
    %dma_wait3A_580 = tpu.memref_slice %arg5[%dma_wait3A_573, %dma_wait3A_579] : memref<512x50xi32, #tpu.memory_space<vmem>> -> memref<1x50xi32, #tpu.memory_space<vmem>>
    %dma_wait3A_581 = tpu.memref_squeeze %dma_wait3A_580 : memref<1x50xi32, #tpu.memory_space<vmem>> -> memref<50xi32, #tpu.memory_space<vmem>>
    %dma_wait3A_582 = arith.constant 0 : i32
    %dma_wait3A_583 = arith.constant 0 : i32
    %dma_wait3A_584 = tpu.memref_slice %arg3[%dma_wait3A_582, %dma_wait3A_583] : memref<1000000x64xf32, #tpu.memory_space<hbm>> -> memref<1000000x64xf32, #tpu.memory_space<hbm>>
    tpu.wait_indirect_dma semaphore(%arg11 : memref<!tpu.dma_semaphore, #tpu.memory_space<semaphore_mem>>) src(%dma_wait3A_584 : memref<1000000x64xf32, #tpu.memory_space<hbm>>) dst(%dma_wait3A_578 : memref<50x64xf32, #tpu.memory_space<vmem>>)
    %add3A_585 = arith.constant 8 : i32
    %add3A_586 = arith.addi %mul3A_2, %add3A_585 : i32
    %dma_start3A_587 = arith.constant 0 : i32
    %dma_start3A_588 = arith.constant 0 : i32
    %dma_start3A_589 = tpu.memref_slice %arg4[%add3A_586, %dma_start3A_587, %dma_start3A_588] : memref<16384x50x64xf32, #tpu.memory_space<hbm>> -> memref<8x50x64xf32, #tpu.memory_space<hbm>>
    %dma_start3A_590 = arith.constant 0 : i32
    %dma_start3A_591 = arith.constant 0 : i32
    %dma_start3A_592 = tpu.memref_slice %arg4[%add3A_586, %dma_start3A_590, %dma_start3A_591] : memref<16384x50x64xf32, #tpu.memory_space<hbm>> -> memref<8x50x64xf32, #tpu.memory_space<hbm>>
    tpu.enqueue_dma source(%arg7 : memref<8x50x64xf32, #tpu.memory_space<vmem>>) target(%dma_start3A_592 : memref<8x50x64xf32, #tpu.memory_space<hbm>>) target_semaphore(%arg15 : memref<!tpu.dma_semaphore, #tpu.memory_space<semaphore_mem>>)
    %scan3A = arith.constant 0 : i32
    %scan3A_593 = arith.constant 1 : i32
    %scan3A_594 = arith.constant 15 : i32
    %scan3A_595 = arith.addi %scan3A_593, %scan3A_594 : i32
    %scan3A_596 = arith.constant 1 : i32
    scf.for %scan3A_838 = %scan3A_593 to %scan3A_595 step %scan3A_596  : i32 {
      %mul3A_839 = arith.constant 4 : i32
      %mul3A_840 = arith.muli %scan3A_838, %mul3A_839 : i32
      %add3A_841 = arith.constant 0 : i32
      %add3A_842 = arith.addi %mul3A_840, %add3A_841 : i32
      %sub3A = arith.constant 4 : i32
      %sub3A_843 = arith.subi %add3A_842, %sub3A : i32
      %mul3A_844 = arith.constant 8 : i32
      %mul3A_845 = arith.muli %sub3A_843, %mul3A_844 : i32
      %add3A_846 = arith.addi %mul3A_2, %mul3A_845 : i32
      %dma_wait3A_847 = arith.constant 0 : i32
      %dma_wait3A_848 = arith.constant 0 : i32
      %dma_wait3A_849 = tpu.memref_slice %arg4[%add3A_846, %dma_wait3A_847, %dma_wait3A_848] : memref<16384x50x64xf32, #tpu.memory_space<hbm>> -> memref<8x50x64xf32, #tpu.memory_space<hbm>>
      %dma_wait3A_850 = arith.constant 0 : i32
      %dma_wait3A_851 = arith.constant 0 : i32
      %dma_wait3A_852 = tpu.memref_slice %arg4[%add3A_846, %dma_wait3A_850, %dma_wait3A_851] : memref<16384x50x64xf32, #tpu.memory_space<hbm>> -> memref<8x50x64xf32, #tpu.memory_space<hbm>>
      tpu.wait_dma2 semaphore(%arg14 : memref<!tpu.dma_semaphore, #tpu.memory_space<semaphore_mem>>) src(%arg6 : memref<8x50x64xf32, #tpu.memory_space<vmem>>) dst(%dma_wait3A_852 : memref<8x50x64xf32, #tpu.memory_space<hbm>>)
      %mul3A_853 = arith.constant 8 : i32
      %mul3A_854 = arith.muli %add3A_842, %mul3A_853 : i32
      %add3A_855 = arith.constant 0 : i32
      %add3A_856 = arith.addi %mul3A_854, %add3A_855 : i32
      %dma_start3A_857 = arith.constant 0 : i32
      %dma_start3A_858 = arith.constant 0 : i32
      %dma_start3A_859 = arith.constant 0 : i32
      %dma_start3A_860 = tpu.memref_slice %arg6[%dma_start3A_857, %dma_start3A_858, %dma_start3A_859] : memref<8x50x64xf32, #tpu.memory_space<vmem>> -> memref<1x50x64xf32, #tpu.memory_space<vmem>>
      %dma_start3A_861 = tpu.memref_squeeze %dma_start3A_860 : memref<1x50x64xf32, #tpu.memory_space<vmem>> -> memref<50x64xf32, #tpu.memory_space<vmem>>
      %dma_start3A_862 = arith.constant 0 : i32
      %dma_start3A_863 = tpu.memref_slice %arg5[%add3A_856, %dma_start3A_862] : memref<512x50xi32, #tpu.memory_space<vmem>> -> memref<1x50xi32, #tpu.memory_space<vmem>>
      %dma_start3A_864 = tpu.memref_squeeze %dma_start3A_863 : memref<1x50xi32, #tpu.memory_space<vmem>> -> memref<50xi32, #tpu.memory_space<vmem>>
      %dma_start3A_865 = arith.constant 0 : i32
      %dma_start3A_866 = arith.constant 0 : i32
      %dma_start3A_867 = tpu.memref_slice %arg3[%dma_start3A_865, %dma_start3A_866] : memref<1000000x64xf32, #tpu.memory_space<hbm>> -> memref<1000000x64xf32, #tpu.memory_space<hbm>>
      tpu.enqueue_indirect_dma source(%dma_start3A_867 : memref<1000000x64xf32, #tpu.memory_space<hbm>>) target(%dma_start3A_861 : memref<50x64xf32, #tpu.memory_space<vmem>>) offsets(%dma_start3A_864 : memref<50xi32, #tpu.memory_space<vmem>>) semaphore(%arg10 : memref<!tpu.dma_semaphore, #tpu.memory_space<semaphore_mem>>)
      %mul3A_868 = arith.constant 8 : i32
      %mul3A_869 = arith.muli %add3A_842, %mul3A_868 : i32
      %add3A_870 = arith.constant 1 : i32
      %add3A_871 = arith.addi %mul3A_869, %add3A_870 : i32
      %dma_start3A_872 = arith.constant 1 : i32
      %dma_start3A_873 = arith.constant 0 : i32
      %dma_start3A_874 = arith.constant 0 : i32
      %dma_start3A_875 = tpu.memref_slice %arg6[%dma_start3A_872, %dma_start3A_873, %dma_start3A_874] : memref<8x50x64xf32, #tpu.memory_space<vmem>> -> memref<1x50x64xf32, #tpu.memory_space<vmem>>
      %dma_start3A_876 = tpu.memref_squeeze %dma_start3A_875 : memref<1x50x64xf32, #tpu.memory_space<vmem>> -> memref<50x64xf32, #tpu.memory_space<vmem>>
      %dma_start3A_877 = arith.constant 0 : i32
      %dma_start3A_878 = tpu.memref_slice %arg5[%add3A_871, %dma_start3A_877] : memref<512x50xi32, #tpu.memory_space<vmem>> -> memref<1x50xi32, #tpu.memory_space<vmem>>
      %dma_start3A_879 = tpu.memref_squeeze %dma_start3A_878 : memref<1x50xi32, #tpu.memory_space<vmem>> -> memref<50xi32, #tpu.memory_space<vmem>>
      %dma_start3A_880 = arith.constant 0 : i32
      %dma_start3A_881 = arith.constant 0 : i32
      %dma_start3A_882 = tpu.memref_slice %arg3[%dma_start3A_880, %dma_start3A_881] : memref<1000000x64xf32, #tpu.memory_space<hbm>> -> memref<1000000x64xf32, #tpu.memory_space<hbm>>
      tpu.enqueue_indirect_dma source(%dma_start3A_882 : memref<1000000x64xf32, #tpu.memory_space<hbm>>) target(%dma_start3A_876 : memref<50x64xf32, #tpu.memory_space<vmem>>) offsets(%dma_start3A_879 : memref<50xi32, #tpu.memory_space<vmem>>) semaphore(%arg10 : memref<!tpu.dma_semaphore, #tpu.memory_space<semaphore_mem>>)
      %mul3A_883 = arith.constant 8 : i32
      %mul3A_884 = arith.muli %add3A_842, %mul3A_883 : i32
      %add3A_885 = arith.constant 2 : i32
      %add3A_886 = arith.addi %mul3A_884, %add3A_885 : i32
      %dma_start3A_887 = arith.constant 2 : i32
      %dma_start3A_888 = arith.constant 0 : i32
      %dma_start3A_889 = arith.constant 0 : i32
      %dma_start3A_890 = tpu.memref_slice %arg6[%dma_start3A_887, %dma_start3A_888, %dma_start3A_889] : memref<8x50x64xf32, #tpu.memory_space<vmem>> -> memref<1x50x64xf32, #tpu.memory_space<vmem>>
      %dma_start3A_891 = tpu.memref_squeeze %dma_start3A_890 : memref<1x50x64xf32, #tpu.memory_space<vmem>> -> memref<50x64xf32, #tpu.memory_space<vmem>>
      %dma_start3A_892 = arith.constant 0 : i32
      %dma_start3A_893 = tpu.memref_slice %arg5[%add3A_886, %dma_start3A_892] : memref<512x50xi32, #tpu.memory_space<vmem>> -> memref<1x50xi32, #tpu.memory_space<vmem>>
      %dma_start3A_894 = tpu.memref_squeeze %dma_start3A_893 : memref<1x50xi32, #tpu.memory_space<vmem>> -> memref<50xi32, #tpu.memory_space<vmem>>
      %dma_start3A_895 = arith.constant 0 : i32
      %dma_start3A_896 = arith.constant 0 : i32
      %dma_start3A_897 = tpu.memref_slice %arg3[%dma_start3A_895, %dma_start3A_896] : memref<1000000x64xf32, #tpu.memory_space<hbm>> -> memref<1000000x64xf32, #tpu.memory_space<hbm>>
      tpu.enqueue_indirect_dma source(%dma_start3A_897 : memref<1000000x64xf32, #tpu.memory_space<hbm>>) target(%dma_start3A_891 : memref<50x64xf32, #tpu.memory_space<vmem>>) offsets(%dma_start3A_894 : memref<50xi32, #tpu.memory_space<vmem>>) semaphore(%arg10 : memref<!tpu.dma_semaphore, #tpu.memory_space<semaphore_mem>>)
      %mul3A_898 = arith.constant 8 : i32
      %mul3A_899 = arith.muli %add3A_842, %mul3A_898 : i32
      %add3A_900 = arith.constant 3 : i32
      %add3A_901 = arith.addi %mul3A_899, %add3A_900 : i32
      %dma_start3A_902 = arith.constant 3 : i32
      %dma_start3A_903 = arith.constant 0 : i32
      %dma_start3A_904 = arith.constant 0 : i32
      %dma_start3A_905 = tpu.memref_slice %arg6[%dma_start3A_902, %dma_start3A_903, %dma_start3A_904] : memref<8x50x64xf32, #tpu.memory_space<vmem>> -> memref<1x50x64xf32, #tpu.memory_space<vmem>>
      %dma_start3A_906 = tpu.memref_squeeze %dma_start3A_905 : memref<1x50x64xf32, #tpu.memory_space<vmem>> -> memref<50x64xf32, #tpu.memory_space<vmem>>
      %dma_start3A_907 = arith.constant 0 : i32
      %dma_start3A_908 = tpu.memref_slice %arg5[%add3A_901, %dma_start3A_907] : memref<512x50xi32, #tpu.memory_space<vmem>> -> memref<1x50xi32, #tpu.memory_space<vmem>>
      %dma_start3A_909 = tpu.memref_squeeze %dma_start3A_908 : memref<1x50xi32, #tpu.memory_space<vmem>> -> memref<50xi32, #tpu.memory_space<vmem>>
      %dma_start3A_910 = arith.constant 0 : i32
      %dma_start3A_911 = arith.constant 0 : i32
      %dma_start3A_912 = tpu.memref_slice %arg3[%dma_start3A_910, %dma_start3A_911] : memref<1000000x64xf32, #tpu.memory_space<hbm>> -> memref<1000000x64xf32, #tpu.memory_space<hbm>>
      tpu.enqueue_indirect_dma source(%dma_start3A_912 : memref<1000000x64xf32, #tpu.memory_space<hbm>>) target(%dma_start3A_906 : memref<50x64xf32, #tpu.memory_space<vmem>>) offsets(%dma_start3A_909 : memref<50xi32, #tpu.memory_space<vmem>>) semaphore(%arg10 : memref<!tpu.dma_semaphore, #tpu.memory_space<semaphore_mem>>)
      %mul3A_913 = arith.constant 8 : i32
      %mul3A_914 = arith.muli %add3A_842, %mul3A_913 : i32
      %add3A_915 = arith.constant 4 : i32
      %add3A_916 = arith.addi %mul3A_914, %add3A_915 : i32
      %dma_start3A_917 = arith.constant 4 : i32
      %dma_start3A_918 = arith.constant 0 : i32
      %dma_start3A_919 = arith.constant 0 : i32
      %dma_start3A_920 = tpu.memref_slice %arg6[%dma_start3A_917, %dma_start3A_918, %dma_start3A_919] : memref<8x50x64xf32, #tpu.memory_space<vmem>> -> memref<1x50x64xf32, #tpu.memory_space<vmem>>
      %dma_start3A_921 = tpu.memref_squeeze %dma_start3A_920 : memref<1x50x64xf32, #tpu.memory_space<vmem>> -> memref<50x64xf32, #tpu.memory_space<vmem>>
      %dma_start3A_922 = arith.constant 0 : i32
      %dma_start3A_923 = tpu.memref_slice %arg5[%add3A_916, %dma_start3A_922] : memref<512x50xi32, #tpu.memory_space<vmem>> -> memref<1x50xi32, #tpu.memory_space<vmem>>
      %dma_start3A_924 = tpu.memref_squeeze %dma_start3A_923 : memref<1x50xi32, #tpu.memory_space<vmem>> -> memref<50xi32, #tpu.memory_space<vmem>>
      %dma_start3A_925 = arith.constant 0 : i32
      %dma_start3A_926 = arith.constant 0 : i32
      %dma_start3A_927 = tpu.memref_slice %arg3[%dma_start3A_925, %dma_start3A_926] : memref<1000000x64xf32, #tpu.memory_space<hbm>> -> memref<1000000x64xf32, #tpu.memory_space<hbm>>
      tpu.enqueue_indirect_dma source(%dma_start3A_927 : memref<1000000x64xf32, #tpu.memory_space<hbm>>) target(%dma_start3A_921 : memref<50x64xf32, #tpu.memory_space<vmem>>) offsets(%dma_start3A_924 : memref<50xi32, #tpu.memory_space<vmem>>) semaphore(%arg10 : memref<!tpu.dma_semaphore, #tpu.memory_space<semaphore_mem>>)
      %mul3A_928 = arith.constant 8 : i32
      %mul3A_929 = arith.muli %add3A_842, %mul3A_928 : i32
      %add3A_930 = arith.constant 5 : i32
      %add3A_931 = arith.addi %mul3A_929, %add3A_930 : i32
      %dma_start3A_932 = arith.constant 5 : i32
      %dma_start3A_933 = arith.constant 0 : i32
      %dma_start3A_934 = arith.constant 0 : i32
      %dma_start3A_935 = tpu.memref_slice %arg6[%dma_start3A_932, %dma_start3A_933, %dma_start3A_934] : memref<8x50x64xf32, #tpu.memory_space<vmem>> -> memref<1x50x64xf32, #tpu.memory_space<vmem>>
      %dma_start3A_936 = tpu.memref_squeeze %dma_start3A_935 : memref<1x50x64xf32, #tpu.memory_space<vmem>> -> memref<50x64xf32, #tpu.memory_space<vmem>>
      %dma_start3A_937 = arith.constant 0 : i32
      %dma_start3A_938 = tpu.memref_slice %arg5[%add3A_931, %dma_start3A_937] : memref<512x50xi32, #tpu.memory_space<vmem>> -> memref<1x50xi32, #tpu.memory_space<vmem>>
      %dma_start3A_939 = tpu.memref_squeeze %dma_start3A_938 : memref<1x50xi32, #tpu.memory_space<vmem>> -> memref<50xi32, #tpu.memory_space<vmem>>
      %dma_start3A_940 = arith.constant 0 : i32
      %dma_start3A_941 = arith.constant 0 : i32
      %dma_start3A_942 = tpu.memref_slice %arg3[%dma_start3A_940, %dma_start3A_941] : memref<1000000x64xf32, #tpu.memory_space<hbm>> -> memref<1000000x64xf32, #tpu.memory_space<hbm>>
      tpu.enqueue_indirect_dma source(%dma_start3A_942 : memref<1000000x64xf32, #tpu.memory_space<hbm>>) target(%dma_start3A_936 : memref<50x64xf32, #tpu.memory_space<vmem>>) offsets(%dma_start3A_939 : memref<50xi32, #tpu.memory_space<vmem>>) semaphore(%arg10 : memref<!tpu.dma_semaphore, #tpu.memory_space<semaphore_mem>>)
      %mul3A_943 = arith.constant 8 : i32
      %mul3A_944 = arith.muli %add3A_842, %mul3A_943 : i32
      %add3A_945 = arith.constant 6 : i32
      %add3A_946 = arith.addi %mul3A_944, %add3A_945 : i32
      %dma_start3A_947 = arith.constant 6 : i32
      %dma_start3A_948 = arith.constant 0 : i32
      %dma_start3A_949 = arith.constant 0 : i32
      %dma_start3A_950 = tpu.memref_slice %arg6[%dma_start3A_947, %dma_start3A_948, %dma_start3A_949] : memref<8x50x64xf32, #tpu.memory_space<vmem>> -> memref<1x50x64xf32, #tpu.memory_space<vmem>>
      %dma_start3A_951 = tpu.memref_squeeze %dma_start3A_950 : memref<1x50x64xf32, #tpu.memory_space<vmem>> -> memref<50x64xf32, #tpu.memory_space<vmem>>
      %dma_start3A_952 = arith.constant 0 : i32
      %dma_start3A_953 = tpu.memref_slice %arg5[%add3A_946, %dma_start3A_952] : memref<512x50xi32, #tpu.memory_space<vmem>> -> memref<1x50xi32, #tpu.memory_space<vmem>>
      %dma_start3A_954 = tpu.memref_squeeze %dma_start3A_953 : memref<1x50xi32, #tpu.memory_space<vmem>> -> memref<50xi32, #tpu.memory_space<vmem>>
      %dma_start3A_955 = arith.constant 0 : i32
      %dma_start3A_956 = arith.constant 0 : i32
      %dma_start3A_957 = tpu.memref_slice %arg3[%dma_start3A_955, %dma_start3A_956] : memref<1000000x64xf32, #tpu.memory_space<hbm>> -> memref<1000000x64xf32, #tpu.memory_space<hbm>>
      tpu.enqueue_indirect_dma source(%dma_start3A_957 : memref<1000000x64xf32, #tpu.memory_space<hbm>>) target(%dma_start3A_951 : memref<50x64xf32, #tpu.memory_space<vmem>>) offsets(%dma_start3A_954 : memref<50xi32, #tpu.memory_space<vmem>>) semaphore(%arg10 : memref<!tpu.dma_semaphore, #tpu.memory_space<semaphore_mem>>)
      %mul3A_958 = arith.constant 8 : i32
      %mul3A_959 = arith.muli %add3A_842, %mul3A_958 : i32
      %add3A_960 = arith.constant 7 : i32
      %add3A_961 = arith.addi %mul3A_959, %add3A_960 : i32
      %dma_start3A_962 = arith.constant 7 : i32
      %dma_start3A_963 = arith.constant 0 : i32
      %dma_start3A_964 = arith.constant 0 : i32
      %dma_start3A_965 = tpu.memref_slice %arg6[%dma_start3A_962, %dma_start3A_963, %dma_start3A_964] : memref<8x50x64xf32, #tpu.memory_space<vmem>> -> memref<1x50x64xf32, #tpu.memory_space<vmem>>
      %dma_start3A_966 = tpu.memref_squeeze %dma_start3A_965 : memref<1x50x64xf32, #tpu.memory_space<vmem>> -> memref<50x64xf32, #tpu.memory_space<vmem>>
      %dma_start3A_967 = arith.constant 0 : i32
      %dma_start3A_968 = tpu.memref_slice %arg5[%add3A_961, %dma_start3A_967] : memref<512x50xi32, #tpu.memory_space<vmem>> -> memref<1x50xi32, #tpu.memory_space<vmem>>
      %dma_start3A_969 = tpu.memref_squeeze %dma_start3A_968 : memref<1x50xi32, #tpu.memory_space<vmem>> -> memref<50xi32, #tpu.memory_space<vmem>>
      %dma_start3A_970 = arith.constant 0 : i32
      %dma_start3A_971 = arith.constant 0 : i32
      %dma_start3A_972 = tpu.memref_slice %arg3[%dma_start3A_970, %dma_start3A_971] : memref<1000000x64xf32, #tpu.memory_space<hbm>> -> memref<1000000x64xf32, #tpu.memory_space<hbm>>
      tpu.enqueue_indirect_dma source(%dma_start3A_972 : memref<1000000x64xf32, #tpu.memory_space<hbm>>) target(%dma_start3A_966 : memref<50x64xf32, #tpu.memory_space<vmem>>) offsets(%dma_start3A_969 : memref<50xi32, #tpu.memory_space<vmem>>) semaphore(%arg10 : memref<!tpu.dma_semaphore, #tpu.memory_space<semaphore_mem>>)
      %sub3A_973 = arith.constant 2 : i32
      %sub3A_974 = arith.subi %add3A_842, %sub3A_973 : i32
      %mul3A_975 = arith.constant 8 : i32
      %mul3A_976 = arith.muli %sub3A_974, %mul3A_975 : i32
      %add3A_977 = arith.constant 0 : i32
      %add3A_978 = arith.addi %mul3A_976, %add3A_977 : i32
      %dma_wait3A_979 = arith.constant 0 : i32
      %dma_wait3A_980 = arith.constant 0 : i32
      %dma_wait3A_981 = arith.constant 0 : i32
      %dma_wait3A_982 = tpu.memref_slice %arg8[%dma_wait3A_979, %dma_wait3A_980, %dma_wait3A_981] : memref<8x50x64xf32, #tpu.memory_space<vmem>> -> memref<1x50x64xf32, #tpu.memory_space<vmem>>
      %dma_wait3A_983 = tpu.memref_squeeze %dma_wait3A_982 : memref<1x50x64xf32, #tpu.memory_space<vmem>> -> memref<50x64xf32, #tpu.memory_space<vmem>>
      %dma_wait3A_984 = arith.constant 0 : i32
      %dma_wait3A_985 = tpu.memref_slice %arg5[%add3A_978, %dma_wait3A_984] : memref<512x50xi32, #tpu.memory_space<vmem>> -> memref<1x50xi32, #tpu.memory_space<vmem>>
      %dma_wait3A_986 = tpu.memref_squeeze %dma_wait3A_985 : memref<1x50xi32, #tpu.memory_space<vmem>> -> memref<50xi32, #tpu.memory_space<vmem>>
      %dma_wait3A_987 = arith.constant 0 : i32
      %dma_wait3A_988 = arith.constant 0 : i32
      %dma_wait3A_989 = tpu.memref_slice %arg3[%dma_wait3A_987, %dma_wait3A_988] : memref<1000000x64xf32, #tpu.memory_space<hbm>> -> memref<1000000x64xf32, #tpu.memory_space<hbm>>
      tpu.wait_indirect_dma semaphore(%arg12 : memref<!tpu.dma_semaphore, #tpu.memory_space<semaphore_mem>>) src(%dma_wait3A_989 : memref<1000000x64xf32, #tpu.memory_space<hbm>>) dst(%dma_wait3A_983 : memref<50x64xf32, #tpu.memory_space<vmem>>)
      %mul3A_990 = arith.constant 8 : i32
      %mul3A_991 = arith.muli %sub3A_974, %mul3A_990 : i32
      %add3A_992 = arith.constant 1 : i32
      %add3A_993 = arith.addi %mul3A_991, %add3A_992 : i32
      %dma_wait3A_994 = arith.constant 1 : i32
      %dma_wait3A_995 = arith.constant 0 : i32
      %dma_wait3A_996 = arith.constant 0 : i32
      %dma_wait3A_997 = tpu.memref_slice %arg8[%dma_wait3A_994, %dma_wait3A_995, %dma_wait3A_996] : memref<8x50x64xf32, #tpu.memory_space<vmem>> -> memref<1x50x64xf32, #tpu.memory_space<vmem>>
      %dma_wait3A_998 = tpu.memref_squeeze %dma_wait3A_997 : memref<1x50x64xf32, #tpu.memory_space<vmem>> -> memref<50x64xf32, #tpu.memory_space<vmem>>
      %dma_wait3A_999 = arith.constant 0 : i32
      %dma_wait3A_1000 = tpu.memref_slice %arg5[%add3A_993, %dma_wait3A_999] : memref<512x50xi32, #tpu.memory_space<vmem>> -> memref<1x50xi32, #tpu.memory_space<vmem>>
      %dma_wait3A_1001 = tpu.memref_squeeze %dma_wait3A_1000 : memref<1x50xi32, #tpu.memory_space<vmem>> -> memref<50xi32, #tpu.memory_space<vmem>>
      %dma_wait3A_1002 = arith.constant 0 : i32
      %dma_wait3A_1003 = arith.constant 0 : i32
      %dma_wait3A_1004 = tpu.memref_slice %arg3[%dma_wait3A_1002, %dma_wait3A_1003] : memref<1000000x64xf32, #tpu.memory_space<hbm>> -> memref<1000000x64xf32, #tpu.memory_space<hbm>>
      tpu.wait_indirect_dma semaphore(%arg12 : memref<!tpu.dma_semaphore, #tpu.memory_space<semaphore_mem>>) src(%dma_wait3A_1004 : memref<1000000x64xf32, #tpu.memory_space<hbm>>) dst(%dma_wait3A_998 : memref<50x64xf32, #tpu.memory_space<vmem>>)
      %mul3A_1005 = arith.constant 8 : i32
      %mul3A_1006 = arith.muli %sub3A_974, %mul3A_1005 : i32
      %add3A_1007 = arith.constant 2 : i32
      %add3A_1008 = arith.addi %mul3A_1006, %add3A_1007 : i32
      %dma_wait3A_1009 = arith.constant 2 : i32
      %dma_wait3A_1010 = arith.constant 0 : i32
      %dma_wait3A_1011 = arith.constant 0 : i32
      %dma_wait3A_1012 = tpu.memref_slice %arg8[%dma_wait3A_1009, %dma_wait3A_1010, %dma_wait3A_1011] : memref<8x50x64xf32, #tpu.memory_space<vmem>> -> memref<1x50x64xf32, #tpu.memory_space<vmem>>
      %dma_wait3A_1013 = tpu.memref_squeeze %dma_wait3A_1012 : memref<1x50x64xf32, #tpu.memory_space<vmem>> -> memref<50x64xf32, #tpu.memory_space<vmem>>
      %dma_wait3A_1014 = arith.constant 0 : i32
      %dma_wait3A_1015 = tpu.memref_slice %arg5[%add3A_1008, %dma_wait3A_1014] : memref<512x50xi32, #tpu.memory_space<vmem>> -> memref<1x50xi32, #tpu.memory_space<vmem>>
      %dma_wait3A_1016 = tpu.memref_squeeze %dma_wait3A_1015 : memref<1x50xi32, #tpu.memory_space<vmem>> -> memref<50xi32, #tpu.memory_space<vmem>>
      %dma_wait3A_1017 = arith.constant 0 : i32
      %dma_wait3A_1018 = arith.constant 0 : i32
      %dma_wait3A_1019 = tpu.memref_slice %arg3[%dma_wait3A_1017, %dma_wait3A_1018] : memref<1000000x64xf32, #tpu.memory_space<hbm>> -> memref<1000000x64xf32, #tpu.memory_space<hbm>>
      tpu.wait_indirect_dma semaphore(%arg12 : memref<!tpu.dma_semaphore, #tpu.memory_space<semaphore_mem>>) src(%dma_wait3A_1019 : memref<1000000x64xf32, #tpu.memory_space<hbm>>) dst(%dma_wait3A_1013 : memref<50x64xf32, #tpu.memory_space<vmem>>)
      %mul3A_1020 = arith.constant 8 : i32
      %mul3A_1021 = arith.muli %sub3A_974, %mul3A_1020 : i32
      %add3A_1022 = arith.constant 3 : i32
      %add3A_1023 = arith.addi %mul3A_1021, %add3A_1022 : i32
      %dma_wait3A_1024 = arith.constant 3 : i32
      %dma_wait3A_1025 = arith.constant 0 : i32
      %dma_wait3A_1026 = arith.constant 0 : i32
      %dma_wait3A_1027 = tpu.memref_slice %arg8[%dma_wait3A_1024, %dma_wait3A_1025, %dma_wait3A_1026] : memref<8x50x64xf32, #tpu.memory_space<vmem>> -> memref<1x50x64xf32, #tpu.memory_space<vmem>>
      %dma_wait3A_1028 = tpu.memref_squeeze %dma_wait3A_1027 : memref<1x50x64xf32, #tpu.memory_space<vmem>> -> memref<50x64xf32, #tpu.memory_space<vmem>>
      %dma_wait3A_1029 = arith.constant 0 : i32
      %dma_wait3A_1030 = tpu.memref_slice %arg5[%add3A_1023, %dma_wait3A_1029] : memref<512x50xi32, #tpu.memory_space<vmem>> -> memref<1x50xi32, #tpu.memory_space<vmem>>
      %dma_wait3A_1031 = tpu.memref_squeeze %dma_wait3A_1030 : memref<1x50xi32, #tpu.memory_space<vmem>> -> memref<50xi32, #tpu.memory_space<vmem>>
      %dma_wait3A_1032 = arith.constant 0 : i32
      %dma_wait3A_1033 = arith.constant 0 : i32
      %dma_wait3A_1034 = tpu.memref_slice %arg3[%dma_wait3A_1032, %dma_wait3A_1033] : memref<1000000x64xf32, #tpu.memory_space<hbm>> -> memref<1000000x64xf32, #tpu.memory_space<hbm>>
      tpu.wait_indirect_dma semaphore(%arg12 : memref<!tpu.dma_semaphore, #tpu.memory_space<semaphore_mem>>) src(%dma_wait3A_1034 : memref<1000000x64xf32, #tpu.memory_space<hbm>>) dst(%dma_wait3A_1028 : memref<50x64xf32, #tpu.memory_space<vmem>>)
      %mul3A_1035 = arith.constant 8 : i32
      %mul3A_1036 = arith.muli %sub3A_974, %mul3A_1035 : i32
      %add3A_1037 = arith.constant 4 : i32
      %add3A_1038 = arith.addi %mul3A_1036, %add3A_1037 : i32
      %dma_wait3A_1039 = arith.constant 4 : i32
      %dma_wait3A_1040 = arith.constant 0 : i32
      %dma_wait3A_1041 = arith.constant 0 : i32
      %dma_wait3A_1042 = tpu.memref_slice %arg8[%dma_wait3A_1039, %dma_wait3A_1040, %dma_wait3A_1041] : memref<8x50x64xf32, #tpu.memory_space<vmem>> -> memref<1x50x64xf32, #tpu.memory_space<vmem>>
      %dma_wait3A_1043 = tpu.memref_squeeze %dma_wait3A_1042 : memref<1x50x64xf32, #tpu.memory_space<vmem>> -> memref<50x64xf32, #tpu.memory_space<vmem>>
      %dma_wait3A_1044 = arith.constant 0 : i32
      %dma_wait3A_1045 = tpu.memref_slice %arg5[%add3A_1038, %dma_wait3A_1044] : memref<512x50xi32, #tpu.memory_space<vmem>> -> memref<1x50xi32, #tpu.memory_space<vmem>>
      %dma_wait3A_1046 = tpu.memref_squeeze %dma_wait3A_1045 : memref<1x50xi32, #tpu.memory_space<vmem>> -> memref<50xi32, #tpu.memory_space<vmem>>
      %dma_wait3A_1047 = arith.constant 0 : i32
      %dma_wait3A_1048 = arith.constant 0 : i32
      %dma_wait3A_1049 = tpu.memref_slice %arg3[%dma_wait3A_1047, %dma_wait3A_1048] : memref<1000000x64xf32, #tpu.memory_space<hbm>> -> memref<1000000x64xf32, #tpu.memory_space<hbm>>
      tpu.wait_indirect_dma semaphore(%arg12 : memref<!tpu.dma_semaphore, #tpu.memory_space<semaphore_mem>>) src(%dma_wait3A_1049 : memref<1000000x64xf32, #tpu.memory_space<hbm>>) dst(%dma_wait3A_1043 : memref<50x64xf32, #tpu.memory_space<vmem>>)
      %mul3A_1050 = arith.constant 8 : i32
      %mul3A_1051 = arith.muli %sub3A_974, %mul3A_1050 : i32
      %add3A_1052 = arith.constant 5 : i32
      %add3A_1053 = arith.addi %mul3A_1051, %add3A_1052 : i32
      %dma_wait3A_1054 = arith.constant 5 : i32
      %dma_wait3A_1055 = arith.constant 0 : i32
      %dma_wait3A_1056 = arith.constant 0 : i32
      %dma_wait3A_1057 = tpu.memref_slice %arg8[%dma_wait3A_1054, %dma_wait3A_1055, %dma_wait3A_1056] : memref<8x50x64xf32, #tpu.memory_space<vmem>> -> memref<1x50x64xf32, #tpu.memory_space<vmem>>
      %dma_wait3A_1058 = tpu.memref_squeeze %dma_wait3A_1057 : memref<1x50x64xf32, #tpu.memory_space<vmem>> -> memref<50x64xf32, #tpu.memory_space<vmem>>
      %dma_wait3A_1059 = arith.constant 0 : i32
      %dma_wait3A_1060 = tpu.memref_slice %arg5[%add3A_1053, %dma_wait3A_1059] : memref<512x50xi32, #tpu.memory_space<vmem>> -> memref<1x50xi32, #tpu.memory_space<vmem>>
      %dma_wait3A_1061 = tpu.memref_squeeze %dma_wait3A_1060 : memref<1x50xi32, #tpu.memory_space<vmem>> -> memref<50xi32, #tpu.memory_space<vmem>>
      %dma_wait3A_1062 = arith.constant 0 : i32
      %dma_wait3A_1063 = arith.constant 0 : i32
      %dma_wait3A_1064 = tpu.memref_slice %arg3[%dma_wait3A_1062, %dma_wait3A_1063] : memref<1000000x64xf32, #tpu.memory_space<hbm>> -> memref<1000000x64xf32, #tpu.memory_space<hbm>>
      tpu.wait_indirect_dma semaphore(%arg12 : memref<!tpu.dma_semaphore, #tpu.memory_space<semaphore_mem>>) src(%dma_wait3A_1064 : memref<1000000x64xf32, #tpu.memory_space<hbm>>) dst(%dma_wait3A_1058 : memref<50x64xf32, #tpu.memory_space<vmem>>)
      %mul3A_1065 = arith.constant 8 : i32
      %mul3A_1066 = arith.muli %sub3A_974, %mul3A_1065 : i32
      %add3A_1067 = arith.constant 6 : i32
      %add3A_1068 = arith.addi %mul3A_1066, %add3A_1067 : i32
      %dma_wait3A_1069 = arith.constant 6 : i32
      %dma_wait3A_1070 = arith.constant 0 : i32
      %dma_wait3A_1071 = arith.constant 0 : i32
      %dma_wait3A_1072 = tpu.memref_slice %arg8[%dma_wait3A_1069, %dma_wait3A_1070, %dma_wait3A_1071] : memref<8x50x64xf32, #tpu.memory_space<vmem>> -> memref<1x50x64xf32, #tpu.memory_space<vmem>>
      %dma_wait3A_1073 = tpu.memref_squeeze %dma_wait3A_1072 : memref<1x50x64xf32, #tpu.memory_space<vmem>> -> memref<50x64xf32, #tpu.memory_space<vmem>>
      %dma_wait3A_1074 = arith.constant 0 : i32
      %dma_wait3A_1075 = tpu.memref_slice %arg5[%add3A_1068, %dma_wait3A_1074] : memref<512x50xi32, #tpu.memory_space<vmem>> -> memref<1x50xi32, #tpu.memory_space<vmem>>
      %dma_wait3A_1076 = tpu.memref_squeeze %dma_wait3A_1075 : memref<1x50xi32, #tpu.memory_space<vmem>> -> memref<50xi32, #tpu.memory_space<vmem>>
      %dma_wait3A_1077 = arith.constant 0 : i32
      %dma_wait3A_1078 = arith.constant 0 : i32
      %dma_wait3A_1079 = tpu.memref_slice %arg3[%dma_wait3A_1077, %dma_wait3A_1078] : memref<1000000x64xf32, #tpu.memory_space<hbm>> -> memref<1000000x64xf32, #tpu.memory_space<hbm>>
      tpu.wait_indirect_dma semaphore(%arg12 : memref<!tpu.dma_semaphore, #tpu.memory_space<semaphore_mem>>) src(%dma_wait3A_1079 : memref<1000000x64xf32, #tpu.memory_space<hbm>>) dst(%dma_wait3A_1073 : memref<50x64xf32, #tpu.memory_space<vmem>>)
      %mul3A_1080 = arith.constant 8 : i32
      %mul3A_1081 = arith.muli %sub3A_974, %mul3A_1080 : i32
      %add3A_1082 = arith.constant 7 : i32
      %add3A_1083 = arith.addi %mul3A_1081, %add3A_1082 : i32
      %dma_wait3A_1084 = arith.constant 7 : i32
      %dma_wait3A_1085 = arith.constant 0 : i32
      %dma_wait3A_1086 = arith.constant 0 : i32
      %dma_wait3A_1087 = tpu.memref_slice %arg8[%dma_wait3A_1084, %dma_wait3A_1085, %dma_wait3A_1086] : memref<8x50x64xf32, #tpu.memory_space<vmem>> -> memref<1x50x64xf32, #tpu.memory_space<vmem>>
      %dma_wait3A_1088 = tpu.memref_squeeze %dma_wait3A_1087 : memref<1x50x64xf32, #tpu.memory_space<vmem>> -> memref<50x64xf32, #tpu.memory_space<vmem>>
      %dma_wait3A_1089 = arith.constant 0 : i32
      %dma_wait3A_1090 = tpu.memref_slice %arg5[%add3A_1083, %dma_wait3A_1089] : memref<512x50xi32, #tpu.memory_space<vmem>> -> memref<1x50xi32, #tpu.memory_space<vmem>>
      %dma_wait3A_1091 = tpu.memref_squeeze %dma_wait3A_1090 : memref<1x50xi32, #tpu.memory_space<vmem>> -> memref<50xi32, #tpu.memory_space<vmem>>
      %dma_wait3A_1092 = arith.constant 0 : i32
      %dma_wait3A_1093 = arith.constant 0 : i32
      %dma_wait3A_1094 = tpu.memref_slice %arg3[%dma_wait3A_1092, %dma_wait3A_1093] : memref<1000000x64xf32, #tpu.memory_space<hbm>> -> memref<1000000x64xf32, #tpu.memory_space<hbm>>
      tpu.wait_indirect_dma semaphore(%arg12 : memref<!tpu.dma_semaphore, #tpu.memory_space<semaphore_mem>>) src(%dma_wait3A_1094 : memref<1000000x64xf32, #tpu.memory_space<hbm>>) dst(%dma_wait3A_1088 : memref<50x64xf32, #tpu.memory_space<vmem>>)
      %sub3A_1095 = arith.constant 2 : i32
      %sub3A_1096 = arith.subi %add3A_842, %sub3A_1095 : i32
      %mul3A_1097 = arith.constant 8 : i32
      %mul3A_1098 = arith.muli %sub3A_1096, %mul3A_1097 : i32
      %add3A_1099 = arith.addi %mul3A_2, %mul3A_1098 : i32
      %dma_start3A_1100 = arith.constant 0 : i32
      %dma_start3A_1101 = arith.constant 0 : i32
      %dma_start3A_1102 = tpu.memref_slice %arg4[%add3A_1099, %dma_start3A_1100, %dma_start3A_1101] : memref<16384x50x64xf32, #tpu.memory_space<hbm>> -> memref<8x50x64xf32, #tpu.memory_space<hbm>>
      %dma_start3A_1103 = arith.constant 0 : i32
      %dma_start3A_1104 = arith.constant 0 : i32
      %dma_start3A_1105 = tpu.memref_slice %arg4[%add3A_1099, %dma_start3A_1103, %dma_start3A_1104] : memref<16384x50x64xf32, #tpu.memory_space<hbm>> -> memref<8x50x64xf32, #tpu.memory_space<hbm>>
      tpu.enqueue_dma source(%arg8 : memref<8x50x64xf32, #tpu.memory_space<vmem>>) target(%dma_start3A_1105 : memref<8x50x64xf32, #tpu.memory_space<hbm>>) target_semaphore(%arg16 : memref<!tpu.dma_semaphore, #tpu.memory_space<semaphore_mem>>)
      %mul3A_1106 = arith.constant 4 : i32
      %mul3A_1107 = arith.muli %scan3A_838, %mul3A_1106 : i32
      %add3A_1108 = arith.constant 1 : i32
      %add3A_1109 = arith.addi %mul3A_1107, %add3A_1108 : i32
      %sub3A_1110 = arith.constant 4 : i32
      %sub3A_1111 = arith.subi %add3A_1109, %sub3A_1110 : i32
      %mul3A_1112 = arith.constant 8 : i32
      %mul3A_1113 = arith.muli %sub3A_1111, %mul3A_1112 : i32
      %add3A_1114 = arith.addi %mul3A_2, %mul3A_1113 : i32
      %dma_wait3A_1115 = arith.constant 0 : i32
      %dma_wait3A_1116 = arith.constant 0 : i32
      %dma_wait3A_1117 = tpu.memref_slice %arg4[%add3A_1114, %dma_wait3A_1115, %dma_wait3A_1116] : memref<16384x50x64xf32, #tpu.memory_space<hbm>> -> memref<8x50x64xf32, #tpu.memory_space<hbm>>
      %dma_wait3A_1118 = arith.constant 0 : i32
      %dma_wait3A_1119 = arith.constant 0 : i32
      %dma_wait3A_1120 = tpu.memref_slice %arg4[%add3A_1114, %dma_wait3A_1118, %dma_wait3A_1119] : memref<16384x50x64xf32, #tpu.memory_space<hbm>> -> memref<8x50x64xf32, #tpu.memory_space<hbm>>
      tpu.wait_dma2 semaphore(%arg15 : memref<!tpu.dma_semaphore, #tpu.memory_space<semaphore_mem>>) src(%arg7 : memref<8x50x64xf32, #tpu.memory_space<vmem>>) dst(%dma_wait3A_1120 : memref<8x50x64xf32, #tpu.memory_space<hbm>>)
      %mul3A_1121 = arith.constant 8 : i32
      %mul3A_1122 = arith.muli %add3A_1109, %mul3A_1121 : i32
      %add3A_1123 = arith.constant 0 : i32
      %add3A_1124 = arith.addi %mul3A_1122, %add3A_1123 : i32
      %dma_start3A_1125 = arith.constant 0 : i32
      %dma_start3A_1126 = arith.constant 0 : i32
      %dma_start3A_1127 = arith.constant 0 : i32
      %dma_start3A_1128 = tpu.memref_slice %arg7[%dma_start3A_1125, %dma_start3A_1126, %dma_start3A_1127] : memref<8x50x64xf32, #tpu.memory_space<vmem>> -> memref<1x50x64xf32, #tpu.memory_space<vmem>>
      %dma_start3A_1129 = tpu.memref_squeeze %dma_start3A_1128 : memref<1x50x64xf32, #tpu.memory_space<vmem>> -> memref<50x64xf32, #tpu.memory_space<vmem>>
      %dma_start3A_1130 = arith.constant 0 : i32
      %dma_start3A_1131 = tpu.memref_slice %arg5[%add3A_1124, %dma_start3A_1130] : memref<512x50xi32, #tpu.memory_space<vmem>> -> memref<1x50xi32, #tpu.memory_space<vmem>>
      %dma_start3A_1132 = tpu.memref_squeeze %dma_start3A_1131 : memref<1x50xi32, #tpu.memory_space<vmem>> -> memref<50xi32, #tpu.memory_space<vmem>>
      %dma_start3A_1133 = arith.constant 0 : i32
      %dma_start3A_1134 = arith.constant 0 : i32
      %dma_start3A_1135 = tpu.memref_slice %arg3[%dma_start3A_1133, %dma_start3A_1134] : memref<1000000x64xf32, #tpu.memory_space<hbm>> -> memref<1000000x64xf32, #tpu.memory_space<hbm>>
      tpu.enqueue_indirect_dma source(%dma_start3A_1135 : memref<1000000x64xf32, #tpu.memory_space<hbm>>) target(%dma_start3A_1129 : memref<50x64xf32, #tpu.memory_space<vmem>>) offsets(%dma_start3A_1132 : memref<50xi32, #tpu.memory_space<vmem>>) semaphore(%arg11 : memref<!tpu.dma_semaphore, #tpu.memory_space<semaphore_mem>>)
      %mul3A_1136 = arith.constant 8 : i32
      %mul3A_1137 = arith.muli %add3A_1109, %mul3A_1136 : i32
      %add3A_1138 = arith.constant 1 : i32
      %add3A_1139 = arith.addi %mul3A_1137, %add3A_1138 : i32
      %dma_start3A_1140 = arith.constant 1 : i32
      %dma_start3A_1141 = arith.constant 0 : i32
      %dma_start3A_1142 = arith.constant 0 : i32
      %dma_start3A_1143 = tpu.memref_slice %arg7[%dma_start3A_1140, %dma_start3A_1141, %dma_start3A_1142] : memref<8x50x64xf32, #tpu.memory_space<vmem>> -> memref<1x50x64xf32, #tpu.memory_space<vmem>>
      %dma_start3A_1144 = tpu.memref_squeeze %dma_start3A_1143 : memref<1x50x64xf32, #tpu.memory_space<vmem>> -> memref<50x64xf32, #tpu.memory_space<vmem>>
      %dma_start3A_1145 = arith.constant 0 : i32
      %dma_start3A_1146 = tpu.memref_slice %arg5[%add3A_1139, %dma_start3A_1145] : memref<512x50xi32, #tpu.memory_space<vmem>> -> memref<1x50xi32, #tpu.memory_space<vmem>>
      %dma_start3A_1147 = tpu.memref_squeeze %dma_start3A_1146 : memref<1x50xi32, #tpu.memory_space<vmem>> -> memref<50xi32, #tpu.memory_space<vmem>>
      %dma_start3A_1148 = arith.constant 0 : i32
      %dma_start3A_1149 = arith.constant 0 : i32
      %dma_start3A_1150 = tpu.memref_slice %arg3[%dma_start3A_1148, %dma_start3A_1149] : memref<1000000x64xf32, #tpu.memory_space<hbm>> -> memref<1000000x64xf32, #tpu.memory_space<hbm>>
      tpu.enqueue_indirect_dma source(%dma_start3A_1150 : memref<1000000x64xf32, #tpu.memory_space<hbm>>) target(%dma_start3A_1144 : memref<50x64xf32, #tpu.memory_space<vmem>>) offsets(%dma_start3A_1147 : memref<50xi32, #tpu.memory_space<vmem>>) semaphore(%arg11 : memref<!tpu.dma_semaphore, #tpu.memory_space<semaphore_mem>>)
      %mul3A_1151 = arith.constant 8 : i32
      %mul3A_1152 = arith.muli %add3A_1109, %mul3A_1151 : i32
      %add3A_1153 = arith.constant 2 : i32
      %add3A_1154 = arith.addi %mul3A_1152, %add3A_1153 : i32
      %dma_start3A_1155 = arith.constant 2 : i32
      %dma_start3A_1156 = arith.constant 0 : i32
      %dma_start3A_1157 = arith.constant 0 : i32
      %dma_start3A_1158 = tpu.memref_slice %arg7[%dma_start3A_1155, %dma_start3A_1156, %dma_start3A_1157] : memref<8x50x64xf32, #tpu.memory_space<vmem>> -> memref<1x50x64xf32, #tpu.memory_space<vmem>>
      %dma_start3A_1159 = tpu.memref_squeeze %dma_start3A_1158 : memref<1x50x64xf32, #tpu.memory_space<vmem>> -> memref<50x64xf32, #tpu.memory_space<vmem>>
      %dma_start3A_1160 = arith.constant 0 : i32
      %dma_start3A_1161 = tpu.memref_slice %arg5[%add3A_1154, %dma_start3A_1160] : memref<512x50xi32, #tpu.memory_space<vmem>> -> memref<1x50xi32, #tpu.memory_space<vmem>>
      %dma_start3A_1162 = tpu.memref_squeeze %dma_start3A_1161 : memref<1x50xi32, #tpu.memory_space<vmem>> -> memref<50xi32, #tpu.memory_space<vmem>>
      %dma_start3A_1163 = arith.constant 0 : i32
      %dma_start3A_1164 = arith.constant 0 : i32
      %dma_start3A_1165 = tpu.memref_slice %arg3[%dma_start3A_1163, %dma_start3A_1164] : memref<1000000x64xf32, #tpu.memory_space<hbm>> -> memref<1000000x64xf32, #tpu.memory_space<hbm>>
      tpu.enqueue_indirect_dma source(%dma_start3A_1165 : memref<1000000x64xf32, #tpu.memory_space<hbm>>) target(%dma_start3A_1159 : memref<50x64xf32, #tpu.memory_space<vmem>>) offsets(%dma_start3A_1162 : memref<50xi32, #tpu.memory_space<vmem>>) semaphore(%arg11 : memref<!tpu.dma_semaphore, #tpu.memory_space<semaphore_mem>>)
      %mul3A_1166 = arith.constant 8 : i32
      %mul3A_1167 = arith.muli %add3A_1109, %mul3A_1166 : i32
      %add3A_1168 = arith.constant 3 : i32
      %add3A_1169 = arith.addi %mul3A_1167, %add3A_1168 : i32
      %dma_start3A_1170 = arith.constant 3 : i32
      %dma_start3A_1171 = arith.constant 0 : i32
      %dma_start3A_1172 = arith.constant 0 : i32
      %dma_start3A_1173 = tpu.memref_slice %arg7[%dma_start3A_1170, %dma_start3A_1171, %dma_start3A_1172] : memref<8x50x64xf32, #tpu.memory_space<vmem>> -> memref<1x50x64xf32, #tpu.memory_space<vmem>>
      %dma_start3A_1174 = tpu.memref_squeeze %dma_start3A_1173 : memref<1x50x64xf32, #tpu.memory_space<vmem>> -> memref<50x64xf32, #tpu.memory_space<vmem>>
      %dma_start3A_1175 = arith.constant 0 : i32
      %dma_start3A_1176 = tpu.memref_slice %arg5[%add3A_1169, %dma_start3A_1175] : memref<512x50xi32, #tpu.memory_space<vmem>> -> memref<1x50xi32, #tpu.memory_space<vmem>>
      %dma_start3A_1177 = tpu.memref_squeeze %dma_start3A_1176 : memref<1x50xi32, #tpu.memory_space<vmem>> -> memref<50xi32, #tpu.memory_space<vmem>>
      %dma_start3A_1178 = arith.constant 0 : i32
      %dma_start3A_1179 = arith.constant 0 : i32
      %dma_start3A_1180 = tpu.memref_slice %arg3[%dma_start3A_1178, %dma_start3A_1179] : memref<1000000x64xf32, #tpu.memory_space<hbm>> -> memref<1000000x64xf32, #tpu.memory_space<hbm>>
      tpu.enqueue_indirect_dma source(%dma_start3A_1180 : memref<1000000x64xf32, #tpu.memory_space<hbm>>) target(%dma_start3A_1174 : memref<50x64xf32, #tpu.memory_space<vmem>>) offsets(%dma_start3A_1177 : memref<50xi32, #tpu.memory_space<vmem>>) semaphore(%arg11 : memref<!tpu.dma_semaphore, #tpu.memory_space<semaphore_mem>>)
      %mul3A_1181 = arith.constant 8 : i32
      %mul3A_1182 = arith.muli %add3A_1109, %mul3A_1181 : i32
      %add3A_1183 = arith.constant 4 : i32
      %add3A_1184 = arith.addi %mul3A_1182, %add3A_1183 : i32
      %dma_start3A_1185 = arith.constant 4 : i32
      %dma_start3A_1186 = arith.constant 0 : i32
      %dma_start3A_1187 = arith.constant 0 : i32
      %dma_start3A_1188 = tpu.memref_slice %arg7[%dma_start3A_1185, %dma_start3A_1186, %dma_start3A_1187] : memref<8x50x64xf32, #tpu.memory_space<vmem>> -> memref<1x50x64xf32, #tpu.memory_space<vmem>>
      %dma_start3A_1189 = tpu.memref_squeeze %dma_start3A_1188 : memref<1x50x64xf32, #tpu.memory_space<vmem>> -> memref<50x64xf32, #tpu.memory_space<vmem>>
      %dma_start3A_1190 = arith.constant 0 : i32
      %dma_start3A_1191 = tpu.memref_slice %arg5[%add3A_1184, %dma_start3A_1190] : memref<512x50xi32, #tpu.memory_space<vmem>> -> memref<1x50xi32, #tpu.memory_space<vmem>>
      %dma_start3A_1192 = tpu.memref_squeeze %dma_start3A_1191 : memref<1x50xi32, #tpu.memory_space<vmem>> -> memref<50xi32, #tpu.memory_space<vmem>>
      %dma_start3A_1193 = arith.constant 0 : i32
      %dma_start3A_1194 = arith.constant 0 : i32
      %dma_start3A_1195 = tpu.memref_slice %arg3[%dma_start3A_1193, %dma_start3A_1194] : memref<1000000x64xf32, #tpu.memory_space<hbm>> -> memref<1000000x64xf32, #tpu.memory_space<hbm>>
      tpu.enqueue_indirect_dma source(%dma_start3A_1195 : memref<1000000x64xf32, #tpu.memory_space<hbm>>) target(%dma_start3A_1189 : memref<50x64xf32, #tpu.memory_space<vmem>>) offsets(%dma_start3A_1192 : memref<50xi32, #tpu.memory_space<vmem>>) semaphore(%arg11 : memref<!tpu.dma_semaphore, #tpu.memory_space<semaphore_mem>>)
      %mul3A_1196 = arith.constant 8 : i32
      %mul3A_1197 = arith.muli %add3A_1109, %mul3A_1196 : i32
      %add3A_1198 = arith.constant 5 : i32
      %add3A_1199 = arith.addi %mul3A_1197, %add3A_1198 : i32
      %dma_start3A_1200 = arith.constant 5 : i32
      %dma_start3A_1201 = arith.constant 0 : i32
      %dma_start3A_1202 = arith.constant 0 : i32
      %dma_start3A_1203 = tpu.memref_slice %arg7[%dma_start3A_1200, %dma_start3A_1201, %dma_start3A_1202] : memref<8x50x64xf32, #tpu.memory_space<vmem>> -> memref<1x50x64xf32, #tpu.memory_space<vmem>>
      %dma_start3A_1204 = tpu.memref_squeeze %dma_start3A_1203 : memref<1x50x64xf32, #tpu.memory_space<vmem>> -> memref<50x64xf32, #tpu.memory_space<vmem>>
      %dma_start3A_1205 = arith.constant 0 : i32
      %dma_start3A_1206 = tpu.memref_slice %arg5[%add3A_1199, %dma_start3A_1205] : memref<512x50xi32, #tpu.memory_space<vmem>> -> memref<1x50xi32, #tpu.memory_space<vmem>>
      %dma_start3A_1207 = tpu.memref_squeeze %dma_start3A_1206 : memref<1x50xi32, #tpu.memory_space<vmem>> -> memref<50xi32, #tpu.memory_space<vmem>>
      %dma_start3A_1208 = arith.constant 0 : i32
      %dma_start3A_1209 = arith.constant 0 : i32
      %dma_start3A_1210 = tpu.memref_slice %arg3[%dma_start3A_1208, %dma_start3A_1209] : memref<1000000x64xf32, #tpu.memory_space<hbm>> -> memref<1000000x64xf32, #tpu.memory_space<hbm>>
      tpu.enqueue_indirect_dma source(%dma_start3A_1210 : memref<1000000x64xf32, #tpu.memory_space<hbm>>) target(%dma_start3A_1204 : memref<50x64xf32, #tpu.memory_space<vmem>>) offsets(%dma_start3A_1207 : memref<50xi32, #tpu.memory_space<vmem>>) semaphore(%arg11 : memref<!tpu.dma_semaphore, #tpu.memory_space<semaphore_mem>>)
      %mul3A_1211 = arith.constant 8 : i32
      %mul3A_1212 = arith.muli %add3A_1109, %mul3A_1211 : i32
      %add3A_1213 = arith.constant 6 : i32
      %add3A_1214 = arith.addi %mul3A_1212, %add3A_1213 : i32
      %dma_start3A_1215 = arith.constant 6 : i32
      %dma_start3A_1216 = arith.constant 0 : i32
      %dma_start3A_1217 = arith.constant 0 : i32
      %dma_start3A_1218 = tpu.memref_slice %arg7[%dma_start3A_1215, %dma_start3A_1216, %dma_start3A_1217] : memref<8x50x64xf32, #tpu.memory_space<vmem>> -> memref<1x50x64xf32, #tpu.memory_space<vmem>>
      %dma_start3A_1219 = tpu.memref_squeeze %dma_start3A_1218 : memref<1x50x64xf32, #tpu.memory_space<vmem>> -> memref<50x64xf32, #tpu.memory_space<vmem>>
      %dma_start3A_1220 = arith.constant 0 : i32
      %dma_start3A_1221 = tpu.memref_slice %arg5[%add3A_1214, %dma_start3A_1220] : memref<512x50xi32, #tpu.memory_space<vmem>> -> memref<1x50xi32, #tpu.memory_space<vmem>>
      %dma_start3A_1222 = tpu.memref_squeeze %dma_start3A_1221 : memref<1x50xi32, #tpu.memory_space<vmem>> -> memref<50xi32, #tpu.memory_space<vmem>>
      %dma_start3A_1223 = arith.constant 0 : i32
      %dma_start3A_1224 = arith.constant 0 : i32
      %dma_start3A_1225 = tpu.memref_slice %arg3[%dma_start3A_1223, %dma_start3A_1224] : memref<1000000x64xf32, #tpu.memory_space<hbm>> -> memref<1000000x64xf32, #tpu.memory_space<hbm>>
      tpu.enqueue_indirect_dma source(%dma_start3A_1225 : memref<1000000x64xf32, #tpu.memory_space<hbm>>) target(%dma_start3A_1219 : memref<50x64xf32, #tpu.memory_space<vmem>>) offsets(%dma_start3A_1222 : memref<50xi32, #tpu.memory_space<vmem>>) semaphore(%arg11 : memref<!tpu.dma_semaphore, #tpu.memory_space<semaphore_mem>>)
      %mul3A_1226 = arith.constant 8 : i32
      %mul3A_1227 = arith.muli %add3A_1109, %mul3A_1226 : i32
      %add3A_1228 = arith.constant 7 : i32
      %add3A_1229 = arith.addi %mul3A_1227, %add3A_1228 : i32
      %dma_start3A_1230 = arith.constant 7 : i32
      %dma_start3A_1231 = arith.constant 0 : i32
      %dma_start3A_1232 = arith.constant 0 : i32
      %dma_start3A_1233 = tpu.memref_slice %arg7[%dma_start3A_1230, %dma_start3A_1231, %dma_start3A_1232] : memref<8x50x64xf32, #tpu.memory_space<vmem>> -> memref<1x50x64xf32, #tpu.memory_space<vmem>>
      %dma_start3A_1234 = tpu.memref_squeeze %dma_start3A_1233 : memref<1x50x64xf32, #tpu.memory_space<vmem>> -> memref<50x64xf32, #tpu.memory_space<vmem>>
      %dma_start3A_1235 = arith.constant 0 : i32
      %dma_start3A_1236 = tpu.memref_slice %arg5[%add3A_1229, %dma_start3A_1235] : memref<512x50xi32, #tpu.memory_space<vmem>> -> memref<1x50xi32, #tpu.memory_space<vmem>>
      %dma_start3A_1237 = tpu.memref_squeeze %dma_start3A_1236 : memref<1x50xi32, #tpu.memory_space<vmem>> -> memref<50xi32, #tpu.memory_space<vmem>>
      %dma_start3A_1238 = arith.constant 0 : i32
      %dma_start3A_1239 = arith.constant 0 : i32
      %dma_start3A_1240 = tpu.memref_slice %arg3[%dma_start3A_1238, %dma_start3A_1239] : memref<1000000x64xf32, #tpu.memory_space<hbm>> -> memref<1000000x64xf32, #tpu.memory_space<hbm>>
      tpu.enqueue_indirect_dma source(%dma_start3A_1240 : memref<1000000x64xf32, #tpu.memory_space<hbm>>) target(%dma_start3A_1234 : memref<50x64xf32, #tpu.memory_space<vmem>>) offsets(%dma_start3A_1237 : memref<50xi32, #tpu.memory_space<vmem>>) semaphore(%arg11 : memref<!tpu.dma_semaphore, #tpu.memory_space<semaphore_mem>>)
      %sub3A_1241 = arith.constant 2 : i32
      %sub3A_1242 = arith.subi %add3A_1109, %sub3A_1241 : i32
      %mul3A_1243 = arith.constant 8 : i32
      %mul3A_1244 = arith.muli %sub3A_1242, %mul3A_1243 : i32
      %add3A_1245 = arith.constant 0 : i32
      %add3A_1246 = arith.addi %mul3A_1244, %add3A_1245 : i32
      %dma_wait3A_1247 = arith.constant 0 : i32
      %dma_wait3A_1248 = arith.constant 0 : i32
      %dma_wait3A_1249 = arith.constant 0 : i32
      %dma_wait3A_1250 = tpu.memref_slice %arg9[%dma_wait3A_1247, %dma_wait3A_1248, %dma_wait3A_1249] : memref<8x50x64xf32, #tpu.memory_space<vmem>> -> memref<1x50x64xf32, #tpu.memory_space<vmem>>
      %dma_wait3A_1251 = tpu.memref_squeeze %dma_wait3A_1250 : memref<1x50x64xf32, #tpu.memory_space<vmem>> -> memref<50x64xf32, #tpu.memory_space<vmem>>
      %dma_wait3A_1252 = arith.constant 0 : i32
      %dma_wait3A_1253 = tpu.memref_slice %arg5[%add3A_1246, %dma_wait3A_1252] : memref<512x50xi32, #tpu.memory_space<vmem>> -> memref<1x50xi32, #tpu.memory_space<vmem>>
      %dma_wait3A_1254 = tpu.memref_squeeze %dma_wait3A_1253 : memref<1x50xi32, #tpu.memory_space<vmem>> -> memref<50xi32, #tpu.memory_space<vmem>>
      %dma_wait3A_1255 = arith.constant 0 : i32
      %dma_wait3A_1256 = arith.constant 0 : i32
      %dma_wait3A_1257 = tpu.memref_slice %arg3[%dma_wait3A_1255, %dma_wait3A_1256] : memref<1000000x64xf32, #tpu.memory_space<hbm>> -> memref<1000000x64xf32, #tpu.memory_space<hbm>>
      tpu.wait_indirect_dma semaphore(%arg13 : memref<!tpu.dma_semaphore, #tpu.memory_space<semaphore_mem>>) src(%dma_wait3A_1257 : memref<1000000x64xf32, #tpu.memory_space<hbm>>) dst(%dma_wait3A_1251 : memref<50x64xf32, #tpu.memory_space<vmem>>)
      %mul3A_1258 = arith.constant 8 : i32
      %mul3A_1259 = arith.muli %sub3A_1242, %mul3A_1258 : i32
      %add3A_1260 = arith.constant 1 : i32
      %add3A_1261 = arith.addi %mul3A_1259, %add3A_1260 : i32
      %dma_wait3A_1262 = arith.constant 1 : i32
      %dma_wait3A_1263 = arith.constant 0 : i32
      %dma_wait3A_1264 = arith.constant 0 : i32
      %dma_wait3A_1265 = tpu.memref_slice %arg9[%dma_wait3A_1262, %dma_wait3A_1263, %dma_wait3A_1264] : memref<8x50x64xf32, #tpu.memory_space<vmem>> -> memref<1x50x64xf32, #tpu.memory_space<vmem>>
      %dma_wait3A_1266 = tpu.memref_squeeze %dma_wait3A_1265 : memref<1x50x64xf32, #tpu.memory_space<vmem>> -> memref<50x64xf32, #tpu.memory_space<vmem>>
      %dma_wait3A_1267 = arith.constant 0 : i32
      %dma_wait3A_1268 = tpu.memref_slice %arg5[%add3A_1261, %dma_wait3A_1267] : memref<512x50xi32, #tpu.memory_space<vmem>> -> memref<1x50xi32, #tpu.memory_space<vmem>>
      %dma_wait3A_1269 = tpu.memref_squeeze %dma_wait3A_1268 : memref<1x50xi32, #tpu.memory_space<vmem>> -> memref<50xi32, #tpu.memory_space<vmem>>
      %dma_wait3A_1270 = arith.constant 0 : i32
      %dma_wait3A_1271 = arith.constant 0 : i32
      %dma_wait3A_1272 = tpu.memref_slice %arg3[%dma_wait3A_1270, %dma_wait3A_1271] : memref<1000000x64xf32, #tpu.memory_space<hbm>> -> memref<1000000x64xf32, #tpu.memory_space<hbm>>
      tpu.wait_indirect_dma semaphore(%arg13 : memref<!tpu.dma_semaphore, #tpu.memory_space<semaphore_mem>>) src(%dma_wait3A_1272 : memref<1000000x64xf32, #tpu.memory_space<hbm>>) dst(%dma_wait3A_1266 : memref<50x64xf32, #tpu.memory_space<vmem>>)
      %mul3A_1273 = arith.constant 8 : i32
      %mul3A_1274 = arith.muli %sub3A_1242, %mul3A_1273 : i32
      %add3A_1275 = arith.constant 2 : i32
      %add3A_1276 = arith.addi %mul3A_1274, %add3A_1275 : i32
      %dma_wait3A_1277 = arith.constant 2 : i32
      %dma_wait3A_1278 = arith.constant 0 : i32
      %dma_wait3A_1279 = arith.constant 0 : i32
      %dma_wait3A_1280 = tpu.memref_slice %arg9[%dma_wait3A_1277, %dma_wait3A_1278, %dma_wait3A_1279] : memref<8x50x64xf32, #tpu.memory_space<vmem>> -> memref<1x50x64xf32, #tpu.memory_space<vmem>>
      %dma_wait3A_1281 = tpu.memref_squeeze %dma_wait3A_1280 : memref<1x50x64xf32, #tpu.memory_space<vmem>> -> memref<50x64xf32, #tpu.memory_space<vmem>>
      %dma_wait3A_1282 = arith.constant 0 : i32
      %dma_wait3A_1283 = tpu.memref_slice %arg5[%add3A_1276, %dma_wait3A_1282] : memref<512x50xi32, #tpu.memory_space<vmem>> -> memref<1x50xi32, #tpu.memory_space<vmem>>
      %dma_wait3A_1284 = tpu.memref_squeeze %dma_wait3A_1283 : memref<1x50xi32, #tpu.memory_space<vmem>> -> memref<50xi32, #tpu.memory_space<vmem>>
      %dma_wait3A_1285 = arith.constant 0 : i32
      %dma_wait3A_1286 = arith.constant 0 : i32
      %dma_wait3A_1287 = tpu.memref_slice %arg3[%dma_wait3A_1285, %dma_wait3A_1286] : memref<1000000x64xf32, #tpu.memory_space<hbm>> -> memref<1000000x64xf32, #tpu.memory_space<hbm>>
      tpu.wait_indirect_dma semaphore(%arg13 : memref<!tpu.dma_semaphore, #tpu.memory_space<semaphore_mem>>) src(%dma_wait3A_1287 : memref<1000000x64xf32, #tpu.memory_space<hbm>>) dst(%dma_wait3A_1281 : memref<50x64xf32, #tpu.memory_space<vmem>>)
      %mul3A_1288 = arith.constant 8 : i32
      %mul3A_1289 = arith.muli %sub3A_1242, %mul3A_1288 : i32
      %add3A_1290 = arith.constant 3 : i32
      %add3A_1291 = arith.addi %mul3A_1289, %add3A_1290 : i32
      %dma_wait3A_1292 = arith.constant 3 : i32
      %dma_wait3A_1293 = arith.constant 0 : i32
      %dma_wait3A_1294 = arith.constant 0 : i32
      %dma_wait3A_1295 = tpu.memref_slice %arg9[%dma_wait3A_1292, %dma_wait3A_1293, %dma_wait3A_1294] : memref<8x50x64xf32, #tpu.memory_space<vmem>> -> memref<1x50x64xf32, #tpu.memory_space<vmem>>
      %dma_wait3A_1296 = tpu.memref_squeeze %dma_wait3A_1295 : memref<1x50x64xf32, #tpu.memory_space<vmem>> -> memref<50x64xf32, #tpu.memory_space<vmem>>
      %dma_wait3A_1297 = arith.constant 0 : i32
      %dma_wait3A_1298 = tpu.memref_slice %arg5[%add3A_1291, %dma_wait3A_1297] : memref<512x50xi32, #tpu.memory_space<vmem>> -> memref<1x50xi32, #tpu.memory_space<vmem>>
      %dma_wait3A_1299 = tpu.memref_squeeze %dma_wait3A_1298 : memref<1x50xi32, #tpu.memory_space<vmem>> -> memref<50xi32, #tpu.memory_space<vmem>>
      %dma_wait3A_1300 = arith.constant 0 : i32
      %dma_wait3A_1301 = arith.constant 0 : i32
      %dma_wait3A_1302 = tpu.memref_slice %arg3[%dma_wait3A_1300, %dma_wait3A_1301] : memref<1000000x64xf32, #tpu.memory_space<hbm>> -> memref<1000000x64xf32, #tpu.memory_space<hbm>>
      tpu.wait_indirect_dma semaphore(%arg13 : memref<!tpu.dma_semaphore, #tpu.memory_space<semaphore_mem>>) src(%dma_wait3A_1302 : memref<1000000x64xf32, #tpu.memory_space<hbm>>) dst(%dma_wait3A_1296 : memref<50x64xf32, #tpu.memory_space<vmem>>)
      %mul3A_1303 = arith.constant 8 : i32
      %mul3A_1304 = arith.muli %sub3A_1242, %mul3A_1303 : i32
      %add3A_1305 = arith.constant 4 : i32
      %add3A_1306 = arith.addi %mul3A_1304, %add3A_1305 : i32
      %dma_wait3A_1307 = arith.constant 4 : i32
      %dma_wait3A_1308 = arith.constant 0 : i32
      %dma_wait3A_1309 = arith.constant 0 : i32
      %dma_wait3A_1310 = tpu.memref_slice %arg9[%dma_wait3A_1307, %dma_wait3A_1308, %dma_wait3A_1309] : memref<8x50x64xf32, #tpu.memory_space<vmem>> -> memref<1x50x64xf32, #tpu.memory_space<vmem>>
      %dma_wait3A_1311 = tpu.memref_squeeze %dma_wait3A_1310 : memref<1x50x64xf32, #tpu.memory_space<vmem>> -> memref<50x64xf32, #tpu.memory_space<vmem>>
      %dma_wait3A_1312 = arith.constant 0 : i32
      %dma_wait3A_1313 = tpu.memref_slice %arg5[%add3A_1306, %dma_wait3A_1312] : memref<512x50xi32, #tpu.memory_space<vmem>> -> memref<1x50xi32, #tpu.memory_space<vmem>>
      %dma_wait3A_1314 = tpu.memref_squeeze %dma_wait3A_1313 : memref<1x50xi32, #tpu.memory_space<vmem>> -> memref<50xi32, #tpu.memory_space<vmem>>
      %dma_wait3A_1315 = arith.constant 0 : i32
      %dma_wait3A_1316 = arith.constant 0 : i32
      %dma_wait3A_1317 = tpu.memref_slice %arg3[%dma_wait3A_1315, %dma_wait3A_1316] : memref<1000000x64xf32, #tpu.memory_space<hbm>> -> memref<1000000x64xf32, #tpu.memory_space<hbm>>
      tpu.wait_indirect_dma semaphore(%arg13 : memref<!tpu.dma_semaphore, #tpu.memory_space<semaphore_mem>>) src(%dma_wait3A_1317 : memref<1000000x64xf32, #tpu.memory_space<hbm>>) dst(%dma_wait3A_1311 : memref<50x64xf32, #tpu.memory_space<vmem>>)
      %mul3A_1318 = arith.constant 8 : i32
      %mul3A_1319 = arith.muli %sub3A_1242, %mul3A_1318 : i32
      %add3A_1320 = arith.constant 5 : i32
      %add3A_1321 = arith.addi %mul3A_1319, %add3A_1320 : i32
      %dma_wait3A_1322 = arith.constant 5 : i32
      %dma_wait3A_1323 = arith.constant 0 : i32
      %dma_wait3A_1324 = arith.constant 0 : i32
      %dma_wait3A_1325 = tpu.memref_slice %arg9[%dma_wait3A_1322, %dma_wait3A_1323, %dma_wait3A_1324] : memref<8x50x64xf32, #tpu.memory_space<vmem>> -> memref<1x50x64xf32, #tpu.memory_space<vmem>>
      %dma_wait3A_1326 = tpu.memref_squeeze %dma_wait3A_1325 : memref<1x50x64xf32, #tpu.memory_space<vmem>> -> memref<50x64xf32, #tpu.memory_space<vmem>>
      %dma_wait3A_1327 = arith.constant 0 : i32
      %dma_wait3A_1328 = tpu.memref_slice %arg5[%add3A_1321, %dma_wait3A_1327] : memref<512x50xi32, #tpu.memory_space<vmem>> -> memref<1x50xi32, #tpu.memory_space<vmem>>
      %dma_wait3A_1329 = tpu.memref_squeeze %dma_wait3A_1328 : memref<1x50xi32, #tpu.memory_space<vmem>> -> memref<50xi32, #tpu.memory_space<vmem>>
      %dma_wait3A_1330 = arith.constant 0 : i32
      %dma_wait3A_1331 = arith.constant 0 : i32
      %dma_wait3A_1332 = tpu.memref_slice %arg3[%dma_wait3A_1330, %dma_wait3A_1331] : memref<1000000x64xf32, #tpu.memory_space<hbm>> -> memref<1000000x64xf32, #tpu.memory_space<hbm>>
      tpu.wait_indirect_dma semaphore(%arg13 : memref<!tpu.dma_semaphore, #tpu.memory_space<semaphore_mem>>) src(%dma_wait3A_1332 : memref<1000000x64xf32, #tpu.memory_space<hbm>>) dst(%dma_wait3A_1326 : memref<50x64xf32, #tpu.memory_space<vmem>>)
      %mul3A_1333 = arith.constant 8 : i32
      %mul3A_1334 = arith.muli %sub3A_1242, %mul3A_1333 : i32
      %add3A_1335 = arith.constant 6 : i32
      %add3A_1336 = arith.addi %mul3A_1334, %add3A_1335 : i32
      %dma_wait3A_1337 = arith.constant 6 : i32
      %dma_wait3A_1338 = arith.constant 0 : i32
      %dma_wait3A_1339 = arith.constant 0 : i32
      %dma_wait3A_1340 = tpu.memref_slice %arg9[%dma_wait3A_1337, %dma_wait3A_1338, %dma_wait3A_1339] : memref<8x50x64xf32, #tpu.memory_space<vmem>> -> memref<1x50x64xf32, #tpu.memory_space<vmem>>
      %dma_wait3A_1341 = tpu.memref_squeeze %dma_wait3A_1340 : memref<1x50x64xf32, #tpu.memory_space<vmem>> -> memref<50x64xf32, #tpu.memory_space<vmem>>
      %dma_wait3A_1342 = arith.constant 0 : i32
      %dma_wait3A_1343 = tpu.memref_slice %arg5[%add3A_1336, %dma_wait3A_1342] : memref<512x50xi32, #tpu.memory_space<vmem>> -> memref<1x50xi32, #tpu.memory_space<vmem>>
      %dma_wait3A_1344 = tpu.memref_squeeze %dma_wait3A_1343 : memref<1x50xi32, #tpu.memory_space<vmem>> -> memref<50xi32, #tpu.memory_space<vmem>>
      %dma_wait3A_1345 = arith.constant 0 : i32
      %dma_wait3A_1346 = arith.constant 0 : i32
      %dma_wait3A_1347 = tpu.memref_slice %arg3[%dma_wait3A_1345, %dma_wait3A_1346] : memref<1000000x64xf32, #tpu.memory_space<hbm>> -> memref<1000000x64xf32, #tpu.memory_space<hbm>>
      tpu.wait_indirect_dma semaphore(%arg13 : memref<!tpu.dma_semaphore, #tpu.memory_space<semaphore_mem>>) src(%dma_wait3A_1347 : memref<1000000x64xf32, #tpu.memory_space<hbm>>) dst(%dma_wait3A_1341 : memref<50x64xf32, #tpu.memory_space<vmem>>)
      %mul3A_1348 = arith.constant 8 : i32
      %mul3A_1349 = arith.muli %sub3A_1242, %mul3A_1348 : i32
      %add3A_1350 = arith.constant 7 : i32
      %add3A_1351 = arith.addi %mul3A_1349, %add3A_1350 : i32
      %dma_wait3A_1352 = arith.constant 7 : i32
      %dma_wait3A_1353 = arith.constant 0 : i32
      %dma_wait3A_1354 = arith.constant 0 : i32
      %dma_wait3A_1355 = tpu.memref_slice %arg9[%dma_wait3A_1352, %dma_wait3A_1353, %dma_wait3A_1354] : memref<8x50x64xf32, #tpu.memory_space<vmem>> -> memref<1x50x64xf32, #tpu.memory_space<vmem>>
      %dma_wait3A_1356 = tpu.memref_squeeze %dma_wait3A_1355 : memref<1x50x64xf32, #tpu.memory_space<vmem>> -> memref<50x64xf32, #tpu.memory_space<vmem>>
      %dma_wait3A_1357 = arith.constant 0 : i32
      %dma_wait3A_1358 = tpu.memref_slice %arg5[%add3A_1351, %dma_wait3A_1357] : memref<512x50xi32, #tpu.memory_space<vmem>> -> memref<1x50xi32, #tpu.memory_space<vmem>>
      %dma_wait3A_1359 = tpu.memref_squeeze %dma_wait3A_1358 : memref<1x50xi32, #tpu.memory_space<vmem>> -> memref<50xi32, #tpu.memory_space<vmem>>
      %dma_wait3A_1360 = arith.constant 0 : i32
      %dma_wait3A_1361 = arith.constant 0 : i32
      %dma_wait3A_1362 = tpu.memref_slice %arg3[%dma_wait3A_1360, %dma_wait3A_1361] : memref<1000000x64xf32, #tpu.memory_space<hbm>> -> memref<1000000x64xf32, #tpu.memory_space<hbm>>
      tpu.wait_indirect_dma semaphore(%arg13 : memref<!tpu.dma_semaphore, #tpu.memory_space<semaphore_mem>>) src(%dma_wait3A_1362 : memref<1000000x64xf32, #tpu.memory_space<hbm>>) dst(%dma_wait3A_1356 : memref<50x64xf32, #tpu.memory_space<vmem>>)
      %sub3A_1363 = arith.constant 2 : i32
      %sub3A_1364 = arith.subi %add3A_1109, %sub3A_1363 : i32
      %mul3A_1365 = arith.constant 8 : i32
      %mul3A_1366 = arith.muli %sub3A_1364, %mul3A_1365 : i32
      %add3A_1367 = arith.addi %mul3A_2, %mul3A_1366 : i32
      %dma_start3A_1368 = arith.constant 0 : i32
      %dma_start3A_1369 = arith.constant 0 : i32
      %dma_start3A_1370 = tpu.memref_slice %arg4[%add3A_1367, %dma_start3A_1368, %dma_start3A_1369] : memref<16384x50x64xf32, #tpu.memory_space<hbm>> -> memref<8x50x64xf32, #tpu.memory_space<hbm>>
      %dma_start3A_1371 = arith.constant 0 : i32
      %dma_start3A_1372 = arith.constant 0 : i32
      %dma_start3A_1373 = tpu.memref_slice %arg4[%add3A_1367, %dma_start3A_1371, %dma_start3A_1372] : memref<16384x50x64xf32, #tpu.memory_space<hbm>> -> memref<8x50x64xf32, #tpu.memory_space<hbm>>
      tpu.enqueue_dma source(%arg9 : memref<8x50x64xf32, #tpu.memory_space<vmem>>) target(%dma_start3A_1373 : memref<8x50x64xf32, #tpu.memory_space<hbm>>) target_semaphore(%arg17 : memref<!tpu.dma_semaphore, #tpu.memory_space<semaphore_mem>>)
      %mul3A_1374 = arith.constant 4 : i32
      %mul3A_1375 = arith.muli %scan3A_838, %mul3A_1374 : i32
      %add3A_1376 = arith.constant 2 : i32
      %add3A_1377 = arith.addi %mul3A_1375, %add3A_1376 : i32
      %sub3A_1378 = arith.constant 4 : i32
      %sub3A_1379 = arith.subi %add3A_1377, %sub3A_1378 : i32
      %mul3A_1380 = arith.constant 8 : i32
      %mul3A_1381 = arith.muli %sub3A_1379, %mul3A_1380 : i32
      %add3A_1382 = arith.addi %mul3A_2, %mul3A_1381 : i32
      %dma_wait3A_1383 = arith.constant 0 : i32
      %dma_wait3A_1384 = arith.constant 0 : i32
      %dma_wait3A_1385 = tpu.memref_slice %arg4[%add3A_1382, %dma_wait3A_1383, %dma_wait3A_1384] : memref<16384x50x64xf32, #tpu.memory_space<hbm>> -> memref<8x50x64xf32, #tpu.memory_space<hbm>>
      %dma_wait3A_1386 = arith.constant 0 : i32
      %dma_wait3A_1387 = arith.constant 0 : i32
      %dma_wait3A_1388 = tpu.memref_slice %arg4[%add3A_1382, %dma_wait3A_1386, %dma_wait3A_1387] : memref<16384x50x64xf32, #tpu.memory_space<hbm>> -> memref<8x50x64xf32, #tpu.memory_space<hbm>>
      tpu.wait_dma2 semaphore(%arg16 : memref<!tpu.dma_semaphore, #tpu.memory_space<semaphore_mem>>) src(%arg8 : memref<8x50x64xf32, #tpu.memory_space<vmem>>) dst(%dma_wait3A_1388 : memref<8x50x64xf32, #tpu.memory_space<hbm>>)
      %mul3A_1389 = arith.constant 8 : i32
      %mul3A_1390 = arith.muli %add3A_1377, %mul3A_1389 : i32
      %add3A_1391 = arith.constant 0 : i32
      %add3A_1392 = arith.addi %mul3A_1390, %add3A_1391 : i32
      %dma_start3A_1393 = arith.constant 0 : i32
      %dma_start3A_1394 = arith.constant 0 : i32
      %dma_start3A_1395 = arith.constant 0 : i32
      %dma_start3A_1396 = tpu.memref_slice %arg8[%dma_start3A_1393, %dma_start3A_1394, %dma_start3A_1395] : memref<8x50x64xf32, #tpu.memory_space<vmem>> -> memref<1x50x64xf32, #tpu.memory_space<vmem>>
      %dma_start3A_1397 = tpu.memref_squeeze %dma_start3A_1396 : memref<1x50x64xf32, #tpu.memory_space<vmem>> -> memref<50x64xf32, #tpu.memory_space<vmem>>
      %dma_start3A_1398 = arith.constant 0 : i32
      %dma_start3A_1399 = tpu.memref_slice %arg5[%add3A_1392, %dma_start3A_1398] : memref<512x50xi32, #tpu.memory_space<vmem>> -> memref<1x50xi32, #tpu.memory_space<vmem>>
      %dma_start3A_1400 = tpu.memref_squeeze %dma_start3A_1399 : memref<1x50xi32, #tpu.memory_space<vmem>> -> memref<50xi32, #tpu.memory_space<vmem>>
      %dma_start3A_1401 = arith.constant 0 : i32
      %dma_start3A_1402 = arith.constant 0 : i32
      %dma_start3A_1403 = tpu.memref_slice %arg3[%dma_start3A_1401, %dma_start3A_1402] : memref<1000000x64xf32, #tpu.memory_space<hbm>> -> memref<1000000x64xf32, #tpu.memory_space<hbm>>
      tpu.enqueue_indirect_dma source(%dma_start3A_1403 : memref<1000000x64xf32, #tpu.memory_space<hbm>>) target(%dma_start3A_1397 : memref<50x64xf32, #tpu.memory_space<vmem>>) offsets(%dma_start3A_1400 : memref<50xi32, #tpu.memory_space<vmem>>) semaphore(%arg12 : memref<!tpu.dma_semaphore, #tpu.memory_space<semaphore_mem>>)
      %mul3A_1404 = arith.constant 8 : i32
      %mul3A_1405 = arith.muli %add3A_1377, %mul3A_1404 : i32
      %add3A_1406 = arith.constant 1 : i32
      %add3A_1407 = arith.addi %mul3A_1405, %add3A_1406 : i32
      %dma_start3A_1408 = arith.constant 1 : i32
      %dma_start3A_1409 = arith.constant 0 : i32
      %dma_start3A_1410 = arith.constant 0 : i32
      %dma_start3A_1411 = tpu.memref_slice %arg8[%dma_start3A_1408, %dma_start3A_1409, %dma_start3A_1410] : memref<8x50x64xf32, #tpu.memory_space<vmem>> -> memref<1x50x64xf32, #tpu.memory_space<vmem>>
      %dma_start3A_1412 = tpu.memref_squeeze %dma_start3A_1411 : memref<1x50x64xf32, #tpu.memory_space<vmem>> -> memref<50x64xf32, #tpu.memory_space<vmem>>
      %dma_start3A_1413 = arith.constant 0 : i32
      %dma_start3A_1414 = tpu.memref_slice %arg5[%add3A_1407, %dma_start3A_1413] : memref<512x50xi32, #tpu.memory_space<vmem>> -> memref<1x50xi32, #tpu.memory_space<vmem>>
      %dma_start3A_1415 = tpu.memref_squeeze %dma_start3A_1414 : memref<1x50xi32, #tpu.memory_space<vmem>> -> memref<50xi32, #tpu.memory_space<vmem>>
      %dma_start3A_1416 = arith.constant 0 : i32
      %dma_start3A_1417 = arith.constant 0 : i32
      %dma_start3A_1418 = tpu.memref_slice %arg3[%dma_start3A_1416, %dma_start3A_1417] : memref<1000000x64xf32, #tpu.memory_space<hbm>> -> memref<1000000x64xf32, #tpu.memory_space<hbm>>
      tpu.enqueue_indirect_dma source(%dma_start3A_1418 : memref<1000000x64xf32, #tpu.memory_space<hbm>>) target(%dma_start3A_1412 : memref<50x64xf32, #tpu.memory_space<vmem>>) offsets(%dma_start3A_1415 : memref<50xi32, #tpu.memory_space<vmem>>) semaphore(%arg12 : memref<!tpu.dma_semaphore, #tpu.memory_space<semaphore_mem>>)
      %mul3A_1419 = arith.constant 8 : i32
      %mul3A_1420 = arith.muli %add3A_1377, %mul3A_1419 : i32
      %add3A_1421 = arith.constant 2 : i32
      %add3A_1422 = arith.addi %mul3A_1420, %add3A_1421 : i32
      %dma_start3A_1423 = arith.constant 2 : i32
      %dma_start3A_1424 = arith.constant 0 : i32
      %dma_start3A_1425 = arith.constant 0 : i32
      %dma_start3A_1426 = tpu.memref_slice %arg8[%dma_start3A_1423, %dma_start3A_1424, %dma_start3A_1425] : memref<8x50x64xf32, #tpu.memory_space<vmem>> -> memref<1x50x64xf32, #tpu.memory_space<vmem>>
      %dma_start3A_1427 = tpu.memref_squeeze %dma_start3A_1426 : memref<1x50x64xf32, #tpu.memory_space<vmem>> -> memref<50x64xf32, #tpu.memory_space<vmem>>
      %dma_start3A_1428 = arith.constant 0 : i32
      %dma_start3A_1429 = tpu.memref_slice %arg5[%add3A_1422, %dma_start3A_1428] : memref<512x50xi32, #tpu.memory_space<vmem>> -> memref<1x50xi32, #tpu.memory_space<vmem>>
      %dma_start3A_1430 = tpu.memref_squeeze %dma_start3A_1429 : memref<1x50xi32, #tpu.memory_space<vmem>> -> memref<50xi32, #tpu.memory_space<vmem>>
      %dma_start3A_1431 = arith.constant 0 : i32
      %dma_start3A_1432 = arith.constant 0 : i32
      %dma_start3A_1433 = tpu.memref_slice %arg3[%dma_start3A_1431, %dma_start3A_1432] : memref<1000000x64xf32, #tpu.memory_space<hbm>> -> memref<1000000x64xf32, #tpu.memory_space<hbm>>
      tpu.enqueue_indirect_dma source(%dma_start3A_1433 : memref<1000000x64xf32, #tpu.memory_space<hbm>>) target(%dma_start3A_1427 : memref<50x64xf32, #tpu.memory_space<vmem>>) offsets(%dma_start3A_1430 : memref<50xi32, #tpu.memory_space<vmem>>) semaphore(%arg12 : memref<!tpu.dma_semaphore, #tpu.memory_space<semaphore_mem>>)
      %mul3A_1434 = arith.constant 8 : i32
      %mul3A_1435 = arith.muli %add3A_1377, %mul3A_1434 : i32
      %add3A_1436 = arith.constant 3 : i32
      %add3A_1437 = arith.addi %mul3A_1435, %add3A_1436 : i32
      %dma_start3A_1438 = arith.constant 3 : i32
      %dma_start3A_1439 = arith.constant 0 : i32
      %dma_start3A_1440 = arith.constant 0 : i32
      %dma_start3A_1441 = tpu.memref_slice %arg8[%dma_start3A_1438, %dma_start3A_1439, %dma_start3A_1440] : memref<8x50x64xf32, #tpu.memory_space<vmem>> -> memref<1x50x64xf32, #tpu.memory_space<vmem>>
      %dma_start3A_1442 = tpu.memref_squeeze %dma_start3A_1441 : memref<1x50x64xf32, #tpu.memory_space<vmem>> -> memref<50x64xf32, #tpu.memory_space<vmem>>
      %dma_start3A_1443 = arith.constant 0 : i32
      %dma_start3A_1444 = tpu.memref_slice %arg5[%add3A_1437, %dma_start3A_1443] : memref<512x50xi32, #tpu.memory_space<vmem>> -> memref<1x50xi32, #tpu.memory_space<vmem>>
      %dma_start3A_1445 = tpu.memref_squeeze %dma_start3A_1444 : memref<1x50xi32, #tpu.memory_space<vmem>> -> memref<50xi32, #tpu.memory_space<vmem>>
      %dma_start3A_1446 = arith.constant 0 : i32
      %dma_start3A_1447 = arith.constant 0 : i32
      %dma_start3A_1448 = tpu.memref_slice %arg3[%dma_start3A_1446, %dma_start3A_1447] : memref<1000000x64xf32, #tpu.memory_space<hbm>> -> memref<1000000x64xf32, #tpu.memory_space<hbm>>
      tpu.enqueue_indirect_dma source(%dma_start3A_1448 : memref<1000000x64xf32, #tpu.memory_space<hbm>>) target(%dma_start3A_1442 : memref<50x64xf32, #tpu.memory_space<vmem>>) offsets(%dma_start3A_1445 : memref<50xi32, #tpu.memory_space<vmem>>) semaphore(%arg12 : memref<!tpu.dma_semaphore, #tpu.memory_space<semaphore_mem>>)
      %mul3A_1449 = arith.constant 8 : i32
      %mul3A_1450 = arith.muli %add3A_1377, %mul3A_1449 : i32
      %add3A_1451 = arith.constant 4 : i32
      %add3A_1452 = arith.addi %mul3A_1450, %add3A_1451 : i32
      %dma_start3A_1453 = arith.constant 4 : i32
      %dma_start3A_1454 = arith.constant 0 : i32
      %dma_start3A_1455 = arith.constant 0 : i32
      %dma_start3A_1456 = tpu.memref_slice %arg8[%dma_start3A_1453, %dma_start3A_1454, %dma_start3A_1455] : memref<8x50x64xf32, #tpu.memory_space<vmem>> -> memref<1x50x64xf32, #tpu.memory_space<vmem>>
      %dma_start3A_1457 = tpu.memref_squeeze %dma_start3A_1456 : memref<1x50x64xf32, #tpu.memory_space<vmem>> -> memref<50x64xf32, #tpu.memory_space<vmem>>
      %dma_start3A_1458 = arith.constant 0 : i32
      %dma_start3A_1459 = tpu.memref_slice %arg5[%add3A_1452, %dma_start3A_1458] : memref<512x50xi32, #tpu.memory_space<vmem>> -> memref<1x50xi32, #tpu.memory_space<vmem>>
      %dma_start3A_1460 = tpu.memref_squeeze %dma_start3A_1459 : memref<1x50xi32, #tpu.memory_space<vmem>> -> memref<50xi32, #tpu.memory_space<vmem>>
      %dma_start3A_1461 = arith.constant 0 : i32
      %dma_start3A_1462 = arith.constant 0 : i32
      %dma_start3A_1463 = tpu.memref_slice %arg3[%dma_start3A_1461, %dma_start3A_1462] : memref<1000000x64xf32, #tpu.memory_space<hbm>> -> memref<1000000x64xf32, #tpu.memory_space<hbm>>
      tpu.enqueue_indirect_dma source(%dma_start3A_1463 : memref<1000000x64xf32, #tpu.memory_space<hbm>>) target(%dma_start3A_1457 : memref<50x64xf32, #tpu.memory_space<vmem>>) offsets(%dma_start3A_1460 : memref<50xi32, #tpu.memory_space<vmem>>) semaphore(%arg12 : memref<!tpu.dma_semaphore, #tpu.memory_space<semaphore_mem>>)
      %mul3A_1464 = arith.constant 8 : i32
      %mul3A_1465 = arith.muli %add3A_1377, %mul3A_1464 : i32
      %add3A_1466 = arith.constant 5 : i32
      %add3A_1467 = arith.addi %mul3A_1465, %add3A_1466 : i32
      %dma_start3A_1468 = arith.constant 5 : i32
      %dma_start3A_1469 = arith.constant 0 : i32
      %dma_start3A_1470 = arith.constant 0 : i32
      %dma_start3A_1471 = tpu.memref_slice %arg8[%dma_start3A_1468, %dma_start3A_1469, %dma_start3A_1470] : memref<8x50x64xf32, #tpu.memory_space<vmem>> -> memref<1x50x64xf32, #tpu.memory_space<vmem>>
      %dma_start3A_1472 = tpu.memref_squeeze %dma_start3A_1471 : memref<1x50x64xf32, #tpu.memory_space<vmem>> -> memref<50x64xf32, #tpu.memory_space<vmem>>
      %dma_start3A_1473 = arith.constant 0 : i32
      %dma_start3A_1474 = tpu.memref_slice %arg5[%add3A_1467, %dma_start3A_1473] : memref<512x50xi32, #tpu.memory_space<vmem>> -> memref<1x50xi32, #tpu.memory_space<vmem>>
      %dma_start3A_1475 = tpu.memref_squeeze %dma_start3A_1474 : memref<1x50xi32, #tpu.memory_space<vmem>> -> memref<50xi32, #tpu.memory_space<vmem>>
      %dma_start3A_1476 = arith.constant 0 : i32
      %dma_start3A_1477 = arith.constant 0 : i32
      %dma_start3A_1478 = tpu.memref_slice %arg3[%dma_start3A_1476, %dma_start3A_1477] : memref<1000000x64xf32, #tpu.memory_space<hbm>> -> memref<1000000x64xf32, #tpu.memory_space<hbm>>
      tpu.enqueue_indirect_dma source(%dma_start3A_1478 : memref<1000000x64xf32, #tpu.memory_space<hbm>>) target(%dma_start3A_1472 : memref<50x64xf32, #tpu.memory_space<vmem>>) offsets(%dma_start3A_1475 : memref<50xi32, #tpu.memory_space<vmem>>) semaphore(%arg12 : memref<!tpu.dma_semaphore, #tpu.memory_space<semaphore_mem>>)
      %mul3A_1479 = arith.constant 8 : i32
      %mul3A_1480 = arith.muli %add3A_1377, %mul3A_1479 : i32
      %add3A_1481 = arith.constant 6 : i32
      %add3A_1482 = arith.addi %mul3A_1480, %add3A_1481 : i32
      %dma_start3A_1483 = arith.constant 6 : i32
      %dma_start3A_1484 = arith.constant 0 : i32
      %dma_start3A_1485 = arith.constant 0 : i32
      %dma_start3A_1486 = tpu.memref_slice %arg8[%dma_start3A_1483, %dma_start3A_1484, %dma_start3A_1485] : memref<8x50x64xf32, #tpu.memory_space<vmem>> -> memref<1x50x64xf32, #tpu.memory_space<vmem>>
      %dma_start3A_1487 = tpu.memref_squeeze %dma_start3A_1486 : memref<1x50x64xf32, #tpu.memory_space<vmem>> -> memref<50x64xf32, #tpu.memory_space<vmem>>
      %dma_start3A_1488 = arith.constant 0 : i32
      %dma_start3A_1489 = tpu.memref_slice %arg5[%add3A_1482, %dma_start3A_1488] : memref<512x50xi32, #tpu.memory_space<vmem>> -> memref<1x50xi32, #tpu.memory_space<vmem>>
      %dma_start3A_1490 = tpu.memref_squeeze %dma_start3A_1489 : memref<1x50xi32, #tpu.memory_space<vmem>> -> memref<50xi32, #tpu.memory_space<vmem>>
      %dma_start3A_1491 = arith.constant 0 : i32
      %dma_start3A_1492 = arith.constant 0 : i32
      %dma_start3A_1493 = tpu.memref_slice %arg3[%dma_start3A_1491, %dma_start3A_1492] : memref<1000000x64xf32, #tpu.memory_space<hbm>> -> memref<1000000x64xf32, #tpu.memory_space<hbm>>
      tpu.enqueue_indirect_dma source(%dma_start3A_1493 : memref<1000000x64xf32, #tpu.memory_space<hbm>>) target(%dma_start3A_1487 : memref<50x64xf32, #tpu.memory_space<vmem>>) offsets(%dma_start3A_1490 : memref<50xi32, #tpu.memory_space<vmem>>) semaphore(%arg12 : memref<!tpu.dma_semaphore, #tpu.memory_space<semaphore_mem>>)
      %mul3A_1494 = arith.constant 8 : i32
      %mul3A_1495 = arith.muli %add3A_1377, %mul3A_1494 : i32
      %add3A_1496 = arith.constant 7 : i32
      %add3A_1497 = arith.addi %mul3A_1495, %add3A_1496 : i32
      %dma_start3A_1498 = arith.constant 7 : i32
      %dma_start3A_1499 = arith.constant 0 : i32
      %dma_start3A_1500 = arith.constant 0 : i32
      %dma_start3A_1501 = tpu.memref_slice %arg8[%dma_start3A_1498, %dma_start3A_1499, %dma_start3A_1500] : memref<8x50x64xf32, #tpu.memory_space<vmem>> -> memref<1x50x64xf32, #tpu.memory_space<vmem>>
      %dma_start3A_1502 = tpu.memref_squeeze %dma_start3A_1501 : memref<1x50x64xf32, #tpu.memory_space<vmem>> -> memref<50x64xf32, #tpu.memory_space<vmem>>
      %dma_start3A_1503 = arith.constant 0 : i32
      %dma_start3A_1504 = tpu.memref_slice %arg5[%add3A_1497, %dma_start3A_1503] : memref<512x50xi32, #tpu.memory_space<vmem>> -> memref<1x50xi32, #tpu.memory_space<vmem>>
      %dma_start3A_1505 = tpu.memref_squeeze %dma_start3A_1504 : memref<1x50xi32, #tpu.memory_space<vmem>> -> memref<50xi32, #tpu.memory_space<vmem>>
      %dma_start3A_1506 = arith.constant 0 : i32
      %dma_start3A_1507 = arith.constant 0 : i32
      %dma_start3A_1508 = tpu.memref_slice %arg3[%dma_start3A_1506, %dma_start3A_1507] : memref<1000000x64xf32, #tpu.memory_space<hbm>> -> memref<1000000x64xf32, #tpu.memory_space<hbm>>
      tpu.enqueue_indirect_dma source(%dma_start3A_1508 : memref<1000000x64xf32, #tpu.memory_space<hbm>>) target(%dma_start3A_1502 : memref<50x64xf32, #tpu.memory_space<vmem>>) offsets(%dma_start3A_1505 : memref<50xi32, #tpu.memory_space<vmem>>) semaphore(%arg12 : memref<!tpu.dma_semaphore, #tpu.memory_space<semaphore_mem>>)
      %sub3A_1509 = arith.constant 2 : i32
      %sub3A_1510 = arith.subi %add3A_1377, %sub3A_1509 : i32
      %mul3A_1511 = arith.constant 8 : i32
      %mul3A_1512 = arith.muli %sub3A_1510, %mul3A_1511 : i32
      %add3A_1513 = arith.constant 0 : i32
      %add3A_1514 = arith.addi %mul3A_1512, %add3A_1513 : i32
      %dma_wait3A_1515 = arith.constant 0 : i32
      %dma_wait3A_1516 = arith.constant 0 : i32
      %dma_wait3A_1517 = arith.constant 0 : i32
      %dma_wait3A_1518 = tpu.memref_slice %arg6[%dma_wait3A_1515, %dma_wait3A_1516, %dma_wait3A_1517] : memref<8x50x64xf32, #tpu.memory_space<vmem>> -> memref<1x50x64xf32, #tpu.memory_space<vmem>>
      %dma_wait3A_1519 = tpu.memref_squeeze %dma_wait3A_1518 : memref<1x50x64xf32, #tpu.memory_space<vmem>> -> memref<50x64xf32, #tpu.memory_space<vmem>>
      %dma_wait3A_1520 = arith.constant 0 : i32
      %dma_wait3A_1521 = tpu.memref_slice %arg5[%add3A_1514, %dma_wait3A_1520] : memref<512x50xi32, #tpu.memory_space<vmem>> -> memref<1x50xi32, #tpu.memory_space<vmem>>
      %dma_wait3A_1522 = tpu.memref_squeeze %dma_wait3A_1521 : memref<1x50xi32, #tpu.memory_space<vmem>> -> memref<50xi32, #tpu.memory_space<vmem>>
      %dma_wait3A_1523 = arith.constant 0 : i32
      %dma_wait3A_1524 = arith.constant 0 : i32
      %dma_wait3A_1525 = tpu.memref_slice %arg3[%dma_wait3A_1523, %dma_wait3A_1524] : memref<1000000x64xf32, #tpu.memory_space<hbm>> -> memref<1000000x64xf32, #tpu.memory_space<hbm>>
      tpu.wait_indirect_dma semaphore(%arg10 : memref<!tpu.dma_semaphore, #tpu.memory_space<semaphore_mem>>) src(%dma_wait3A_1525 : memref<1000000x64xf32, #tpu.memory_space<hbm>>) dst(%dma_wait3A_1519 : memref<50x64xf32, #tpu.memory_space<vmem>>)
      %mul3A_1526 = arith.constant 8 : i32
      %mul3A_1527 = arith.muli %sub3A_1510, %mul3A_1526 : i32
      %add3A_1528 = arith.constant 1 : i32
      %add3A_1529 = arith.addi %mul3A_1527, %add3A_1528 : i32
      %dma_wait3A_1530 = arith.constant 1 : i32
      %dma_wait3A_1531 = arith.constant 0 : i32
      %dma_wait3A_1532 = arith.constant 0 : i32
      %dma_wait3A_1533 = tpu.memref_slice %arg6[%dma_wait3A_1530, %dma_wait3A_1531, %dma_wait3A_1532] : memref<8x50x64xf32, #tpu.memory_space<vmem>> -> memref<1x50x64xf32, #tpu.memory_space<vmem>>
      %dma_wait3A_1534 = tpu.memref_squeeze %dma_wait3A_1533 : memref<1x50x64xf32, #tpu.memory_space<vmem>> -> memref<50x64xf32, #tpu.memory_space<vmem>>
      %dma_wait3A_1535 = arith.constant 0 : i32
      %dma_wait3A_1536 = tpu.memref_slice %arg5[%add3A_1529, %dma_wait3A_1535] : memref<512x50xi32, #tpu.memory_space<vmem>> -> memref<1x50xi32, #tpu.memory_space<vmem>>
      %dma_wait3A_1537 = tpu.memref_squeeze %dma_wait3A_1536 : memref<1x50xi32, #tpu.memory_space<vmem>> -> memref<50xi32, #tpu.memory_space<vmem>>
      %dma_wait3A_1538 = arith.constant 0 : i32
      %dma_wait3A_1539 = arith.constant 0 : i32
      %dma_wait3A_1540 = tpu.memref_slice %arg3[%dma_wait3A_1538, %dma_wait3A_1539] : memref<1000000x64xf32, #tpu.memory_space<hbm>> -> memref<1000000x64xf32, #tpu.memory_space<hbm>>
      tpu.wait_indirect_dma semaphore(%arg10 : memref<!tpu.dma_semaphore, #tpu.memory_space<semaphore_mem>>) src(%dma_wait3A_1540 : memref<1000000x64xf32, #tpu.memory_space<hbm>>) dst(%dma_wait3A_1534 : memref<50x64xf32, #tpu.memory_space<vmem>>)
      %mul3A_1541 = arith.constant 8 : i32
      %mul3A_1542 = arith.muli %sub3A_1510, %mul3A_1541 : i32
      %add3A_1543 = arith.constant 2 : i32
      %add3A_1544 = arith.addi %mul3A_1542, %add3A_1543 : i32
      %dma_wait3A_1545 = arith.constant 2 : i32
      %dma_wait3A_1546 = arith.constant 0 : i32
      %dma_wait3A_1547 = arith.constant 0 : i32
      %dma_wait3A_1548 = tpu.memref_slice %arg6[%dma_wait3A_1545, %dma_wait3A_1546, %dma_wait3A_1547] : memref<8x50x64xf32, #tpu.memory_space<vmem>> -> memref<1x50x64xf32, #tpu.memory_space<vmem>>
      %dma_wait3A_1549 = tpu.memref_squeeze %dma_wait3A_1548 : memref<1x50x64xf32, #tpu.memory_space<vmem>> -> memref<50x64xf32, #tpu.memory_space<vmem>>
      %dma_wait3A_1550 = arith.constant 0 : i32
      %dma_wait3A_1551 = tpu.memref_slice %arg5[%add3A_1544, %dma_wait3A_1550] : memref<512x50xi32, #tpu.memory_space<vmem>> -> memref<1x50xi32, #tpu.memory_space<vmem>>
      %dma_wait3A_1552 = tpu.memref_squeeze %dma_wait3A_1551 : memref<1x50xi32, #tpu.memory_space<vmem>> -> memref<50xi32, #tpu.memory_space<vmem>>
      %dma_wait3A_1553 = arith.constant 0 : i32
      %dma_wait3A_1554 = arith.constant 0 : i32
      %dma_wait3A_1555 = tpu.memref_slice %arg3[%dma_wait3A_1553, %dma_wait3A_1554] : memref<1000000x64xf32, #tpu.memory_space<hbm>> -> memref<1000000x64xf32, #tpu.memory_space<hbm>>
      tpu.wait_indirect_dma semaphore(%arg10 : memref<!tpu.dma_semaphore, #tpu.memory_space<semaphore_mem>>) src(%dma_wait3A_1555 : memref<1000000x64xf32, #tpu.memory_space<hbm>>) dst(%dma_wait3A_1549 : memref<50x64xf32, #tpu.memory_space<vmem>>)
      %mul3A_1556 = arith.constant 8 : i32
      %mul3A_1557 = arith.muli %sub3A_1510, %mul3A_1556 : i32
      %add3A_1558 = arith.constant 3 : i32
      %add3A_1559 = arith.addi %mul3A_1557, %add3A_1558 : i32
      %dma_wait3A_1560 = arith.constant 3 : i32
      %dma_wait3A_1561 = arith.constant 0 : i32
      %dma_wait3A_1562 = arith.constant 0 : i32
      %dma_wait3A_1563 = tpu.memref_slice %arg6[%dma_wait3A_1560, %dma_wait3A_1561, %dma_wait3A_1562] : memref<8x50x64xf32, #tpu.memory_space<vmem>> -> memref<1x50x64xf32, #tpu.memory_space<vmem>>
      %dma_wait3A_1564 = tpu.memref_squeeze %dma_wait3A_1563 : memref<1x50x64xf32, #tpu.memory_space<vmem>> -> memref<50x64xf32, #tpu.memory_space<vmem>>
      %dma_wait3A_1565 = arith.constant 0 : i32
      %dma_wait3A_1566 = tpu.memref_slice %arg5[%add3A_1559, %dma_wait3A_1565] : memref<512x50xi32, #tpu.memory_space<vmem>> -> memref<1x50xi32, #tpu.memory_space<vmem>>
      %dma_wait3A_1567 = tpu.memref_squeeze %dma_wait3A_1566 : memref<1x50xi32, #tpu.memory_space<vmem>> -> memref<50xi32, #tpu.memory_space<vmem>>
      %dma_wait3A_1568 = arith.constant 0 : i32
      %dma_wait3A_1569 = arith.constant 0 : i32
      %dma_wait3A_1570 = tpu.memref_slice %arg3[%dma_wait3A_1568, %dma_wait3A_1569] : memref<1000000x64xf32, #tpu.memory_space<hbm>> -> memref<1000000x64xf32, #tpu.memory_space<hbm>>
      tpu.wait_indirect_dma semaphore(%arg10 : memref<!tpu.dma_semaphore, #tpu.memory_space<semaphore_mem>>) src(%dma_wait3A_1570 : memref<1000000x64xf32, #tpu.memory_space<hbm>>) dst(%dma_wait3A_1564 : memref<50x64xf32, #tpu.memory_space<vmem>>)
      %mul3A_1571 = arith.constant 8 : i32
      %mul3A_1572 = arith.muli %sub3A_1510, %mul3A_1571 : i32
      %add3A_1573 = arith.constant 4 : i32
      %add3A_1574 = arith.addi %mul3A_1572, %add3A_1573 : i32
      %dma_wait3A_1575 = arith.constant 4 : i32
      %dma_wait3A_1576 = arith.constant 0 : i32
      %dma_wait3A_1577 = arith.constant 0 : i32
      %dma_wait3A_1578 = tpu.memref_slice %arg6[%dma_wait3A_1575, %dma_wait3A_1576, %dma_wait3A_1577] : memref<8x50x64xf32, #tpu.memory_space<vmem>> -> memref<1x50x64xf32, #tpu.memory_space<vmem>>
      %dma_wait3A_1579 = tpu.memref_squeeze %dma_wait3A_1578 : memref<1x50x64xf32, #tpu.memory_space<vmem>> -> memref<50x64xf32, #tpu.memory_space<vmem>>
      %dma_wait3A_1580 = arith.constant 0 : i32
      %dma_wait3A_1581 = tpu.memref_slice %arg5[%add3A_1574, %dma_wait3A_1580] : memref<512x50xi32, #tpu.memory_space<vmem>> -> memref<1x50xi32, #tpu.memory_space<vmem>>
      %dma_wait3A_1582 = tpu.memref_squeeze %dma_wait3A_1581 : memref<1x50xi32, #tpu.memory_space<vmem>> -> memref<50xi32, #tpu.memory_space<vmem>>
      %dma_wait3A_1583 = arith.constant 0 : i32
      %dma_wait3A_1584 = arith.constant 0 : i32
      %dma_wait3A_1585 = tpu.memref_slice %arg3[%dma_wait3A_1583, %dma_wait3A_1584] : memref<1000000x64xf32, #tpu.memory_space<hbm>> -> memref<1000000x64xf32, #tpu.memory_space<hbm>>
      tpu.wait_indirect_dma semaphore(%arg10 : memref<!tpu.dma_semaphore, #tpu.memory_space<semaphore_mem>>) src(%dma_wait3A_1585 : memref<1000000x64xf32, #tpu.memory_space<hbm>>) dst(%dma_wait3A_1579 : memref<50x64xf32, #tpu.memory_space<vmem>>)
      %mul3A_1586 = arith.constant 8 : i32
      %mul3A_1587 = arith.muli %sub3A_1510, %mul3A_1586 : i32
      %add3A_1588 = arith.constant 5 : i32
      %add3A_1589 = arith.addi %mul3A_1587, %add3A_1588 : i32
      %dma_wait3A_1590 = arith.constant 5 : i32
      %dma_wait3A_1591 = arith.constant 0 : i32
      %dma_wait3A_1592 = arith.constant 0 : i32
      %dma_wait3A_1593 = tpu.memref_slice %arg6[%dma_wait3A_1590, %dma_wait3A_1591, %dma_wait3A_1592] : memref<8x50x64xf32, #tpu.memory_space<vmem>> -> memref<1x50x64xf32, #tpu.memory_space<vmem>>
      %dma_wait3A_1594 = tpu.memref_squeeze %dma_wait3A_1593 : memref<1x50x64xf32, #tpu.memory_space<vmem>> -> memref<50x64xf32, #tpu.memory_space<vmem>>
      %dma_wait3A_1595 = arith.constant 0 : i32
      %dma_wait3A_1596 = tpu.memref_slice %arg5[%add3A_1589, %dma_wait3A_1595] : memref<512x50xi32, #tpu.memory_space<vmem>> -> memref<1x50xi32, #tpu.memory_space<vmem>>
      %dma_wait3A_1597 = tpu.memref_squeeze %dma_wait3A_1596 : memref<1x50xi32, #tpu.memory_space<vmem>> -> memref<50xi32, #tpu.memory_space<vmem>>
      %dma_wait3A_1598 = arith.constant 0 : i32
      %dma_wait3A_1599 = arith.constant 0 : i32
      %dma_wait3A_1600 = tpu.memref_slice %arg3[%dma_wait3A_1598, %dma_wait3A_1599] : memref<1000000x64xf32, #tpu.memory_space<hbm>> -> memref<1000000x64xf32, #tpu.memory_space<hbm>>
      tpu.wait_indirect_dma semaphore(%arg10 : memref<!tpu.dma_semaphore, #tpu.memory_space<semaphore_mem>>) src(%dma_wait3A_1600 : memref<1000000x64xf32, #tpu.memory_space<hbm>>) dst(%dma_wait3A_1594 : memref<50x64xf32, #tpu.memory_space<vmem>>)
      %mul3A_1601 = arith.constant 8 : i32
      %mul3A_1602 = arith.muli %sub3A_1510, %mul3A_1601 : i32
      %add3A_1603 = arith.constant 6 : i32
      %add3A_1604 = arith.addi %mul3A_1602, %add3A_1603 : i32
      %dma_wait3A_1605 = arith.constant 6 : i32
      %dma_wait3A_1606 = arith.constant 0 : i32
      %dma_wait3A_1607 = arith.constant 0 : i32
      %dma_wait3A_1608 = tpu.memref_slice %arg6[%dma_wait3A_1605, %dma_wait3A_1606, %dma_wait3A_1607] : memref<8x50x64xf32, #tpu.memory_space<vmem>> -> memref<1x50x64xf32, #tpu.memory_space<vmem>>
      %dma_wait3A_1609 = tpu.memref_squeeze %dma_wait3A_1608 : memref<1x50x64xf32, #tpu.memory_space<vmem>> -> memref<50x64xf32, #tpu.memory_space<vmem>>
      %dma_wait3A_1610 = arith.constant 0 : i32
      %dma_wait3A_1611 = tpu.memref_slice %arg5[%add3A_1604, %dma_wait3A_1610] : memref<512x50xi32, #tpu.memory_space<vmem>> -> memref<1x50xi32, #tpu.memory_space<vmem>>
      %dma_wait3A_1612 = tpu.memref_squeeze %dma_wait3A_1611 : memref<1x50xi32, #tpu.memory_space<vmem>> -> memref<50xi32, #tpu.memory_space<vmem>>
      %dma_wait3A_1613 = arith.constant 0 : i32
      %dma_wait3A_1614 = arith.constant 0 : i32
      %dma_wait3A_1615 = tpu.memref_slice %arg3[%dma_wait3A_1613, %dma_wait3A_1614] : memref<1000000x64xf32, #tpu.memory_space<hbm>> -> memref<1000000x64xf32, #tpu.memory_space<hbm>>
      tpu.wait_indirect_dma semaphore(%arg10 : memref<!tpu.dma_semaphore, #tpu.memory_space<semaphore_mem>>) src(%dma_wait3A_1615 : memref<1000000x64xf32, #tpu.memory_space<hbm>>) dst(%dma_wait3A_1609 : memref<50x64xf32, #tpu.memory_space<vmem>>)
      %mul3A_1616 = arith.constant 8 : i32
      %mul3A_1617 = arith.muli %sub3A_1510, %mul3A_1616 : i32
      %add3A_1618 = arith.constant 7 : i32
      %add3A_1619 = arith.addi %mul3A_1617, %add3A_1618 : i32
      %dma_wait3A_1620 = arith.constant 7 : i32
      %dma_wait3A_1621 = arith.constant 0 : i32
      %dma_wait3A_1622 = arith.constant 0 : i32
      %dma_wait3A_1623 = tpu.memref_slice %arg6[%dma_wait3A_1620, %dma_wait3A_1621, %dma_wait3A_1622] : memref<8x50x64xf32, #tpu.memory_space<vmem>> -> memref<1x50x64xf32, #tpu.memory_space<vmem>>
      %dma_wait3A_1624 = tpu.memref_squeeze %dma_wait3A_1623 : memref<1x50x64xf32, #tpu.memory_space<vmem>> -> memref<50x64xf32, #tpu.memory_space<vmem>>
      %dma_wait3A_1625 = arith.constant 0 : i32
      %dma_wait3A_1626 = tpu.memref_slice %arg5[%add3A_1619, %dma_wait3A_1625] : memref<512x50xi32, #tpu.memory_space<vmem>> -> memref<1x50xi32, #tpu.memory_space<vmem>>
      %dma_wait3A_1627 = tpu.memref_squeeze %dma_wait3A_1626 : memref<1x50xi32, #tpu.memory_space<vmem>> -> memref<50xi32, #tpu.memory_space<vmem>>
      %dma_wait3A_1628 = arith.constant 0 : i32
      %dma_wait3A_1629 = arith.constant 0 : i32
      %dma_wait3A_1630 = tpu.memref_slice %arg3[%dma_wait3A_1628, %dma_wait3A_1629] : memref<1000000x64xf32, #tpu.memory_space<hbm>> -> memref<1000000x64xf32, #tpu.memory_space<hbm>>
      tpu.wait_indirect_dma semaphore(%arg10 : memref<!tpu.dma_semaphore, #tpu.memory_space<semaphore_mem>>) src(%dma_wait3A_1630 : memref<1000000x64xf32, #tpu.memory_space<hbm>>) dst(%dma_wait3A_1624 : memref<50x64xf32, #tpu.memory_space<vmem>>)
      %sub3A_1631 = arith.constant 2 : i32
      %sub3A_1632 = arith.subi %add3A_1377, %sub3A_1631 : i32
      %mul3A_1633 = arith.constant 8 : i32
      %mul3A_1634 = arith.muli %sub3A_1632, %mul3A_1633 : i32
      %add3A_1635 = arith.addi %mul3A_2, %mul3A_1634 : i32
      %dma_start3A_1636 = arith.constant 0 : i32
      %dma_start3A_1637 = arith.constant 0 : i32
      %dma_start3A_1638 = tpu.memref_slice %arg4[%add3A_1635, %dma_start3A_1636, %dma_start3A_1637] : memref<16384x50x64xf32, #tpu.memory_space<hbm>> -> memref<8x50x64xf32, #tpu.memory_space<hbm>>
      %dma_start3A_1639 = arith.constant 0 : i32
      %dma_start3A_1640 = arith.constant 0 : i32
      %dma_start3A_1641 = tpu.memref_slice %arg4[%add3A_1635, %dma_start3A_1639, %dma_start3A_1640] : memref<16384x50x64xf32, #tpu.memory_space<hbm>> -> memref<8x50x64xf32, #tpu.memory_space<hbm>>
      tpu.enqueue_dma source(%arg6 : memref<8x50x64xf32, #tpu.memory_space<vmem>>) target(%dma_start3A_1641 : memref<8x50x64xf32, #tpu.memory_space<hbm>>) target_semaphore(%arg14 : memref<!tpu.dma_semaphore, #tpu.memory_space<semaphore_mem>>)
      %mul3A_1642 = arith.constant 4 : i32
      %mul3A_1643 = arith.muli %scan3A_838, %mul3A_1642 : i32
      %add3A_1644 = arith.constant 3 : i32
      %add3A_1645 = arith.addi %mul3A_1643, %add3A_1644 : i32
      %sub3A_1646 = arith.constant 4 : i32
      %sub3A_1647 = arith.subi %add3A_1645, %sub3A_1646 : i32
      %mul3A_1648 = arith.constant 8 : i32
      %mul3A_1649 = arith.muli %sub3A_1647, %mul3A_1648 : i32
      %add3A_1650 = arith.addi %mul3A_2, %mul3A_1649 : i32
      %dma_wait3A_1651 = arith.constant 0 : i32
      %dma_wait3A_1652 = arith.constant 0 : i32
      %dma_wait3A_1653 = tpu.memref_slice %arg4[%add3A_1650, %dma_wait3A_1651, %dma_wait3A_1652] : memref<16384x50x64xf32, #tpu.memory_space<hbm>> -> memref<8x50x64xf32, #tpu.memory_space<hbm>>
      %dma_wait3A_1654 = arith.constant 0 : i32
      %dma_wait3A_1655 = arith.constant 0 : i32
      %dma_wait3A_1656 = tpu.memref_slice %arg4[%add3A_1650, %dma_wait3A_1654, %dma_wait3A_1655] : memref<16384x50x64xf32, #tpu.memory_space<hbm>> -> memref<8x50x64xf32, #tpu.memory_space<hbm>>
      tpu.wait_dma2 semaphore(%arg17 : memref<!tpu.dma_semaphore, #tpu.memory_space<semaphore_mem>>) src(%arg9 : memref<8x50x64xf32, #tpu.memory_space<vmem>>) dst(%dma_wait3A_1656 : memref<8x50x64xf32, #tpu.memory_space<hbm>>)
      %mul3A_1657 = arith.constant 8 : i32
      %mul3A_1658 = arith.muli %add3A_1645, %mul3A_1657 : i32
      %add3A_1659 = arith.constant 0 : i32
      %add3A_1660 = arith.addi %mul3A_1658, %add3A_1659 : i32
      %dma_start3A_1661 = arith.constant 0 : i32
      %dma_start3A_1662 = arith.constant 0 : i32
      %dma_start3A_1663 = arith.constant 0 : i32
      %dma_start3A_1664 = tpu.memref_slice %arg9[%dma_start3A_1661, %dma_start3A_1662, %dma_start3A_1663] : memref<8x50x64xf32, #tpu.memory_space<vmem>> -> memref<1x50x64xf32, #tpu.memory_space<vmem>>
      %dma_start3A_1665 = tpu.memref_squeeze %dma_start3A_1664 : memref<1x50x64xf32, #tpu.memory_space<vmem>> -> memref<50x64xf32, #tpu.memory_space<vmem>>
      %dma_start3A_1666 = arith.constant 0 : i32
      %dma_start3A_1667 = tpu.memref_slice %arg5[%add3A_1660, %dma_start3A_1666] : memref<512x50xi32, #tpu.memory_space<vmem>> -> memref<1x50xi32, #tpu.memory_space<vmem>>
      %dma_start3A_1668 = tpu.memref_squeeze %dma_start3A_1667 : memref<1x50xi32, #tpu.memory_space<vmem>> -> memref<50xi32, #tpu.memory_space<vmem>>
      %dma_start3A_1669 = arith.constant 0 : i32
      %dma_start3A_1670 = arith.constant 0 : i32
      %dma_start3A_1671 = tpu.memref_slice %arg3[%dma_start3A_1669, %dma_start3A_1670] : memref<1000000x64xf32, #tpu.memory_space<hbm>> -> memref<1000000x64xf32, #tpu.memory_space<hbm>>
      tpu.enqueue_indirect_dma source(%dma_start3A_1671 : memref<1000000x64xf32, #tpu.memory_space<hbm>>) target(%dma_start3A_1665 : memref<50x64xf32, #tpu.memory_space<vmem>>) offsets(%dma_start3A_1668 : memref<50xi32, #tpu.memory_space<vmem>>) semaphore(%arg13 : memref<!tpu.dma_semaphore, #tpu.memory_space<semaphore_mem>>)
      %mul3A_1672 = arith.constant 8 : i32
      %mul3A_1673 = arith.muli %add3A_1645, %mul3A_1672 : i32
      %add3A_1674 = arith.constant 1 : i32
      %add3A_1675 = arith.addi %mul3A_1673, %add3A_1674 : i32
      %dma_start3A_1676 = arith.constant 1 : i32
      %dma_start3A_1677 = arith.constant 0 : i32
      %dma_start3A_1678 = arith.constant 0 : i32
      %dma_start3A_1679 = tpu.memref_slice %arg9[%dma_start3A_1676, %dma_start3A_1677, %dma_start3A_1678] : memref<8x50x64xf32, #tpu.memory_space<vmem>> -> memref<1x50x64xf32, #tpu.memory_space<vmem>>
      %dma_start3A_1680 = tpu.memref_squeeze %dma_start3A_1679 : memref<1x50x64xf32, #tpu.memory_space<vmem>> -> memref<50x64xf32, #tpu.memory_space<vmem>>
      %dma_start3A_1681 = arith.constant 0 : i32
      %dma_start3A_1682 = tpu.memref_slice %arg5[%add3A_1675, %dma_start3A_1681] : memref<512x50xi32, #tpu.memory_space<vmem>> -> memref<1x50xi32, #tpu.memory_space<vmem>>
      %dma_start3A_1683 = tpu.memref_squeeze %dma_start3A_1682 : memref<1x50xi32, #tpu.memory_space<vmem>> -> memref<50xi32, #tpu.memory_space<vmem>>
      %dma_start3A_1684 = arith.constant 0 : i32
      %dma_start3A_1685 = arith.constant 0 : i32
      %dma_start3A_1686 = tpu.memref_slice %arg3[%dma_start3A_1684, %dma_start3A_1685] : memref<1000000x64xf32, #tpu.memory_space<hbm>> -> memref<1000000x64xf32, #tpu.memory_space<hbm>>
      tpu.enqueue_indirect_dma source(%dma_start3A_1686 : memref<1000000x64xf32, #tpu.memory_space<hbm>>) target(%dma_start3A_1680 : memref<50x64xf32, #tpu.memory_space<vmem>>) offsets(%dma_start3A_1683 : memref<50xi32, #tpu.memory_space<vmem>>) semaphore(%arg13 : memref<!tpu.dma_semaphore, #tpu.memory_space<semaphore_mem>>)
      %mul3A_1687 = arith.constant 8 : i32
      %mul3A_1688 = arith.muli %add3A_1645, %mul3A_1687 : i32
      %add3A_1689 = arith.constant 2 : i32
      %add3A_1690 = arith.addi %mul3A_1688, %add3A_1689 : i32
      %dma_start3A_1691 = arith.constant 2 : i32
      %dma_start3A_1692 = arith.constant 0 : i32
      %dma_start3A_1693 = arith.constant 0 : i32
      %dma_start3A_1694 = tpu.memref_slice %arg9[%dma_start3A_1691, %dma_start3A_1692, %dma_start3A_1693] : memref<8x50x64xf32, #tpu.memory_space<vmem>> -> memref<1x50x64xf32, #tpu.memory_space<vmem>>
      %dma_start3A_1695 = tpu.memref_squeeze %dma_start3A_1694 : memref<1x50x64xf32, #tpu.memory_space<vmem>> -> memref<50x64xf32, #tpu.memory_space<vmem>>
      %dma_start3A_1696 = arith.constant 0 : i32
      %dma_start3A_1697 = tpu.memref_slice %arg5[%add3A_1690, %dma_start3A_1696] : memref<512x50xi32, #tpu.memory_space<vmem>> -> memref<1x50xi32, #tpu.memory_space<vmem>>
      %dma_start3A_1698 = tpu.memref_squeeze %dma_start3A_1697 : memref<1x50xi32, #tpu.memory_space<vmem>> -> memref<50xi32, #tpu.memory_space<vmem>>
      %dma_start3A_1699 = arith.constant 0 : i32
      %dma_start3A_1700 = arith.constant 0 : i32
      %dma_start3A_1701 = tpu.memref_slice %arg3[%dma_start3A_1699, %dma_start3A_1700] : memref<1000000x64xf32, #tpu.memory_space<hbm>> -> memref<1000000x64xf32, #tpu.memory_space<hbm>>
      tpu.enqueue_indirect_dma source(%dma_start3A_1701 : memref<1000000x64xf32, #tpu.memory_space<hbm>>) target(%dma_start3A_1695 : memref<50x64xf32, #tpu.memory_space<vmem>>) offsets(%dma_start3A_1698 : memref<50xi32, #tpu.memory_space<vmem>>) semaphore(%arg13 : memref<!tpu.dma_semaphore, #tpu.memory_space<semaphore_mem>>)
      %mul3A_1702 = arith.constant 8 : i32
      %mul3A_1703 = arith.muli %add3A_1645, %mul3A_1702 : i32
      %add3A_1704 = arith.constant 3 : i32
      %add3A_1705 = arith.addi %mul3A_1703, %add3A_1704 : i32
      %dma_start3A_1706 = arith.constant 3 : i32
      %dma_start3A_1707 = arith.constant 0 : i32
      %dma_start3A_1708 = arith.constant 0 : i32
      %dma_start3A_1709 = tpu.memref_slice %arg9[%dma_start3A_1706, %dma_start3A_1707, %dma_start3A_1708] : memref<8x50x64xf32, #tpu.memory_space<vmem>> -> memref<1x50x64xf32, #tpu.memory_space<vmem>>
      %dma_start3A_1710 = tpu.memref_squeeze %dma_start3A_1709 : memref<1x50x64xf32, #tpu.memory_space<vmem>> -> memref<50x64xf32, #tpu.memory_space<vmem>>
      %dma_start3A_1711 = arith.constant 0 : i32
      %dma_start3A_1712 = tpu.memref_slice %arg5[%add3A_1705, %dma_start3A_1711] : memref<512x50xi32, #tpu.memory_space<vmem>> -> memref<1x50xi32, #tpu.memory_space<vmem>>
      %dma_start3A_1713 = tpu.memref_squeeze %dma_start3A_1712 : memref<1x50xi32, #tpu.memory_space<vmem>> -> memref<50xi32, #tpu.memory_space<vmem>>
      %dma_start3A_1714 = arith.constant 0 : i32
      %dma_start3A_1715 = arith.constant 0 : i32
      %dma_start3A_1716 = tpu.memref_slice %arg3[%dma_start3A_1714, %dma_start3A_1715] : memref<1000000x64xf32, #tpu.memory_space<hbm>> -> memref<1000000x64xf32, #tpu.memory_space<hbm>>
      tpu.enqueue_indirect_dma source(%dma_start3A_1716 : memref<1000000x64xf32, #tpu.memory_space<hbm>>) target(%dma_start3A_1710 : memref<50x64xf32, #tpu.memory_space<vmem>>) offsets(%dma_start3A_1713 : memref<50xi32, #tpu.memory_space<vmem>>) semaphore(%arg13 : memref<!tpu.dma_semaphore, #tpu.memory_space<semaphore_mem>>)
      %mul3A_1717 = arith.constant 8 : i32
      %mul3A_1718 = arith.muli %add3A_1645, %mul3A_1717 : i32
      %add3A_1719 = arith.constant 4 : i32
      %add3A_1720 = arith.addi %mul3A_1718, %add3A_1719 : i32
      %dma_start3A_1721 = arith.constant 4 : i32
      %dma_start3A_1722 = arith.constant 0 : i32
      %dma_start3A_1723 = arith.constant 0 : i32
      %dma_start3A_1724 = tpu.memref_slice %arg9[%dma_start3A_1721, %dma_start3A_1722, %dma_start3A_1723] : memref<8x50x64xf32, #tpu.memory_space<vmem>> -> memref<1x50x64xf32, #tpu.memory_space<vmem>>
      %dma_start3A_1725 = tpu.memref_squeeze %dma_start3A_1724 : memref<1x50x64xf32, #tpu.memory_space<vmem>> -> memref<50x64xf32, #tpu.memory_space<vmem>>
      %dma_start3A_1726 = arith.constant 0 : i32
      %dma_start3A_1727 = tpu.memref_slice %arg5[%add3A_1720, %dma_start3A_1726] : memref<512x50xi32, #tpu.memory_space<vmem>> -> memref<1x50xi32, #tpu.memory_space<vmem>>
      %dma_start3A_1728 = tpu.memref_squeeze %dma_start3A_1727 : memref<1x50xi32, #tpu.memory_space<vmem>> -> memref<50xi32, #tpu.memory_space<vmem>>
      %dma_start3A_1729 = arith.constant 0 : i32
      %dma_start3A_1730 = arith.constant 0 : i32
      %dma_start3A_1731 = tpu.memref_slice %arg3[%dma_start3A_1729, %dma_start3A_1730] : memref<1000000x64xf32, #tpu.memory_space<hbm>> -> memref<1000000x64xf32, #tpu.memory_space<hbm>>
      tpu.enqueue_indirect_dma source(%dma_start3A_1731 : memref<1000000x64xf32, #tpu.memory_space<hbm>>) target(%dma_start3A_1725 : memref<50x64xf32, #tpu.memory_space<vmem>>) offsets(%dma_start3A_1728 : memref<50xi32, #tpu.memory_space<vmem>>) semaphore(%arg13 : memref<!tpu.dma_semaphore, #tpu.memory_space<semaphore_mem>>)
      %mul3A_1732 = arith.constant 8 : i32
      %mul3A_1733 = arith.muli %add3A_1645, %mul3A_1732 : i32
      %add3A_1734 = arith.constant 5 : i32
      %add3A_1735 = arith.addi %mul3A_1733, %add3A_1734 : i32
      %dma_start3A_1736 = arith.constant 5 : i32
      %dma_start3A_1737 = arith.constant 0 : i32
      %dma_start3A_1738 = arith.constant 0 : i32
      %dma_start3A_1739 = tpu.memref_slice %arg9[%dma_start3A_1736, %dma_start3A_1737, %dma_start3A_1738] : memref<8x50x64xf32, #tpu.memory_space<vmem>> -> memref<1x50x64xf32, #tpu.memory_space<vmem>>
      %dma_start3A_1740 = tpu.memref_squeeze %dma_start3A_1739 : memref<1x50x64xf32, #tpu.memory_space<vmem>> -> memref<50x64xf32, #tpu.memory_space<vmem>>
      %dma_start3A_1741 = arith.constant 0 : i32
      %dma_start3A_1742 = tpu.memref_slice %arg5[%add3A_1735, %dma_start3A_1741] : memref<512x50xi32, #tpu.memory_space<vmem>> -> memref<1x50xi32, #tpu.memory_space<vmem>>
      %dma_start3A_1743 = tpu.memref_squeeze %dma_start3A_1742 : memref<1x50xi32, #tpu.memory_space<vmem>> -> memref<50xi32, #tpu.memory_space<vmem>>
      %dma_start3A_1744 = arith.constant 0 : i32
      %dma_start3A_1745 = arith.constant 0 : i32
      %dma_start3A_1746 = tpu.memref_slice %arg3[%dma_start3A_1744, %dma_start3A_1745] : memref<1000000x64xf32, #tpu.memory_space<hbm>> -> memref<1000000x64xf32, #tpu.memory_space<hbm>>
      tpu.enqueue_indirect_dma source(%dma_start3A_1746 : memref<1000000x64xf32, #tpu.memory_space<hbm>>) target(%dma_start3A_1740 : memref<50x64xf32, #tpu.memory_space<vmem>>) offsets(%dma_start3A_1743 : memref<50xi32, #tpu.memory_space<vmem>>) semaphore(%arg13 : memref<!tpu.dma_semaphore, #tpu.memory_space<semaphore_mem>>)
      %mul3A_1747 = arith.constant 8 : i32
      %mul3A_1748 = arith.muli %add3A_1645, %mul3A_1747 : i32
      %add3A_1749 = arith.constant 6 : i32
      %add3A_1750 = arith.addi %mul3A_1748, %add3A_1749 : i32
      %dma_start3A_1751 = arith.constant 6 : i32
      %dma_start3A_1752 = arith.constant 0 : i32
      %dma_start3A_1753 = arith.constant 0 : i32
      %dma_start3A_1754 = tpu.memref_slice %arg9[%dma_start3A_1751, %dma_start3A_1752, %dma_start3A_1753] : memref<8x50x64xf32, #tpu.memory_space<vmem>> -> memref<1x50x64xf32, #tpu.memory_space<vmem>>
      %dma_start3A_1755 = tpu.memref_squeeze %dma_start3A_1754 : memref<1x50x64xf32, #tpu.memory_space<vmem>> -> memref<50x64xf32, #tpu.memory_space<vmem>>
      %dma_start3A_1756 = arith.constant 0 : i32
      %dma_start3A_1757 = tpu.memref_slice %arg5[%add3A_1750, %dma_start3A_1756] : memref<512x50xi32, #tpu.memory_space<vmem>> -> memref<1x50xi32, #tpu.memory_space<vmem>>
      %dma_start3A_1758 = tpu.memref_squeeze %dma_start3A_1757 : memref<1x50xi32, #tpu.memory_space<vmem>> -> memref<50xi32, #tpu.memory_space<vmem>>
      %dma_start3A_1759 = arith.constant 0 : i32
      %dma_start3A_1760 = arith.constant 0 : i32
      %dma_start3A_1761 = tpu.memref_slice %arg3[%dma_start3A_1759, %dma_start3A_1760] : memref<1000000x64xf32, #tpu.memory_space<hbm>> -> memref<1000000x64xf32, #tpu.memory_space<hbm>>
      tpu.enqueue_indirect_dma source(%dma_start3A_1761 : memref<1000000x64xf32, #tpu.memory_space<hbm>>) target(%dma_start3A_1755 : memref<50x64xf32, #tpu.memory_space<vmem>>) offsets(%dma_start3A_1758 : memref<50xi32, #tpu.memory_space<vmem>>) semaphore(%arg13 : memref<!tpu.dma_semaphore, #tpu.memory_space<semaphore_mem>>)
      %mul3A_1762 = arith.constant 8 : i32
      %mul3A_1763 = arith.muli %add3A_1645, %mul3A_1762 : i32
      %add3A_1764 = arith.constant 7 : i32
      %add3A_1765 = arith.addi %mul3A_1763, %add3A_1764 : i32
      %dma_start3A_1766 = arith.constant 7 : i32
      %dma_start3A_1767 = arith.constant 0 : i32
      %dma_start3A_1768 = arith.constant 0 : i32
      %dma_start3A_1769 = tpu.memref_slice %arg9[%dma_start3A_1766, %dma_start3A_1767, %dma_start3A_1768] : memref<8x50x64xf32, #tpu.memory_space<vmem>> -> memref<1x50x64xf32, #tpu.memory_space<vmem>>
      %dma_start3A_1770 = tpu.memref_squeeze %dma_start3A_1769 : memref<1x50x64xf32, #tpu.memory_space<vmem>> -> memref<50x64xf32, #tpu.memory_space<vmem>>
      %dma_start3A_1771 = arith.constant 0 : i32
      %dma_start3A_1772 = tpu.memref_slice %arg5[%add3A_1765, %dma_start3A_1771] : memref<512x50xi32, #tpu.memory_space<vmem>> -> memref<1x50xi32, #tpu.memory_space<vmem>>
      %dma_start3A_1773 = tpu.memref_squeeze %dma_start3A_1772 : memref<1x50xi32, #tpu.memory_space<vmem>> -> memref<50xi32, #tpu.memory_space<vmem>>
      %dma_start3A_1774 = arith.constant 0 : i32
      %dma_start3A_1775 = arith.constant 0 : i32
      %dma_start3A_1776 = tpu.memref_slice %arg3[%dma_start3A_1774, %dma_start3A_1775] : memref<1000000x64xf32, #tpu.memory_space<hbm>> -> memref<1000000x64xf32, #tpu.memory_space<hbm>>
      tpu.enqueue_indirect_dma source(%dma_start3A_1776 : memref<1000000x64xf32, #tpu.memory_space<hbm>>) target(%dma_start3A_1770 : memref<50x64xf32, #tpu.memory_space<vmem>>) offsets(%dma_start3A_1773 : memref<50xi32, #tpu.memory_space<vmem>>) semaphore(%arg13 : memref<!tpu.dma_semaphore, #tpu.memory_space<semaphore_mem>>)
      %sub3A_1777 = arith.constant 2 : i32
      %sub3A_1778 = arith.subi %add3A_1645, %sub3A_1777 : i32
      %mul3A_1779 = arith.constant 8 : i32
      %mul3A_1780 = arith.muli %sub3A_1778, %mul3A_1779 : i32
      %add3A_1781 = arith.constant 0 : i32
      %add3A_1782 = arith.addi %mul3A_1780, %add3A_1781 : i32
      %dma_wait3A_1783 = arith.constant 0 : i32
      %dma_wait3A_1784 = arith.constant 0 : i32
      %dma_wait3A_1785 = arith.constant 0 : i32
      %dma_wait3A_1786 = tpu.memref_slice %arg7[%dma_wait3A_1783, %dma_wait3A_1784, %dma_wait3A_1785] : memref<8x50x64xf32, #tpu.memory_space<vmem>> -> memref<1x50x64xf32, #tpu.memory_space<vmem>>
      %dma_wait3A_1787 = tpu.memref_squeeze %dma_wait3A_1786 : memref<1x50x64xf32, #tpu.memory_space<vmem>> -> memref<50x64xf32, #tpu.memory_space<vmem>>
      %dma_wait3A_1788 = arith.constant 0 : i32
      %dma_wait3A_1789 = tpu.memref_slice %arg5[%add3A_1782, %dma_wait3A_1788] : memref<512x50xi32, #tpu.memory_space<vmem>> -> memref<1x50xi32, #tpu.memory_space<vmem>>
      %dma_wait3A_1790 = tpu.memref_squeeze %dma_wait3A_1789 : memref<1x50xi32, #tpu.memory_space<vmem>> -> memref<50xi32, #tpu.memory_space<vmem>>
      %dma_wait3A_1791 = arith.constant 0 : i32
      %dma_wait3A_1792 = arith.constant 0 : i32
      %dma_wait3A_1793 = tpu.memref_slice %arg3[%dma_wait3A_1791, %dma_wait3A_1792] : memref<1000000x64xf32, #tpu.memory_space<hbm>> -> memref<1000000x64xf32, #tpu.memory_space<hbm>>
      tpu.wait_indirect_dma semaphore(%arg11 : memref<!tpu.dma_semaphore, #tpu.memory_space<semaphore_mem>>) src(%dma_wait3A_1793 : memref<1000000x64xf32, #tpu.memory_space<hbm>>) dst(%dma_wait3A_1787 : memref<50x64xf32, #tpu.memory_space<vmem>>)
      %mul3A_1794 = arith.constant 8 : i32
      %mul3A_1795 = arith.muli %sub3A_1778, %mul3A_1794 : i32
      %add3A_1796 = arith.constant 1 : i32
      %add3A_1797 = arith.addi %mul3A_1795, %add3A_1796 : i32
      %dma_wait3A_1798 = arith.constant 1 : i32
      %dma_wait3A_1799 = arith.constant 0 : i32
      %dma_wait3A_1800 = arith.constant 0 : i32
      %dma_wait3A_1801 = tpu.memref_slice %arg7[%dma_wait3A_1798, %dma_wait3A_1799, %dma_wait3A_1800] : memref<8x50x64xf32, #tpu.memory_space<vmem>> -> memref<1x50x64xf32, #tpu.memory_space<vmem>>
      %dma_wait3A_1802 = tpu.memref_squeeze %dma_wait3A_1801 : memref<1x50x64xf32, #tpu.memory_space<vmem>> -> memref<50x64xf32, #tpu.memory_space<vmem>>
      %dma_wait3A_1803 = arith.constant 0 : i32
      %dma_wait3A_1804 = tpu.memref_slice %arg5[%add3A_1797, %dma_wait3A_1803] : memref<512x50xi32, #tpu.memory_space<vmem>> -> memref<1x50xi32, #tpu.memory_space<vmem>>
      %dma_wait3A_1805 = tpu.memref_squeeze %dma_wait3A_1804 : memref<1x50xi32, #tpu.memory_space<vmem>> -> memref<50xi32, #tpu.memory_space<vmem>>
      %dma_wait3A_1806 = arith.constant 0 : i32
      %dma_wait3A_1807 = arith.constant 0 : i32
      %dma_wait3A_1808 = tpu.memref_slice %arg3[%dma_wait3A_1806, %dma_wait3A_1807] : memref<1000000x64xf32, #tpu.memory_space<hbm>> -> memref<1000000x64xf32, #tpu.memory_space<hbm>>
      tpu.wait_indirect_dma semaphore(%arg11 : memref<!tpu.dma_semaphore, #tpu.memory_space<semaphore_mem>>) src(%dma_wait3A_1808 : memref<1000000x64xf32, #tpu.memory_space<hbm>>) dst(%dma_wait3A_1802 : memref<50x64xf32, #tpu.memory_space<vmem>>)
      %mul3A_1809 = arith.constant 8 : i32
      %mul3A_1810 = arith.muli %sub3A_1778, %mul3A_1809 : i32
      %add3A_1811 = arith.constant 2 : i32
      %add3A_1812 = arith.addi %mul3A_1810, %add3A_1811 : i32
      %dma_wait3A_1813 = arith.constant 2 : i32
      %dma_wait3A_1814 = arith.constant 0 : i32
      %dma_wait3A_1815 = arith.constant 0 : i32
      %dma_wait3A_1816 = tpu.memref_slice %arg7[%dma_wait3A_1813, %dma_wait3A_1814, %dma_wait3A_1815] : memref<8x50x64xf32, #tpu.memory_space<vmem>> -> memref<1x50x64xf32, #tpu.memory_space<vmem>>
      %dma_wait3A_1817 = tpu.memref_squeeze %dma_wait3A_1816 : memref<1x50x64xf32, #tpu.memory_space<vmem>> -> memref<50x64xf32, #tpu.memory_space<vmem>>
      %dma_wait3A_1818 = arith.constant 0 : i32
      %dma_wait3A_1819 = tpu.memref_slice %arg5[%add3A_1812, %dma_wait3A_1818] : memref<512x50xi32, #tpu.memory_space<vmem>> -> memref<1x50xi32, #tpu.memory_space<vmem>>
      %dma_wait3A_1820 = tpu.memref_squeeze %dma_wait3A_1819 : memref<1x50xi32, #tpu.memory_space<vmem>> -> memref<50xi32, #tpu.memory_space<vmem>>
      %dma_wait3A_1821 = arith.constant 0 : i32
      %dma_wait3A_1822 = arith.constant 0 : i32
      %dma_wait3A_1823 = tpu.memref_slice %arg3[%dma_wait3A_1821, %dma_wait3A_1822] : memref<1000000x64xf32, #tpu.memory_space<hbm>> -> memref<1000000x64xf32, #tpu.memory_space<hbm>>
      tpu.wait_indirect_dma semaphore(%arg11 : memref<!tpu.dma_semaphore, #tpu.memory_space<semaphore_mem>>) src(%dma_wait3A_1823 : memref<1000000x64xf32, #tpu.memory_space<hbm>>) dst(%dma_wait3A_1817 : memref<50x64xf32, #tpu.memory_space<vmem>>)
      %mul3A_1824 = arith.constant 8 : i32
      %mul3A_1825 = arith.muli %sub3A_1778, %mul3A_1824 : i32
      %add3A_1826 = arith.constant 3 : i32
      %add3A_1827 = arith.addi %mul3A_1825, %add3A_1826 : i32
      %dma_wait3A_1828 = arith.constant 3 : i32
      %dma_wait3A_1829 = arith.constant 0 : i32
      %dma_wait3A_1830 = arith.constant 0 : i32
      %dma_wait3A_1831 = tpu.memref_slice %arg7[%dma_wait3A_1828, %dma_wait3A_1829, %dma_wait3A_1830] : memref<8x50x64xf32, #tpu.memory_space<vmem>> -> memref<1x50x64xf32, #tpu.memory_space<vmem>>
      %dma_wait3A_1832 = tpu.memref_squeeze %dma_wait3A_1831 : memref<1x50x64xf32, #tpu.memory_space<vmem>> -> memref<50x64xf32, #tpu.memory_space<vmem>>
      %dma_wait3A_1833 = arith.constant 0 : i32
      %dma_wait3A_1834 = tpu.memref_slice %arg5[%add3A_1827, %dma_wait3A_1833] : memref<512x50xi32, #tpu.memory_space<vmem>> -> memref<1x50xi32, #tpu.memory_space<vmem>>
      %dma_wait3A_1835 = tpu.memref_squeeze %dma_wait3A_1834 : memref<1x50xi32, #tpu.memory_space<vmem>> -> memref<50xi32, #tpu.memory_space<vmem>>
      %dma_wait3A_1836 = arith.constant 0 : i32
      %dma_wait3A_1837 = arith.constant 0 : i32
      %dma_wait3A_1838 = tpu.memref_slice %arg3[%dma_wait3A_1836, %dma_wait3A_1837] : memref<1000000x64xf32, #tpu.memory_space<hbm>> -> memref<1000000x64xf32, #tpu.memory_space<hbm>>
      tpu.wait_indirect_dma semaphore(%arg11 : memref<!tpu.dma_semaphore, #tpu.memory_space<semaphore_mem>>) src(%dma_wait3A_1838 : memref<1000000x64xf32, #tpu.memory_space<hbm>>) dst(%dma_wait3A_1832 : memref<50x64xf32, #tpu.memory_space<vmem>>)
      %mul3A_1839 = arith.constant 8 : i32
      %mul3A_1840 = arith.muli %sub3A_1778, %mul3A_1839 : i32
      %add3A_1841 = arith.constant 4 : i32
      %add3A_1842 = arith.addi %mul3A_1840, %add3A_1841 : i32
      %dma_wait3A_1843 = arith.constant 4 : i32
      %dma_wait3A_1844 = arith.constant 0 : i32
      %dma_wait3A_1845 = arith.constant 0 : i32
      %dma_wait3A_1846 = tpu.memref_slice %arg7[%dma_wait3A_1843, %dma_wait3A_1844, %dma_wait3A_1845] : memref<8x50x64xf32, #tpu.memory_space<vmem>> -> memref<1x50x64xf32, #tpu.memory_space<vmem>>
      %dma_wait3A_1847 = tpu.memref_squeeze %dma_wait3A_1846 : memref<1x50x64xf32, #tpu.memory_space<vmem>> -> memref<50x64xf32, #tpu.memory_space<vmem>>
      %dma_wait3A_1848 = arith.constant 0 : i32
      %dma_wait3A_1849 = tpu.memref_slice %arg5[%add3A_1842, %dma_wait3A_1848] : memref<512x50xi32, #tpu.memory_space<vmem>> -> memref<1x50xi32, #tpu.memory_space<vmem>>
      %dma_wait3A_1850 = tpu.memref_squeeze %dma_wait3A_1849 : memref<1x50xi32, #tpu.memory_space<vmem>> -> memref<50xi32, #tpu.memory_space<vmem>>
      %dma_wait3A_1851 = arith.constant 0 : i32
      %dma_wait3A_1852 = arith.constant 0 : i32
      %dma_wait3A_1853 = tpu.memref_slice %arg3[%dma_wait3A_1851, %dma_wait3A_1852] : memref<1000000x64xf32, #tpu.memory_space<hbm>> -> memref<1000000x64xf32, #tpu.memory_space<hbm>>
      tpu.wait_indirect_dma semaphore(%arg11 : memref<!tpu.dma_semaphore, #tpu.memory_space<semaphore_mem>>) src(%dma_wait3A_1853 : memref<1000000x64xf32, #tpu.memory_space<hbm>>) dst(%dma_wait3A_1847 : memref<50x64xf32, #tpu.memory_space<vmem>>)
      %mul3A_1854 = arith.constant 8 : i32
      %mul3A_1855 = arith.muli %sub3A_1778, %mul3A_1854 : i32
      %add3A_1856 = arith.constant 5 : i32
      %add3A_1857 = arith.addi %mul3A_1855, %add3A_1856 : i32
      %dma_wait3A_1858 = arith.constant 5 : i32
      %dma_wait3A_1859 = arith.constant 0 : i32
      %dma_wait3A_1860 = arith.constant 0 : i32
      %dma_wait3A_1861 = tpu.memref_slice %arg7[%dma_wait3A_1858, %dma_wait3A_1859, %dma_wait3A_1860] : memref<8x50x64xf32, #tpu.memory_space<vmem>> -> memref<1x50x64xf32, #tpu.memory_space<vmem>>
      %dma_wait3A_1862 = tpu.memref_squeeze %dma_wait3A_1861 : memref<1x50x64xf32, #tpu.memory_space<vmem>> -> memref<50x64xf32, #tpu.memory_space<vmem>>
      %dma_wait3A_1863 = arith.constant 0 : i32
      %dma_wait3A_1864 = tpu.memref_slice %arg5[%add3A_1857, %dma_wait3A_1863] : memref<512x50xi32, #tpu.memory_space<vmem>> -> memref<1x50xi32, #tpu.memory_space<vmem>>
      %dma_wait3A_1865 = tpu.memref_squeeze %dma_wait3A_1864 : memref<1x50xi32, #tpu.memory_space<vmem>> -> memref<50xi32, #tpu.memory_space<vmem>>
      %dma_wait3A_1866 = arith.constant 0 : i32
      %dma_wait3A_1867 = arith.constant 0 : i32
      %dma_wait3A_1868 = tpu.memref_slice %arg3[%dma_wait3A_1866, %dma_wait3A_1867] : memref<1000000x64xf32, #tpu.memory_space<hbm>> -> memref<1000000x64xf32, #tpu.memory_space<hbm>>
      tpu.wait_indirect_dma semaphore(%arg11 : memref<!tpu.dma_semaphore, #tpu.memory_space<semaphore_mem>>) src(%dma_wait3A_1868 : memref<1000000x64xf32, #tpu.memory_space<hbm>>) dst(%dma_wait3A_1862 : memref<50x64xf32, #tpu.memory_space<vmem>>)
      %mul3A_1869 = arith.constant 8 : i32
      %mul3A_1870 = arith.muli %sub3A_1778, %mul3A_1869 : i32
      %add3A_1871 = arith.constant 6 : i32
      %add3A_1872 = arith.addi %mul3A_1870, %add3A_1871 : i32
      %dma_wait3A_1873 = arith.constant 6 : i32
      %dma_wait3A_1874 = arith.constant 0 : i32
      %dma_wait3A_1875 = arith.constant 0 : i32
      %dma_wait3A_1876 = tpu.memref_slice %arg7[%dma_wait3A_1873, %dma_wait3A_1874, %dma_wait3A_1875] : memref<8x50x64xf32, #tpu.memory_space<vmem>> -> memref<1x50x64xf32, #tpu.memory_space<vmem>>
      %dma_wait3A_1877 = tpu.memref_squeeze %dma_wait3A_1876 : memref<1x50x64xf32, #tpu.memory_space<vmem>> -> memref<50x64xf32, #tpu.memory_space<vmem>>
      %dma_wait3A_1878 = arith.constant 0 : i32
      %dma_wait3A_1879 = tpu.memref_slice %arg5[%add3A_1872, %dma_wait3A_1878] : memref<512x50xi32, #tpu.memory_space<vmem>> -> memref<1x50xi32, #tpu.memory_space<vmem>>
      %dma_wait3A_1880 = tpu.memref_squeeze %dma_wait3A_1879 : memref<1x50xi32, #tpu.memory_space<vmem>> -> memref<50xi32, #tpu.memory_space<vmem>>
      %dma_wait3A_1881 = arith.constant 0 : i32
      %dma_wait3A_1882 = arith.constant 0 : i32
      %dma_wait3A_1883 = tpu.memref_slice %arg3[%dma_wait3A_1881, %dma_wait3A_1882] : memref<1000000x64xf32, #tpu.memory_space<hbm>> -> memref<1000000x64xf32, #tpu.memory_space<hbm>>
      tpu.wait_indirect_dma semaphore(%arg11 : memref<!tpu.dma_semaphore, #tpu.memory_space<semaphore_mem>>) src(%dma_wait3A_1883 : memref<1000000x64xf32, #tpu.memory_space<hbm>>) dst(%dma_wait3A_1877 : memref<50x64xf32, #tpu.memory_space<vmem>>)
      %mul3A_1884 = arith.constant 8 : i32
      %mul3A_1885 = arith.muli %sub3A_1778, %mul3A_1884 : i32
      %add3A_1886 = arith.constant 7 : i32
      %add3A_1887 = arith.addi %mul3A_1885, %add3A_1886 : i32
      %dma_wait3A_1888 = arith.constant 7 : i32
      %dma_wait3A_1889 = arith.constant 0 : i32
      %dma_wait3A_1890 = arith.constant 0 : i32
      %dma_wait3A_1891 = tpu.memref_slice %arg7[%dma_wait3A_1888, %dma_wait3A_1889, %dma_wait3A_1890] : memref<8x50x64xf32, #tpu.memory_space<vmem>> -> memref<1x50x64xf32, #tpu.memory_space<vmem>>
      %dma_wait3A_1892 = tpu.memref_squeeze %dma_wait3A_1891 : memref<1x50x64xf32, #tpu.memory_space<vmem>> -> memref<50x64xf32, #tpu.memory_space<vmem>>
      %dma_wait3A_1893 = arith.constant 0 : i32
      %dma_wait3A_1894 = tpu.memref_slice %arg5[%add3A_1887, %dma_wait3A_1893] : memref<512x50xi32, #tpu.memory_space<vmem>> -> memref<1x50xi32, #tpu.memory_space<vmem>>
      %dma_wait3A_1895 = tpu.memref_squeeze %dma_wait3A_1894 : memref<1x50xi32, #tpu.memory_space<vmem>> -> memref<50xi32, #tpu.memory_space<vmem>>
      %dma_wait3A_1896 = arith.constant 0 : i32
      %dma_wait3A_1897 = arith.constant 0 : i32
      %dma_wait3A_1898 = tpu.memref_slice %arg3[%dma_wait3A_1896, %dma_wait3A_1897] : memref<1000000x64xf32, #tpu.memory_space<hbm>> -> memref<1000000x64xf32, #tpu.memory_space<hbm>>
      tpu.wait_indirect_dma semaphore(%arg11 : memref<!tpu.dma_semaphore, #tpu.memory_space<semaphore_mem>>) src(%dma_wait3A_1898 : memref<1000000x64xf32, #tpu.memory_space<hbm>>) dst(%dma_wait3A_1892 : memref<50x64xf32, #tpu.memory_space<vmem>>)
      %sub3A_1899 = arith.constant 2 : i32
      %sub3A_1900 = arith.subi %add3A_1645, %sub3A_1899 : i32
      %mul3A_1901 = arith.constant 8 : i32
      %mul3A_1902 = arith.muli %sub3A_1900, %mul3A_1901 : i32
      %add3A_1903 = arith.addi %mul3A_2, %mul3A_1902 : i32
      %dma_start3A_1904 = arith.constant 0 : i32
      %dma_start3A_1905 = arith.constant 0 : i32
      %dma_start3A_1906 = tpu.memref_slice %arg4[%add3A_1903, %dma_start3A_1904, %dma_start3A_1905] : memref<16384x50x64xf32, #tpu.memory_space<hbm>> -> memref<8x50x64xf32, #tpu.memory_space<hbm>>
      %dma_start3A_1907 = arith.constant 0 : i32
      %dma_start3A_1908 = arith.constant 0 : i32
      %dma_start3A_1909 = tpu.memref_slice %arg4[%add3A_1903, %dma_start3A_1907, %dma_start3A_1908] : memref<16384x50x64xf32, #tpu.memory_space<hbm>> -> memref<8x50x64xf32, #tpu.memory_space<hbm>>
      tpu.enqueue_dma source(%arg7 : memref<8x50x64xf32, #tpu.memory_space<vmem>>) target(%dma_start3A_1909 : memref<8x50x64xf32, #tpu.memory_space<hbm>>) target_semaphore(%arg15 : memref<!tpu.dma_semaphore, #tpu.memory_space<semaphore_mem>>)
    }
    %scan3A_597 = arith.constant 15 : i32
    %dma_wait3A_598 = arith.constant 496 : i32
    %dma_wait3A_599 = arith.constant 0 : i32
    %dma_wait3A_600 = arith.constant 0 : i32
    %dma_wait3A_601 = arith.constant 0 : i32
    %dma_wait3A_602 = tpu.memref_slice %arg8[%dma_wait3A_599, %dma_wait3A_600, %dma_wait3A_601] : memref<8x50x64xf32, #tpu.memory_space<vmem>> -> memref<1x50x64xf32, #tpu.memory_space<vmem>>
    %dma_wait3A_603 = tpu.memref_squeeze %dma_wait3A_602 : memref<1x50x64xf32, #tpu.memory_space<vmem>> -> memref<50x64xf32, #tpu.memory_space<vmem>>
    %dma_wait3A_604 = arith.constant 0 : i32
    %dma_wait3A_605 = tpu.memref_slice %arg5[%dma_wait3A_598, %dma_wait3A_604] : memref<512x50xi32, #tpu.memory_space<vmem>> -> memref<1x50xi32, #tpu.memory_space<vmem>>
    %dma_wait3A_606 = tpu.memref_squeeze %dma_wait3A_605 : memref<1x50xi32, #tpu.memory_space<vmem>> -> memref<50xi32, #tpu.memory_space<vmem>>
    %dma_wait3A_607 = arith.constant 0 : i32
    %dma_wait3A_608 = arith.constant 0 : i32
    %dma_wait3A_609 = tpu.memref_slice %arg3[%dma_wait3A_607, %dma_wait3A_608] : memref<1000000x64xf32, #tpu.memory_space<hbm>> -> memref<1000000x64xf32, #tpu.memory_space<hbm>>
    tpu.wait_indirect_dma semaphore(%arg12 : memref<!tpu.dma_semaphore, #tpu.memory_space<semaphore_mem>>) src(%dma_wait3A_609 : memref<1000000x64xf32, #tpu.memory_space<hbm>>) dst(%dma_wait3A_603 : memref<50x64xf32, #tpu.memory_space<vmem>>)
    %dma_wait3A_610 = arith.constant 497 : i32
    %dma_wait3A_611 = arith.constant 1 : i32
    %dma_wait3A_612 = arith.constant 0 : i32
    %dma_wait3A_613 = arith.constant 0 : i32
    %dma_wait3A_614 = tpu.memref_slice %arg8[%dma_wait3A_611, %dma_wait3A_612, %dma_wait3A_613] : memref<8x50x64xf32, #tpu.memory_space<vmem>> -> memref<1x50x64xf32, #tpu.memory_space<vmem>>
    %dma_wait3A_615 = tpu.memref_squeeze %dma_wait3A_614 : memref<1x50x64xf32, #tpu.memory_space<vmem>> -> memref<50x64xf32, #tpu.memory_space<vmem>>
    %dma_wait3A_616 = arith.constant 0 : i32
    %dma_wait3A_617 = tpu.memref_slice %arg5[%dma_wait3A_610, %dma_wait3A_616] : memref<512x50xi32, #tpu.memory_space<vmem>> -> memref<1x50xi32, #tpu.memory_space<vmem>>
    %dma_wait3A_618 = tpu.memref_squeeze %dma_wait3A_617 : memref<1x50xi32, #tpu.memory_space<vmem>> -> memref<50xi32, #tpu.memory_space<vmem>>
    %dma_wait3A_619 = arith.constant 0 : i32
    %dma_wait3A_620 = arith.constant 0 : i32
    %dma_wait3A_621 = tpu.memref_slice %arg3[%dma_wait3A_619, %dma_wait3A_620] : memref<1000000x64xf32, #tpu.memory_space<hbm>> -> memref<1000000x64xf32, #tpu.memory_space<hbm>>
    tpu.wait_indirect_dma semaphore(%arg12 : memref<!tpu.dma_semaphore, #tpu.memory_space<semaphore_mem>>) src(%dma_wait3A_621 : memref<1000000x64xf32, #tpu.memory_space<hbm>>) dst(%dma_wait3A_615 : memref<50x64xf32, #tpu.memory_space<vmem>>)
    %dma_wait3A_622 = arith.constant 498 : i32
    %dma_wait3A_623 = arith.constant 2 : i32
    %dma_wait3A_624 = arith.constant 0 : i32
    %dma_wait3A_625 = arith.constant 0 : i32
    %dma_wait3A_626 = tpu.memref_slice %arg8[%dma_wait3A_623, %dma_wait3A_624, %dma_wait3A_625] : memref<8x50x64xf32, #tpu.memory_space<vmem>> -> memref<1x50x64xf32, #tpu.memory_space<vmem>>
    %dma_wait3A_627 = tpu.memref_squeeze %dma_wait3A_626 : memref<1x50x64xf32, #tpu.memory_space<vmem>> -> memref<50x64xf32, #tpu.memory_space<vmem>>
    %dma_wait3A_628 = arith.constant 0 : i32
    %dma_wait3A_629 = tpu.memref_slice %arg5[%dma_wait3A_622, %dma_wait3A_628] : memref<512x50xi32, #tpu.memory_space<vmem>> -> memref<1x50xi32, #tpu.memory_space<vmem>>
    %dma_wait3A_630 = tpu.memref_squeeze %dma_wait3A_629 : memref<1x50xi32, #tpu.memory_space<vmem>> -> memref<50xi32, #tpu.memory_space<vmem>>
    %dma_wait3A_631 = arith.constant 0 : i32
    %dma_wait3A_632 = arith.constant 0 : i32
    %dma_wait3A_633 = tpu.memref_slice %arg3[%dma_wait3A_631, %dma_wait3A_632] : memref<1000000x64xf32, #tpu.memory_space<hbm>> -> memref<1000000x64xf32, #tpu.memory_space<hbm>>
    tpu.wait_indirect_dma semaphore(%arg12 : memref<!tpu.dma_semaphore, #tpu.memory_space<semaphore_mem>>) src(%dma_wait3A_633 : memref<1000000x64xf32, #tpu.memory_space<hbm>>) dst(%dma_wait3A_627 : memref<50x64xf32, #tpu.memory_space<vmem>>)
    %dma_wait3A_634 = arith.constant 499 : i32
    %dma_wait3A_635 = arith.constant 3 : i32
    %dma_wait3A_636 = arith.constant 0 : i32
    %dma_wait3A_637 = arith.constant 0 : i32
    %dma_wait3A_638 = tpu.memref_slice %arg8[%dma_wait3A_635, %dma_wait3A_636, %dma_wait3A_637] : memref<8x50x64xf32, #tpu.memory_space<vmem>> -> memref<1x50x64xf32, #tpu.memory_space<vmem>>
    %dma_wait3A_639 = tpu.memref_squeeze %dma_wait3A_638 : memref<1x50x64xf32, #tpu.memory_space<vmem>> -> memref<50x64xf32, #tpu.memory_space<vmem>>
    %dma_wait3A_640 = arith.constant 0 : i32
    %dma_wait3A_641 = tpu.memref_slice %arg5[%dma_wait3A_634, %dma_wait3A_640] : memref<512x50xi32, #tpu.memory_space<vmem>> -> memref<1x50xi32, #tpu.memory_space<vmem>>
    %dma_wait3A_642 = tpu.memref_squeeze %dma_wait3A_641 : memref<1x50xi32, #tpu.memory_space<vmem>> -> memref<50xi32, #tpu.memory_space<vmem>>
    %dma_wait3A_643 = arith.constant 0 : i32
    %dma_wait3A_644 = arith.constant 0 : i32
    %dma_wait3A_645 = tpu.memref_slice %arg3[%dma_wait3A_643, %dma_wait3A_644] : memref<1000000x64xf32, #tpu.memory_space<hbm>> -> memref<1000000x64xf32, #tpu.memory_space<hbm>>
    tpu.wait_indirect_dma semaphore(%arg12 : memref<!tpu.dma_semaphore, #tpu.memory_space<semaphore_mem>>) src(%dma_wait3A_645 : memref<1000000x64xf32, #tpu.memory_space<hbm>>) dst(%dma_wait3A_639 : memref<50x64xf32, #tpu.memory_space<vmem>>)
    %dma_wait3A_646 = arith.constant 500 : i32
    %dma_wait3A_647 = arith.constant 4 : i32
    %dma_wait3A_648 = arith.constant 0 : i32
    %dma_wait3A_649 = arith.constant 0 : i32
    %dma_wait3A_650 = tpu.memref_slice %arg8[%dma_wait3A_647, %dma_wait3A_648, %dma_wait3A_649] : memref<8x50x64xf32, #tpu.memory_space<vmem>> -> memref<1x50x64xf32, #tpu.memory_space<vmem>>
    %dma_wait3A_651 = tpu.memref_squeeze %dma_wait3A_650 : memref<1x50x64xf32, #tpu.memory_space<vmem>> -> memref<50x64xf32, #tpu.memory_space<vmem>>
    %dma_wait3A_652 = arith.constant 0 : i32
    %dma_wait3A_653 = tpu.memref_slice %arg5[%dma_wait3A_646, %dma_wait3A_652] : memref<512x50xi32, #tpu.memory_space<vmem>> -> memref<1x50xi32, #tpu.memory_space<vmem>>
    %dma_wait3A_654 = tpu.memref_squeeze %dma_wait3A_653 : memref<1x50xi32, #tpu.memory_space<vmem>> -> memref<50xi32, #tpu.memory_space<vmem>>
    %dma_wait3A_655 = arith.constant 0 : i32
    %dma_wait3A_656 = arith.constant 0 : i32
    %dma_wait3A_657 = tpu.memref_slice %arg3[%dma_wait3A_655, %dma_wait3A_656] : memref<1000000x64xf32, #tpu.memory_space<hbm>> -> memref<1000000x64xf32, #tpu.memory_space<hbm>>
    tpu.wait_indirect_dma semaphore(%arg12 : memref<!tpu.dma_semaphore, #tpu.memory_space<semaphore_mem>>) src(%dma_wait3A_657 : memref<1000000x64xf32, #tpu.memory_space<hbm>>) dst(%dma_wait3A_651 : memref<50x64xf32, #tpu.memory_space<vmem>>)
    %dma_wait3A_658 = arith.constant 501 : i32
    %dma_wait3A_659 = arith.constant 5 : i32
    %dma_wait3A_660 = arith.constant 0 : i32
    %dma_wait3A_661 = arith.constant 0 : i32
    %dma_wait3A_662 = tpu.memref_slice %arg8[%dma_wait3A_659, %dma_wait3A_660, %dma_wait3A_661] : memref<8x50x64xf32, #tpu.memory_space<vmem>> -> memref<1x50x64xf32, #tpu.memory_space<vmem>>
    %dma_wait3A_663 = tpu.memref_squeeze %dma_wait3A_662 : memref<1x50x64xf32, #tpu.memory_space<vmem>> -> memref<50x64xf32, #tpu.memory_space<vmem>>
    %dma_wait3A_664 = arith.constant 0 : i32
    %dma_wait3A_665 = tpu.memref_slice %arg5[%dma_wait3A_658, %dma_wait3A_664] : memref<512x50xi32, #tpu.memory_space<vmem>> -> memref<1x50xi32, #tpu.memory_space<vmem>>
    %dma_wait3A_666 = tpu.memref_squeeze %dma_wait3A_665 : memref<1x50xi32, #tpu.memory_space<vmem>> -> memref<50xi32, #tpu.memory_space<vmem>>
    %dma_wait3A_667 = arith.constant 0 : i32
    %dma_wait3A_668 = arith.constant 0 : i32
    %dma_wait3A_669 = tpu.memref_slice %arg3[%dma_wait3A_667, %dma_wait3A_668] : memref<1000000x64xf32, #tpu.memory_space<hbm>> -> memref<1000000x64xf32, #tpu.memory_space<hbm>>
    tpu.wait_indirect_dma semaphore(%arg12 : memref<!tpu.dma_semaphore, #tpu.memory_space<semaphore_mem>>) src(%dma_wait3A_669 : memref<1000000x64xf32, #tpu.memory_space<hbm>>) dst(%dma_wait3A_663 : memref<50x64xf32, #tpu.memory_space<vmem>>)
    %dma_wait3A_670 = arith.constant 502 : i32
    %dma_wait3A_671 = arith.constant 6 : i32
    %dma_wait3A_672 = arith.constant 0 : i32
    %dma_wait3A_673 = arith.constant 0 : i32
    %dma_wait3A_674 = tpu.memref_slice %arg8[%dma_wait3A_671, %dma_wait3A_672, %dma_wait3A_673] : memref<8x50x64xf32, #tpu.memory_space<vmem>> -> memref<1x50x64xf32, #tpu.memory_space<vmem>>
    %dma_wait3A_675 = tpu.memref_squeeze %dma_wait3A_674 : memref<1x50x64xf32, #tpu.memory_space<vmem>> -> memref<50x64xf32, #tpu.memory_space<vmem>>
    %dma_wait3A_676 = arith.constant 0 : i32
    %dma_wait3A_677 = tpu.memref_slice %arg5[%dma_wait3A_670, %dma_wait3A_676] : memref<512x50xi32, #tpu.memory_space<vmem>> -> memref<1x50xi32, #tpu.memory_space<vmem>>
    %dma_wait3A_678 = tpu.memref_squeeze %dma_wait3A_677 : memref<1x50xi32, #tpu.memory_space<vmem>> -> memref<50xi32, #tpu.memory_space<vmem>>
    %dma_wait3A_679 = arith.constant 0 : i32
    %dma_wait3A_680 = arith.constant 0 : i32
    %dma_wait3A_681 = tpu.memref_slice %arg3[%dma_wait3A_679, %dma_wait3A_680] : memref<1000000x64xf32, #tpu.memory_space<hbm>> -> memref<1000000x64xf32, #tpu.memory_space<hbm>>
    tpu.wait_indirect_dma semaphore(%arg12 : memref<!tpu.dma_semaphore, #tpu.memory_space<semaphore_mem>>) src(%dma_wait3A_681 : memref<1000000x64xf32, #tpu.memory_space<hbm>>) dst(%dma_wait3A_675 : memref<50x64xf32, #tpu.memory_space<vmem>>)
    %dma_wait3A_682 = arith.constant 503 : i32
    %dma_wait3A_683 = arith.constant 7 : i32
    %dma_wait3A_684 = arith.constant 0 : i32
    %dma_wait3A_685 = arith.constant 0 : i32
    %dma_wait3A_686 = tpu.memref_slice %arg8[%dma_wait3A_683, %dma_wait3A_684, %dma_wait3A_685] : memref<8x50x64xf32, #tpu.memory_space<vmem>> -> memref<1x50x64xf32, #tpu.memory_space<vmem>>
    %dma_wait3A_687 = tpu.memref_squeeze %dma_wait3A_686 : memref<1x50x64xf32, #tpu.memory_space<vmem>> -> memref<50x64xf32, #tpu.memory_space<vmem>>
    %dma_wait3A_688 = arith.constant 0 : i32
    %dma_wait3A_689 = tpu.memref_slice %arg5[%dma_wait3A_682, %dma_wait3A_688] : memref<512x50xi32, #tpu.memory_space<vmem>> -> memref<1x50xi32, #tpu.memory_space<vmem>>
    %dma_wait3A_690 = tpu.memref_squeeze %dma_wait3A_689 : memref<1x50xi32, #tpu.memory_space<vmem>> -> memref<50xi32, #tpu.memory_space<vmem>>
    %dma_wait3A_691 = arith.constant 0 : i32
    %dma_wait3A_692 = arith.constant 0 : i32
    %dma_wait3A_693 = tpu.memref_slice %arg3[%dma_wait3A_691, %dma_wait3A_692] : memref<1000000x64xf32, #tpu.memory_space<hbm>> -> memref<1000000x64xf32, #tpu.memory_space<hbm>>
    tpu.wait_indirect_dma semaphore(%arg12 : memref<!tpu.dma_semaphore, #tpu.memory_space<semaphore_mem>>) src(%dma_wait3A_693 : memref<1000000x64xf32, #tpu.memory_space<hbm>>) dst(%dma_wait3A_687 : memref<50x64xf32, #tpu.memory_space<vmem>>)
    %add3A_694 = arith.constant 496 : i32
    %add3A_695 = arith.addi %mul3A_2, %add3A_694 : i32
    %dma_start3A_696 = arith.constant 0 : i32
    %dma_start3A_697 = arith.constant 0 : i32
    %dma_start3A_698 = tpu.memref_slice %arg4[%add3A_695, %dma_start3A_696, %dma_start3A_697] : memref<16384x50x64xf32, #tpu.memory_space<hbm>> -> memref<8x50x64xf32, #tpu.memory_space<hbm>>
    %dma_start3A_699 = arith.constant 0 : i32
    %dma_start3A_700 = arith.constant 0 : i32
    %dma_start3A_701 = tpu.memref_slice %arg4[%add3A_695, %dma_start3A_699, %dma_start3A_700] : memref<16384x50x64xf32, #tpu.memory_space<hbm>> -> memref<8x50x64xf32, #tpu.memory_space<hbm>>
    tpu.enqueue_dma source(%arg8 : memref<8x50x64xf32, #tpu.memory_space<vmem>>) target(%dma_start3A_701 : memref<8x50x64xf32, #tpu.memory_space<hbm>>) target_semaphore(%arg16 : memref<!tpu.dma_semaphore, #tpu.memory_space<semaphore_mem>>)
    %dma_wait3A_702 = arith.constant 504 : i32
    %dma_wait3A_703 = arith.constant 0 : i32
    %dma_wait3A_704 = arith.constant 0 : i32
    %dma_wait3A_705 = arith.constant 0 : i32
    %dma_wait3A_706 = tpu.memref_slice %arg9[%dma_wait3A_703, %dma_wait3A_704, %dma_wait3A_705] : memref<8x50x64xf32, #tpu.memory_space<vmem>> -> memref<1x50x64xf32, #tpu.memory_space<vmem>>
    %dma_wait3A_707 = tpu.memref_squeeze %dma_wait3A_706 : memref<1x50x64xf32, #tpu.memory_space<vmem>> -> memref<50x64xf32, #tpu.memory_space<vmem>>
    %dma_wait3A_708 = arith.constant 0 : i32
    %dma_wait3A_709 = tpu.memref_slice %arg5[%dma_wait3A_702, %dma_wait3A_708] : memref<512x50xi32, #tpu.memory_space<vmem>> -> memref<1x50xi32, #tpu.memory_space<vmem>>
    %dma_wait3A_710 = tpu.memref_squeeze %dma_wait3A_709 : memref<1x50xi32, #tpu.memory_space<vmem>> -> memref<50xi32, #tpu.memory_space<vmem>>
    %dma_wait3A_711 = arith.constant 0 : i32
    %dma_wait3A_712 = arith.constant 0 : i32
    %dma_wait3A_713 = tpu.memref_slice %arg3[%dma_wait3A_711, %dma_wait3A_712] : memref<1000000x64xf32, #tpu.memory_space<hbm>> -> memref<1000000x64xf32, #tpu.memory_space<hbm>>
    tpu.wait_indirect_dma semaphore(%arg13 : memref<!tpu.dma_semaphore, #tpu.memory_space<semaphore_mem>>) src(%dma_wait3A_713 : memref<1000000x64xf32, #tpu.memory_space<hbm>>) dst(%dma_wait3A_707 : memref<50x64xf32, #tpu.memory_space<vmem>>)
    %dma_wait3A_714 = arith.constant 505 : i32
    %dma_wait3A_715 = arith.constant 1 : i32
    %dma_wait3A_716 = arith.constant 0 : i32
    %dma_wait3A_717 = arith.constant 0 : i32
    %dma_wait3A_718 = tpu.memref_slice %arg9[%dma_wait3A_715, %dma_wait3A_716, %dma_wait3A_717] : memref<8x50x64xf32, #tpu.memory_space<vmem>> -> memref<1x50x64xf32, #tpu.memory_space<vmem>>
    %dma_wait3A_719 = tpu.memref_squeeze %dma_wait3A_718 : memref<1x50x64xf32, #tpu.memory_space<vmem>> -> memref<50x64xf32, #tpu.memory_space<vmem>>
    %dma_wait3A_720 = arith.constant 0 : i32
    %dma_wait3A_721 = tpu.memref_slice %arg5[%dma_wait3A_714, %dma_wait3A_720] : memref<512x50xi32, #tpu.memory_space<vmem>> -> memref<1x50xi32, #tpu.memory_space<vmem>>
    %dma_wait3A_722 = tpu.memref_squeeze %dma_wait3A_721 : memref<1x50xi32, #tpu.memory_space<vmem>> -> memref<50xi32, #tpu.memory_space<vmem>>
    %dma_wait3A_723 = arith.constant 0 : i32
    %dma_wait3A_724 = arith.constant 0 : i32
    %dma_wait3A_725 = tpu.memref_slice %arg3[%dma_wait3A_723, %dma_wait3A_724] : memref<1000000x64xf32, #tpu.memory_space<hbm>> -> memref<1000000x64xf32, #tpu.memory_space<hbm>>
    tpu.wait_indirect_dma semaphore(%arg13 : memref<!tpu.dma_semaphore, #tpu.memory_space<semaphore_mem>>) src(%dma_wait3A_725 : memref<1000000x64xf32, #tpu.memory_space<hbm>>) dst(%dma_wait3A_719 : memref<50x64xf32, #tpu.memory_space<vmem>>)
    %dma_wait3A_726 = arith.constant 506 : i32
    %dma_wait3A_727 = arith.constant 2 : i32
    %dma_wait3A_728 = arith.constant 0 : i32
    %dma_wait3A_729 = arith.constant 0 : i32
    %dma_wait3A_730 = tpu.memref_slice %arg9[%dma_wait3A_727, %dma_wait3A_728, %dma_wait3A_729] : memref<8x50x64xf32, #tpu.memory_space<vmem>> -> memref<1x50x64xf32, #tpu.memory_space<vmem>>
    %dma_wait3A_731 = tpu.memref_squeeze %dma_wait3A_730 : memref<1x50x64xf32, #tpu.memory_space<vmem>> -> memref<50x64xf32, #tpu.memory_space<vmem>>
    %dma_wait3A_732 = arith.constant 0 : i32
    %dma_wait3A_733 = tpu.memref_slice %arg5[%dma_wait3A_726, %dma_wait3A_732] : memref<512x50xi32, #tpu.memory_space<vmem>> -> memref<1x50xi32, #tpu.memory_space<vmem>>
    %dma_wait3A_734 = tpu.memref_squeeze %dma_wait3A_733 : memref<1x50xi32, #tpu.memory_space<vmem>> -> memref<50xi32, #tpu.memory_space<vmem>>
    %dma_wait3A_735 = arith.constant 0 : i32
    %dma_wait3A_736 = arith.constant 0 : i32
    %dma_wait3A_737 = tpu.memref_slice %arg3[%dma_wait3A_735, %dma_wait3A_736] : memref<1000000x64xf32, #tpu.memory_space<hbm>> -> memref<1000000x64xf32, #tpu.memory_space<hbm>>
    tpu.wait_indirect_dma semaphore(%arg13 : memref<!tpu.dma_semaphore, #tpu.memory_space<semaphore_mem>>) src(%dma_wait3A_737 : memref<1000000x64xf32, #tpu.memory_space<hbm>>) dst(%dma_wait3A_731 : memref<50x64xf32, #tpu.memory_space<vmem>>)
    %dma_wait3A_738 = arith.constant 507 : i32
    %dma_wait3A_739 = arith.constant 3 : i32
    %dma_wait3A_740 = arith.constant 0 : i32
    %dma_wait3A_741 = arith.constant 0 : i32
    %dma_wait3A_742 = tpu.memref_slice %arg9[%dma_wait3A_739, %dma_wait3A_740, %dma_wait3A_741] : memref<8x50x64xf32, #tpu.memory_space<vmem>> -> memref<1x50x64xf32, #tpu.memory_space<vmem>>
    %dma_wait3A_743 = tpu.memref_squeeze %dma_wait3A_742 : memref<1x50x64xf32, #tpu.memory_space<vmem>> -> memref<50x64xf32, #tpu.memory_space<vmem>>
    %dma_wait3A_744 = arith.constant 0 : i32
    %dma_wait3A_745 = tpu.memref_slice %arg5[%dma_wait3A_738, %dma_wait3A_744] : memref<512x50xi32, #tpu.memory_space<vmem>> -> memref<1x50xi32, #tpu.memory_space<vmem>>
    %dma_wait3A_746 = tpu.memref_squeeze %dma_wait3A_745 : memref<1x50xi32, #tpu.memory_space<vmem>> -> memref<50xi32, #tpu.memory_space<vmem>>
    %dma_wait3A_747 = arith.constant 0 : i32
    %dma_wait3A_748 = arith.constant 0 : i32
    %dma_wait3A_749 = tpu.memref_slice %arg3[%dma_wait3A_747, %dma_wait3A_748] : memref<1000000x64xf32, #tpu.memory_space<hbm>> -> memref<1000000x64xf32, #tpu.memory_space<hbm>>
    tpu.wait_indirect_dma semaphore(%arg13 : memref<!tpu.dma_semaphore, #tpu.memory_space<semaphore_mem>>) src(%dma_wait3A_749 : memref<1000000x64xf32, #tpu.memory_space<hbm>>) dst(%dma_wait3A_743 : memref<50x64xf32, #tpu.memory_space<vmem>>)
    %dma_wait3A_750 = arith.constant 508 : i32
    %dma_wait3A_751 = arith.constant 4 : i32
    %dma_wait3A_752 = arith.constant 0 : i32
    %dma_wait3A_753 = arith.constant 0 : i32
    %dma_wait3A_754 = tpu.memref_slice %arg9[%dma_wait3A_751, %dma_wait3A_752, %dma_wait3A_753] : memref<8x50x64xf32, #tpu.memory_space<vmem>> -> memref<1x50x64xf32, #tpu.memory_space<vmem>>
    %dma_wait3A_755 = tpu.memref_squeeze %dma_wait3A_754 : memref<1x50x64xf32, #tpu.memory_space<vmem>> -> memref<50x64xf32, #tpu.memory_space<vmem>>
    %dma_wait3A_756 = arith.constant 0 : i32
    %dma_wait3A_757 = tpu.memref_slice %arg5[%dma_wait3A_750, %dma_wait3A_756] : memref<512x50xi32, #tpu.memory_space<vmem>> -> memref<1x50xi32, #tpu.memory_space<vmem>>
    %dma_wait3A_758 = tpu.memref_squeeze %dma_wait3A_757 : memref<1x50xi32, #tpu.memory_space<vmem>> -> memref<50xi32, #tpu.memory_space<vmem>>
    %dma_wait3A_759 = arith.constant 0 : i32
    %dma_wait3A_760 = arith.constant 0 : i32
    %dma_wait3A_761 = tpu.memref_slice %arg3[%dma_wait3A_759, %dma_wait3A_760] : memref<1000000x64xf32, #tpu.memory_space<hbm>> -> memref<1000000x64xf32, #tpu.memory_space<hbm>>
    tpu.wait_indirect_dma semaphore(%arg13 : memref<!tpu.dma_semaphore, #tpu.memory_space<semaphore_mem>>) src(%dma_wait3A_761 : memref<1000000x64xf32, #tpu.memory_space<hbm>>) dst(%dma_wait3A_755 : memref<50x64xf32, #tpu.memory_space<vmem>>)
    %dma_wait3A_762 = arith.constant 509 : i32
    %dma_wait3A_763 = arith.constant 5 : i32
    %dma_wait3A_764 = arith.constant 0 : i32
    %dma_wait3A_765 = arith.constant 0 : i32
    %dma_wait3A_766 = tpu.memref_slice %arg9[%dma_wait3A_763, %dma_wait3A_764, %dma_wait3A_765] : memref<8x50x64xf32, #tpu.memory_space<vmem>> -> memref<1x50x64xf32, #tpu.memory_space<vmem>>
    %dma_wait3A_767 = tpu.memref_squeeze %dma_wait3A_766 : memref<1x50x64xf32, #tpu.memory_space<vmem>> -> memref<50x64xf32, #tpu.memory_space<vmem>>
    %dma_wait3A_768 = arith.constant 0 : i32
    %dma_wait3A_769 = tpu.memref_slice %arg5[%dma_wait3A_762, %dma_wait3A_768] : memref<512x50xi32, #tpu.memory_space<vmem>> -> memref<1x50xi32, #tpu.memory_space<vmem>>
    %dma_wait3A_770 = tpu.memref_squeeze %dma_wait3A_769 : memref<1x50xi32, #tpu.memory_space<vmem>> -> memref<50xi32, #tpu.memory_space<vmem>>
    %dma_wait3A_771 = arith.constant 0 : i32
    %dma_wait3A_772 = arith.constant 0 : i32
    %dma_wait3A_773 = tpu.memref_slice %arg3[%dma_wait3A_771, %dma_wait3A_772] : memref<1000000x64xf32, #tpu.memory_space<hbm>> -> memref<1000000x64xf32, #tpu.memory_space<hbm>>
    tpu.wait_indirect_dma semaphore(%arg13 : memref<!tpu.dma_semaphore, #tpu.memory_space<semaphore_mem>>) src(%dma_wait3A_773 : memref<1000000x64xf32, #tpu.memory_space<hbm>>) dst(%dma_wait3A_767 : memref<50x64xf32, #tpu.memory_space<vmem>>)
    %dma_wait3A_774 = arith.constant 510 : i32
    %dma_wait3A_775 = arith.constant 6 : i32
    %dma_wait3A_776 = arith.constant 0 : i32
    %dma_wait3A_777 = arith.constant 0 : i32
    %dma_wait3A_778 = tpu.memref_slice %arg9[%dma_wait3A_775, %dma_wait3A_776, %dma_wait3A_777] : memref<8x50x64xf32, #tpu.memory_space<vmem>> -> memref<1x50x64xf32, #tpu.memory_space<vmem>>
    %dma_wait3A_779 = tpu.memref_squeeze %dma_wait3A_778 : memref<1x50x64xf32, #tpu.memory_space<vmem>> -> memref<50x64xf32, #tpu.memory_space<vmem>>
    %dma_wait3A_780 = arith.constant 0 : i32
    %dma_wait3A_781 = tpu.memref_slice %arg5[%dma_wait3A_774, %dma_wait3A_780] : memref<512x50xi32, #tpu.memory_space<vmem>> -> memref<1x50xi32, #tpu.memory_space<vmem>>
    %dma_wait3A_782 = tpu.memref_squeeze %dma_wait3A_781 : memref<1x50xi32, #tpu.memory_space<vmem>> -> memref<50xi32, #tpu.memory_space<vmem>>
    %dma_wait3A_783 = arith.constant 0 : i32
    %dma_wait3A_784 = arith.constant 0 : i32
    %dma_wait3A_785 = tpu.memref_slice %arg3[%dma_wait3A_783, %dma_wait3A_784] : memref<1000000x64xf32, #tpu.memory_space<hbm>> -> memref<1000000x64xf32, #tpu.memory_space<hbm>>
    tpu.wait_indirect_dma semaphore(%arg13 : memref<!tpu.dma_semaphore, #tpu.memory_space<semaphore_mem>>) src(%dma_wait3A_785 : memref<1000000x64xf32, #tpu.memory_space<hbm>>) dst(%dma_wait3A_779 : memref<50x64xf32, #tpu.memory_space<vmem>>)
    %dma_wait3A_786 = arith.constant 511 : i32
    %dma_wait3A_787 = arith.constant 7 : i32
    %dma_wait3A_788 = arith.constant 0 : i32
    %dma_wait3A_789 = arith.constant 0 : i32
    %dma_wait3A_790 = tpu.memref_slice %arg9[%dma_wait3A_787, %dma_wait3A_788, %dma_wait3A_789] : memref<8x50x64xf32, #tpu.memory_space<vmem>> -> memref<1x50x64xf32, #tpu.memory_space<vmem>>
    %dma_wait3A_791 = tpu.memref_squeeze %dma_wait3A_790 : memref<1x50x64xf32, #tpu.memory_space<vmem>> -> memref<50x64xf32, #tpu.memory_space<vmem>>
    %dma_wait3A_792 = arith.constant 0 : i32
    %dma_wait3A_793 = tpu.memref_slice %arg5[%dma_wait3A_786, %dma_wait3A_792] : memref<512x50xi32, #tpu.memory_space<vmem>> -> memref<1x50xi32, #tpu.memory_space<vmem>>
    %dma_wait3A_794 = tpu.memref_squeeze %dma_wait3A_793 : memref<1x50xi32, #tpu.memory_space<vmem>> -> memref<50xi32, #tpu.memory_space<vmem>>
    %dma_wait3A_795 = arith.constant 0 : i32
    %dma_wait3A_796 = arith.constant 0 : i32
    %dma_wait3A_797 = tpu.memref_slice %arg3[%dma_wait3A_795, %dma_wait3A_796] : memref<1000000x64xf32, #tpu.memory_space<hbm>> -> memref<1000000x64xf32, #tpu.memory_space<hbm>>
    tpu.wait_indirect_dma semaphore(%arg13 : memref<!tpu.dma_semaphore, #tpu.memory_space<semaphore_mem>>) src(%dma_wait3A_797 : memref<1000000x64xf32, #tpu.memory_space<hbm>>) dst(%dma_wait3A_791 : memref<50x64xf32, #tpu.memory_space<vmem>>)
    %add3A_798 = arith.constant 504 : i32
    %add3A_799 = arith.addi %mul3A_2, %add3A_798 : i32
    %dma_start3A_800 = arith.constant 0 : i32
    %dma_start3A_801 = arith.constant 0 : i32
    %dma_start3A_802 = tpu.memref_slice %arg4[%add3A_799, %dma_start3A_800, %dma_start3A_801] : memref<16384x50x64xf32, #tpu.memory_space<hbm>> -> memref<8x50x64xf32, #tpu.memory_space<hbm>>
    %dma_start3A_803 = arith.constant 0 : i32
    %dma_start3A_804 = arith.constant 0 : i32
    %dma_start3A_805 = tpu.memref_slice %arg4[%add3A_799, %dma_start3A_803, %dma_start3A_804] : memref<16384x50x64xf32, #tpu.memory_space<hbm>> -> memref<8x50x64xf32, #tpu.memory_space<hbm>>
    tpu.enqueue_dma source(%arg9 : memref<8x50x64xf32, #tpu.memory_space<vmem>>) target(%dma_start3A_805 : memref<8x50x64xf32, #tpu.memory_space<hbm>>) target_semaphore(%arg17 : memref<!tpu.dma_semaphore, #tpu.memory_space<semaphore_mem>>)
    %add3A_806 = arith.constant 480 : i32
    %add3A_807 = arith.addi %mul3A_2, %add3A_806 : i32
    %dma_wait3A_808 = arith.constant 0 : i32
    %dma_wait3A_809 = arith.constant 0 : i32
    %dma_wait3A_810 = tpu.memref_slice %arg4[%add3A_807, %dma_wait3A_808, %dma_wait3A_809] : memref<16384x50x64xf32, #tpu.memory_space<hbm>> -> memref<8x50x64xf32, #tpu.memory_space<hbm>>
    %dma_wait3A_811 = arith.constant 0 : i32
    %dma_wait3A_812 = arith.constant 0 : i32
    %dma_wait3A_813 = tpu.memref_slice %arg4[%add3A_807, %dma_wait3A_811, %dma_wait3A_812] : memref<16384x50x64xf32, #tpu.memory_space<hbm>> -> memref<8x50x64xf32, #tpu.memory_space<hbm>>
    tpu.wait_dma2 semaphore(%arg14 : memref<!tpu.dma_semaphore, #tpu.memory_space<semaphore_mem>>) src(%arg6 : memref<8x50x64xf32, #tpu.memory_space<vmem>>) dst(%dma_wait3A_813 : memref<8x50x64xf32, #tpu.memory_space<hbm>>)
    %add3A_814 = arith.constant 488 : i32
    %add3A_815 = arith.addi %mul3A_2, %add3A_814 : i32
    %dma_wait3A_816 = arith.constant 0 : i32
    %dma_wait3A_817 = arith.constant 0 : i32
    %dma_wait3A_818 = tpu.memref_slice %arg4[%add3A_815, %dma_wait3A_816, %dma_wait3A_817] : memref<16384x50x64xf32, #tpu.memory_space<hbm>> -> memref<8x50x64xf32, #tpu.memory_space<hbm>>
    %dma_wait3A_819 = arith.constant 0 : i32
    %dma_wait3A_820 = arith.constant 0 : i32
    %dma_wait3A_821 = tpu.memref_slice %arg4[%add3A_815, %dma_wait3A_819, %dma_wait3A_820] : memref<16384x50x64xf32, #tpu.memory_space<hbm>> -> memref<8x50x64xf32, #tpu.memory_space<hbm>>
    tpu.wait_dma2 semaphore(%arg15 : memref<!tpu.dma_semaphore, #tpu.memory_space<semaphore_mem>>) src(%arg7 : memref<8x50x64xf32, #tpu.memory_space<vmem>>) dst(%dma_wait3A_821 : memref<8x50x64xf32, #tpu.memory_space<hbm>>)
    %add3A_822 = arith.constant 496 : i32
    %add3A_823 = arith.addi %mul3A_2, %add3A_822 : i32
    %dma_wait3A_824 = arith.constant 0 : i32
    %dma_wait3A_825 = arith.constant 0 : i32
    %dma_wait3A_826 = tpu.memref_slice %arg4[%add3A_823, %dma_wait3A_824, %dma_wait3A_825] : memref<16384x50x64xf32, #tpu.memory_space<hbm>> -> memref<8x50x64xf32, #tpu.memory_space<hbm>>
    %dma_wait3A_827 = arith.constant 0 : i32
    %dma_wait3A_828 = arith.constant 0 : i32
    %dma_wait3A_829 = tpu.memref_slice %arg4[%add3A_823, %dma_wait3A_827, %dma_wait3A_828] : memref<16384x50x64xf32, #tpu.memory_space<hbm>> -> memref<8x50x64xf32, #tpu.memory_space<hbm>>
    tpu.wait_dma2 semaphore(%arg16 : memref<!tpu.dma_semaphore, #tpu.memory_space<semaphore_mem>>) src(%arg8 : memref<8x50x64xf32, #tpu.memory_space<vmem>>) dst(%dma_wait3A_829 : memref<8x50x64xf32, #tpu.memory_space<hbm>>)
    %add3A_830 = arith.constant 504 : i32
    %add3A_831 = arith.addi %mul3A_2, %add3A_830 : i32
    %dma_wait3A_832 = arith.constant 0 : i32
    %dma_wait3A_833 = arith.constant 0 : i32
    %dma_wait3A_834 = tpu.memref_slice %arg4[%add3A_831, %dma_wait3A_832, %dma_wait3A_833] : memref<16384x50x64xf32, #tpu.memory_space<hbm>> -> memref<8x50x64xf32, #tpu.memory_space<hbm>>
    %dma_wait3A_835 = arith.constant 0 : i32
    %dma_wait3A_836 = arith.constant 0 : i32
    %dma_wait3A_837 = tpu.memref_slice %arg4[%add3A_831, %dma_wait3A_835, %dma_wait3A_836] : memref<16384x50x64xf32, #tpu.memory_space<hbm>> -> memref<8x50x64xf32, #tpu.memory_space<hbm>>
    tpu.wait_dma2 semaphore(%arg17 : memref<!tpu.dma_semaphore, #tpu.memory_space<semaphore_mem>>) src(%arg9 : memref<8x50x64xf32, #tpu.memory_space<vmem>>) dst(%dma_wait3A_837 : memref<8x50x64xf32, #tpu.memory_space<hbm>>)
    return
  }
}

</mosaic_0001>

<sc_bundles>
// kernel: _gather_rows.3.cloned.1.call-start
scs
__scs_entry_jumppad:
0x0: {  	(pc) =	sbr.rel $0x88, $3  }
0x1: {  	(tag) =	ssettag $0x0;
	lr =	simm.s32 $0x1  }
0x2: {  	[smem:$0x3F9F] =	sst lr;
	_ =	strace $0xD0000000  }
0x3: {  	_ = 	snop  }
0x4: {  	_ = 	snop  }
0x5: {  	_ = 	snop  }
0x6: {  	_ = 	snop  }
0x7: {  	_ = 	snop  }
__scs_overlays_trampoline_lowered:
0x8: {  	[smem:$0x3FAE] =	sst s0  }
0x9: {  	[smem:$0x3FAF] =	sst s1  }
0xa: {  	[smem:$0x3FB0] =	sst s2  }
0xb: {  	[smem:$0x3FB1] =	sst s3  }
0xc: {  	[smem:$0x3FB2] =	sst s4  }
0xd: {  	[smem:$0x3FB3] =	sst s5  }
0xe: {  	[smem:$0x3FB4] =	sst s6  }
0xf: {  	[smem:$0x3FB5] =	sst s7  }
0x10: {  	[smem:$0x3FB6] =	sst s8  }
0x11: {  	[smem:$0x3FB7] =	sst s9;
	s0 =	simm.s32 @!p0 $0x0  }
0x12: {  	s1 =	sld [smem:$0x3F9D];
	s0 =	simm.s32 @p0 $0x1  }
0x13: {  	[smem:$0x3FB8] =	sst s0;
	s0 =	simm.s32 @!p1 $0x0  }
0x14: {  	s2 =	sld [smem:$0x3F9C];
	s0 =	simm.s32 @p1 $0x1  }
0x15: {  	[smem:$0x3FB9] =	sst s0;
	s0 =	simm.s32 @!p2 $0x0  }
0x16: {  	s3 =	sld [smem:$0x3FDB];
	s0 =	simm.s32 @p2 $0x1  }
0x17: {  	s4 =	simm.s32 $0x1BF5;
	[smem:$0x3FBB] =	sst s0  }
0x18: {  	s0 =	sld [smem:$0x3F9E];
	_ =	swait.ge [sflag:s4], $0x0  }
0x19: {  	s7 =	sld [smem:$0x3F9F]  }
0x1a: {  	s8 =	sadd.s32 $0xFFFFE003, lr  }
0x1b: {  	s9 =	sadd.s32 $0xFFFFFEF7, lr;
	s5 =	simm.s32 $0xFFFFFFFF;
	p2 =	slt.u32 s8, $0xFFFFF086  }
0x1c: {  	p1 =	slt.u32 s9, $0xF7A;
	s5 =	simm.s32 @!p2 $0x0  }
0x1d: {  	s5 =	simm.s32 @p1 $0x1;
	p0 =	seq.s32 s7, s2  }
0x1e: {  	s7 =	smul.u32 @!p0 $0xF7A, s2;
	p2 =	seq.s32 @!p0 s5, $0x0  }
0x1f: {  	s9 =	smul.u32 $0xF7A, s1;
	s8 =	simm.s32 @!p0 $0x1BF5;
	p2 =	por !p2, p0  }
0x20: {  	[sflag:s8] =	ssyncset.s32 @!p0 $0xFFFFF086;
	s6 =	sadd.s32 @!p0 s3, s7;
	s7 =	simm.s32 @!p0 $0x108  }
0x21: {  	s3 =	sadd.s32 s3, s9;
	s6 =	sadd.s32 @!p0 $0x88, s6;
	s7 =	simm.s32 @p2 $0x1082  }
0x22: {  	[simem:s7], [sflag:s8] =	dma.local @!p0 [hbm:s6], $0xF7A  }
0x23: {  	s9 =	sor.u32 $0xD0000000, s2;
	s6 =	simm.s32 $0x108;
	_ =	swait.ge @!p0 [sflag:s8], $0x0  }
0x24: {  	s3 =	sadd.s32 $0x88, s3;
	s6 =	simm.s32 @!p1 $0x1082;
	[sflag:s4] =	ssyncset.s32 $0xFFFFF086  }
0x25: {  	[simem:s6], [sflag:s4] =	dma.local [hbm:s3], $0xF7A  }
0x26: {  	[smem:$0x3F9F] =	sst s1;
	(tag) =	ssettag s2;
	_ =	strace s9  }
0x27: {  	s1 =	sld [smem:$0x3FAF]  }
0x28: {  	s2 =	sld [smem:$0x3FB0]  }
0x29: {  	s4 =	sld [smem:$0x3FB2]  }
0x2a: {  	p0 =	seq.s32 s5, $0x0;
	s5 =	sld [smem:$0x3FB3]  }
0x2b: {  	s6 =	sld [smem:$0x3FB4]  }
0x2c: {  	s7 =	sld [smem:$0x3FB5]  }
0x2d: {  	s3 =	simm.s32 $0x108;
	s8 =	sld [smem:$0x3FB6]  }
0x2e: {  	s3 =	simm.s32 @!p0 $0x1082;
	s9 =	sld [smem:$0x3FB7]  }
0x2f: {  	lr =	sadd.s32 s0, s3;
	s0 =	sld [smem:$0x3FAE]  }
0x30: {  	s3 =	sld [smem:$0x3FB1]  }
0x31: {  	[smem:$0x3FBA] =	sst s10  }
0x32: {  	s10 =	sld [smem:$0x3FB8];
	_ =	sdelay $0x3  }
0x33: {  	p0 =	seq.s32 s10, $0x1;
	s10 =	sld [smem:$0x3FBA];
	_ =	sdelay $0x3  }
0x34: {  	[smem:$0x3FBA] =	sst s10  }
0x35: {  	s10 =	sld [smem:$0x3FB9];
	_ =	sdelay $0x3  }
0x36: {  	p1 =	seq.s32 s10, $0x1;
	s10 =	sld [smem:$0x3FBA];
	_ =	sdelay $0x3  }
0x37: {  	[smem:$0x3FBA] =	sst s10  }
0x38: {  	s10 =	sld [smem:$0x3FBB]  }
0x39: {  	_ = 	snop;
	(pc) =	sbr.ind lr, $3  }
0x3a: {  	_ = 	snop  }
0x3b: {  	_ = 	snop  }
0x3c: {  	p2 =	seq.s32 s10, $0x1;
	s10 =	sld [smem:$0x3FBA]  }
0x3d: {  	_ =	shalt  }
0x3e: {  	_ =	shalt  }
0x3f: {  	_ =	shalt  }
0x40: {  	_ =	shalt  }
0x41: {  	_ =	shalt  }
0x42: {  	_ =	shalt  }
0x43: {  	_ =	shalt  }
0x44: {  	_ =	shalt  }
0x45: {  	_ =	shalt  }
0x46: {  	_ =	shalt  }
0x47: {  	_ =	shalt  }
0x48: {  	_ =	shalt  }
0x49: {  	_ =	shalt  }
0x4a: {  	_ =	shalt  }
0x4b: {  	_ =	shalt  }
0x4c: {  	_ =	shalt  }
0x4d: {  	_ =	shalt  }
0x4e: {  	_ =	shalt  }
0x4f: {  	_ =	shalt  }
0x50: {  	_ =	shalt  }
0x51: {  	_ =	shalt  }
0x52: {  	_ =	shalt  }
0x53: {  	_ =	shalt  }
0x54: {  	_ =	shalt  }
0x55: {  	_ =	shalt  }
0x56: {  	_ =	shalt  }
0x57: {  	_ =	shalt  }
0x58: {  	_ =	shalt  }
0x59: {  	_ =	shalt  }
0x5a: {  	_ =	shalt  }
0x5b: {  	_ =	shalt  }
0x5c: {  	_ =	shalt  }
0x5d: {  	_ =	shalt  }
0x5e: {  	_ =	shalt  }
0x5f: {  	_ =	shalt  }
0x60: {  	_ =	shalt  }
0x61: {  	_ =	shalt  }
0x62: {  	_ =	shalt  }
0x63: {  	_ =	shalt  }
0x64: {  	_ =	shalt  }
0x65: {  	_ =	shalt  }
0x66: {  	_ =	shalt  }
0x67: {  	_ =	shalt  }
0x68: {  	_ =	shalt  }
0x69: {  	_ =	shalt  }
0x6a: {  	_ =	shalt  }
0x6b: {  	_ =	shalt  }
0x6c: {  	_ =	shalt  }
0x6d: {  	_ =	shalt  }
0x6e: {  	_ =	shalt  }
0x6f: {  	_ =	shalt  }
0x70: {  	_ =	shalt  }
0x71: {  	_ =	shalt  }
0x72: {  	_ =	shalt  }
0x73: {  	_ =	shalt  }
0x74: {  	_ =	shalt  }
0x75: {  	_ =	shalt  }
0x76: {  	_ =	shalt  }
0x77: {  	_ =	shalt  }
0x78: {  	_ =	shalt  }
0x79: {  	_ =	shalt  }
0x7a: {  	_ =	shalt  }
0x7b: {  	_ =	shalt  }
0x7c: {  	_ =	shalt  }
0x7d: {  	_ =	shalt  }
0x7e: {  	_ =	shalt  }
0x7f: {  	_ =	shalt  }
0x80: {  	_ =	shalt  }
0x81: {  	_ =	shalt  }
0x82: {  	_ =	shalt  }
0x83: {  	_ =	shalt  }
0x84: {  	_ =	shalt  }
0x85: {  	_ =	shalt  }
0x86: {  	_ =	shalt  }
0x87: {  	_ =	shalt  }
.Lfunc_end0:
.L_simem_size_0:
called_computation.1_lowered:
.L_overlay_start_0:
0x88: {  	s2 =	sld [smem:$0x3FD9]  }
0x89: {  	s3 =	sld [smem:$0x3FFE];
	_ =	sdelay $0x1  }
0x8a: {  	s1 =	srdreg.scid  }
0x8b: {  	s0 =	sand.u32 $0x1, s1  }
0x8c: {  	s17 =	sshll.u32 s0, $0xA;
	s2 =	sadd.s32 s3, s2  }
0x8d: {  	s2 =	sadd.s32 s2, s17  }
0x8e: {  	[smem:$0x3FC6] =	sst s2  }
0x8f: {  	_ = 	snop  }
0x90: {  	s2 =	sld [smem:$0x3FD0];
	(tm) =	ssettm $0x1  }
0x91: {  	s18 =	sld [smem:$0x3FFB];
	_ =	sdelay $0x3  }
0x92: {  	_ =	strace s18  }
0x93: {  	s3 =	sld [smem:$0x3FFC];
	_ =	sdelay $0x3  }
0x94: {  	_ =	strace s3  }
0x95: {  	s3 =	sld [smem:$0x3FFD];
	_ =	sdelay $0x3  }
0x96: {  	_ =	strace s3  }
0x97: {  	_ =	strace $0x8FFFFFFF  }
0x98: {  	s19 =	sld [smem:$0x3FDB];
	_ =	sdelay $0x1  }
0x99: {  	s4 =	simm.s32 $_scs_section_size  }
0x9a: {  	s5 =	simm.s32 $_size__tile_overlayer_lowered;
	s6 =	simm.s32 $_tile_overlayer_lowered  }
0x9b: {  	s22 =	simm.s32 $0x1BFF;
	s21 =	sshll.u32 s6, $0x1;
	s3 =	sadd.s32 s4, s19  }
0x9c: {  	s7 =	simm.s32 $0x0;
	s20 =	sshll.u32 s5, $0x1;
	s5 =	sadd.s32 s21, s3  }
0x9d: {  	[timem:s7], [sflag:s22] =	dma.local [hbm:s5], s20  }
0x9e: {  	_ =	swait.ge [sflag:s22], s20  }
0x9f: {  	s4 =	ssub.s32 $0x0, s20;
	[sflag:s22] =	ssyncset.done $0x0  }
0xa0: {  	[sflag:s22] =	ssyncadd.s32 s4;
	_ =	sdelay $0x1  }
0xa1: {  	s23 =	simm.s32 $0x1B8B  }
0xa2: {  	_ =	swait.ge [sflag:s23], $0x1  }
0xa3: {  	[sflag:s23] =	ssyncset.done $0x0  }
0xa4: {  	s25 =	simm.s32 $0x1B8E;
	s24 =	sld [smem:$0x3FFE];
	[sflag:s23] =	ssyncadd.s32 $0xFFFFFFFF  }
0xa5: {  	s26 =	simm.s32 $execute0_lowered;
	[smem:$0x3FD2] =	sst s25  }
0xa6: {  	s5 =	sshll.u32 s26, $0x1;
	_ =	strace $0x80000046;
	[dreg:$0x1] =	wrdreg $0xFFFFFFFF  }
0xa7: {  	s28 =	simm.s32 $_size_execute0_lowered;
	s3 =	sadd.s32 s3, s5;
	[dreg:$0x0] =	wrdreg $0x0  }
0xa8: {  	s5 =	sshll.u32 s28, $0x1;
	[dreg:$0x2] =	wrdreg s3  }
0xa9: {  	[dreg:$0x3] =	wrdreg s5  }
0xaa: {  	[dreg:$0x4] =	wrdreg $0xC0  }
0xab: {  	_ =	task [dreg:s7], $0x5FFFF  }
0xac: {  	[dreg:$0x1] =	wrdreg $0xFFFFFFFF  }
0xad: {  	[dreg:$0x0] =	wrdreg $0x60  }
0xae: {  	[dreg:$0x2] =	wrdreg s24  }
0xaf: {  	[dreg:$0x3] =	wrdreg s2  }
0xb0: {  	[dreg:$0x4] =	wrdreg $0x9  }
0xb1: {  	_ =	task.clear_ibuf [dreg:s7], $0x5FFFF;
	_ =	strace $0x90000046  }
0xb2: {  	s29 =	simm.s32 $0x9;
	_ =	strace $0x80000048  }
0xb3: {  	_ =	swait.ge [sflag:s29], $0x1  }
0xb4: {  	[sflag:s29] =	ssyncadd.s32 $0xFFFFFFFF  }
0xb5: {  	_ =	strace $0x90000048  }
0xb6: {  	_ =	sfence  }
0xb7: {  	s30 =	sld [smem:$0x0];
	_ =	sdelay $0x2  }
0xb8: {  	s31 =	sshll.u32 s1, $0xD;
	s1 =	sshrl.u32 s1, $0x2  }
0xb9: {  	s3 =	sand.u32 $0x4000, s31;
	s1 =	sadd.s32 s1, s30  }
0xba: {  	s0 =	sor.u32 s3, s0;
	s1 =	sshll.u32 s1, $0x11  }
0xbb: {  	s0 =	sor.u32 s1, s0  }
0xbc: {  	s0 =	sadd.s32 $0x8F2B, s0  }
0xbd: {  	[sflag:s0] =	ssyncadd.remote.s32 $0x1  }
0xbe: {  	_ =	sfence.sel $0xFFFF  }
0xbf: {  	[dreg:$0x0] =	wrdreg $0xFFFFFFFF;
	(pc) =	sbr.abs _section_cstart, $3  }
0xc0: {  	[dreg:$0x1] =	wrdreg $0xFFFFFFFF  }
0xc1: {  	_ =	task.clear_ibuf [dreg:s7], $0x2FFFF;
	_ =	strace $0x9FFFFFFF  }
0xc2: {  	(tm) =	ssettm $0x7FFFFFFF  }
0xc3: {  	_ =	shalt  }
tec
execute0_lowered:
.L_overlay_start_1:
0x0: {  	(tag) =	ssettag $0x1  }
0x1: {  	s0 =	srdreg.scid  }
0x2: {  	s1 =	rddreg [dreg:$0x0];
	s10 =	stileid.u32  }
0x3: {  	s4 =	rddreg [dreg:$0x1];
	s2 =	simm.s32 $0x0;
	s12 =	simm.s32 $0x32  }
0x4: {  	s13 =	simm.s32 $0x7000;
	s16 =	simm.s32 $0x7C80;
	s11 =	simm.s32 $0xBB00  }
0x5: {  	s30 =	simm.s32 $0xD400;
	s15 =	simm.s32 $0xE080;
	s17 =	simm.s32 $0xED00  }
0x6: {  	s29 =	simm.s32 $0x12B80;
	s31 =	simm.s32 $0x14480;
	s28 =	simm.s32 $0x5  }
0x7: {  	s14 =	simm.s32 $0x6;
	s18 =	simm.s32 $0x4;
	s0 =	sand.u32 $0x1, s0  }
0x8: {  	s3 =	sshll.u32 s10, $0xA;
	s22 =	smul.u32 $0x64000, s10;
	s5 =	sshll.u32 s0, $0x9  }
0x9: {  	s6 =	ssub.s32 $0x2, s0;
	s0 =	smul.u32 $0x32000, s0;
	s5 =	sor.u32 s5, s3  }
0xa: {  	[smem:$0x7FF] =	sst s2;
	s10 =	simm.s32 $0xC780;
	s3 =	smul.u32 $0x7, s5  }
0xb: {  	_ =	strace $0x80000047;
	s8 =	sshrl.u32 s6, $0x1;
	s9 =	smul.u32 $0xC80, s5  }
0xc: {  	s19 =	ssub.s32 s6, s8;
	s5 =	smul.u32 $0x190, s5;
	s6 =	simm.s32 $0x9580  }
0xd: {  	s8 =	simm.s32 $0xAE80;
	s7 =	sadd.s32 s3, s1;
	s3 =	sadd.s32 $0xF42E00, s1  }
0xe: {  	s21 =	sshrl.u32 s9, $0x3;
	s23 =	sadd.s32 s4, s5;
	s1 =	smax.u32 s19, $0x1  }
0xf: {  	s19 =	simm.s32 $0xF980;
	s9 =	simm.s32 $0x1;
	s20 =	sadd.s32 $0xA00, s7  }
0x10: {  	s24 =	sadd.s32 s4, s21;
	[dreg:$0x4] =	wrdreg s23;
	s25 =	sadd.s32 $0xC80, s23  }
0x11: {  	s4 =	sadd.s32 s22, s4;
	[dreg:$0x8] =	wrdreg s1;
	s7 =	simm.s32 $0xA200  }
0x12: {  	s21 =	simm.s32 $0x10600;
	s23 =	simm.s32 $0x11280;
	[dreg:$0x3] =	wrdreg s20  }
0x13: {  	s1 =	simm.s32 $0x3;
	s22 =	simm.s32 $0x7;
	[dreg:$0x5] =	wrdreg s25  }
0x14: {  	s26 =	sadd.s32 $0x30700, s24;
	s5 =	sadd.s32 $0x31380, s24;
	s0 =	sadd.s32 s0, s4  }
0x15: {  	s4 =	simm.s32 $0x8900;
	s20 =	simm.s32 $0x11F00;
	[dreg:$0x6] =	wrdreg s26  }
0x16: {  	s24 =	simm.s32 $0x13800;
	[dreg:$0x7] =	wrdreg s5;
	s0 =	sadd.s32 $0x2580, s0  }
0x17: {  	s25 =	simm.s32 $0x2;
	[dreg:$0x9] =	wrdreg s0;
	s0 =	simm.s32 $0x0  }
0x18: {  	s5 =	simm.s32 $0x19C00;
	s26 =	simm.s32 $0x8;
	[dreg:$0xa] =	wrdreg s0  }
.LBB2_1:
0x19: {  	s0 =	rddreg [dreg:$0x3]  }
0x1a: {  	[tilespmem:s2], [sflag:$0x9] =	stream.linear.gather [hbm4b:s0+s2], $0x7000, $0x38;
	v63 =	vld [tilespmem:$0x0]  }
0x1b: {  	s0 =	simm.s32 $0x9  }
0x1c: {  	_ =	swait.ge [sflag:s0], $0x7000  }
0x1d: {  	[sflag:s0] =	ssyncset.done $0x0  }
0x1e: {  	[sflag:s0] =	ssyncadd.s32 $0xFFFF9000  }
0x1f: {  	[tilespmem:s13], [sflag:$0x1] =	stream.indirect.gather [hbm4b:s3+s12], $0x40, s2, s12, $0xb8;
	v63 =	vld [tilespmem:$0x0]  }
0x20: {  	s0 =	simm.s32 $0x38  }
0x21: {  	[tilespmem:s16], [sflag:$0x1] =	stream.indirect.gather [hbm4b:s3+s12], $0x40, s0, s12, $0xb8;
	v63 =	vld [tilespmem:$0x0]  }
0x22: {  	s0 =	simm.s32 $0x70  }
0x23: {  	[tilespmem:s4], [sflag:$0x1] =	stream.indirect.gather [hbm4b:s3+s12], $0x40, s0, s12, $0xb8;
	v63 =	vld [tilespmem:$0x0]  }
0x24: {  	s0 =	simm.s32 $0xA8  }
0x25: {  	[tilespmem:s6], [sflag:$0x1] =	stream.indirect.gather [hbm4b:s3+s12], $0x40, s0, s12, $0xb8;
	v63 =	vld [tilespmem:$0x0]  }
0x26: {  	s0 =	simm.s32 $0xE0  }
0x27: {  	[tilespmem:s7], [sflag:$0x1] =	stream.indirect.gather [hbm4b:s3+s12], $0x40, s0, s12, $0xb8;
	v63 =	vld [tilespmem:$0x0]  }
0x28: {  	s0 =	simm.s32 $0x118  }
0x29: {  	[tilespmem:s8], [sflag:$0x1] =	stream.indirect.gather [hbm4b:s3+s12], $0x40, s0, s12, $0xb8;
	v63 =	vld [tilespmem:$0x0]  }
0x2a: {  	s0 =	simm.s32 $0x150  }
0x2b: {  	[tilespmem:s11], [sflag:$0x1] =	stream.indirect.gather [hbm4b:s3+s12], $0x40, s0, s12, $0xb8;
	v63 =	vld [tilespmem:$0x0]  }
0x2c: {  	s0 =	simm.s32 $0x188  }
0x2d: {  	[tilespmem:s10], [sflag:$0x1] =	stream.indirect.gather [hbm4b:s3+s12], $0x40, s0, s12, $0xb8;
	v63 =	vld [tilespmem:$0x0]  }
0x2e: {  	s0 =	simm.s32 $0x1C0  }
0x2f: {  	[tilespmem:s30], [sflag:$0x2] =	stream.indirect.gather [hbm4b:s3+s12], $0x40, s0, s12, $0xb8;
	v63 =	vld [tilespmem:$0x0]  }
0x30: {  	s0 =	simm.s32 $0x1F8  }
0x31: {  	[tilespmem:s15], [sflag:$0x2] =	stream.indirect.gather [hbm4b:s3+s12], $0x40, s0, s12, $0xb8;
	v63 =	vld [tilespmem:$0x0]  }
0x32: {  	s0 =	simm.s32 $0x230  }
0x33: {  	[tilespmem:s17], [sflag:$0x2] =	stream.indirect.gather [hbm4b:s3+s12], $0x40, s0, s12, $0xb8;
	v63 =	vld [tilespmem:$0x0]  }
0x34: {  	s0 =	simm.s32 $0x268  }
0x35: {  	[tilespmem:s19], [sflag:$0x2] =	stream.indirect.gather [hbm4b:s3+s12], $0x40, s0, s12, $0xb8;
	v63 =	vld [tilespmem:$0x0]  }
0x36: {  	s0 =	simm.s32 $0x2A0  }
0x37: {  	[tilespmem:s21], [sflag:$0x2] =	stream.indirect.gather [hbm4b:s3+s12], $0x40, s0, s12, $0xb8;
	v63 =	vld [tilespmem:$0x0]  }
0x38: {  	s0 =	simm.s32 $0x2D8  }
0x39: {  	[tilespmem:s23], [sflag:$0x2] =	stream.indirect.gather [hbm4b:s3+s12], $0x40, s0, s12, $0xb8;
	v63 =	vld [tilespmem:$0x0]  }
0x3a: {  	s0 =	simm.s32 $0x310  }
0x3b: {  	[tilespmem:s20], [sflag:$0x2] =	stream.indirect.gather [hbm4b:s3+s12], $0x40, s0, s12, $0xb8;
	v63 =	vld [tilespmem:$0x0]  }
0x3c: {  	s0 =	simm.s32 $0x348  }
0x3d: {  	[tilespmem:s29], [sflag:$0x2] =	stream.indirect.gather [hbm4b:s3+s12], $0x40, s0, s12, $0xb8;
	v63 =	vld [tilespmem:$0x0]  }
0x3e: {  	s0 =	simm.s32 $0x380  }
0x3f: {  	[tilespmem:s24], [sflag:$0x3] =	stream.indirect.gather [hbm4b:s3+s12], $0x40, s0, s12, $0xb8;
	v63 =	vld [tilespmem:$0x0]  }
0x40: {  	s0 =	simm.s32 $0x3B8  }
0x41: {  	[tilespmem:s31], [sflag:$0x3] =	stream.indirect.gather [hbm4b:s3+s12], $0x40, s0, s12, $0xb8;
	v63 =	vld [tilespmem:$0x0]  }
0x42: {  	s0 =	simm.s32 $0x3F0;
	s31 =	simm.s32 $0x15100  }
0x43: {  	[tilespmem:s31], [sflag:$0x3] =	stream.indirect.gather [hbm4b:s3+s12], $0x40, s0, s12, $0xb8;
	v63 =	vld [tilespmem:$0x0]  }
0x44: {  	s0 =	simm.s32 $0x428;
	s31 =	simm.s32 $0x15D80  }
0x45: {  	[tilespmem:s31], [sflag:$0x3] =	stream.indirect.gather [hbm4b:s3+s12], $0x40, s0, s12, $0xb8;
	v63 =	vld [tilespmem:$0x0]  }
0x46: {  	s0 =	simm.s32 $0x460;
	s31 =	simm.s32 $0x16A00  }
0x47: {  	[tilespmem:s31], [sflag:$0x3] =	stream.indirect.gather [hbm4b:s3+s12], $0x40, s0, s12, $0xb8;
	v63 =	vld [tilespmem:$0x0]  }
0x48: {  	s0 =	simm.s32 $0x498;
	s31 =	simm.s32 $0x17680  }
0x49: {  	[tilespmem:s31], [sflag:$0x3] =	stream.indirect.gather [hbm4b:s3+s12], $0x40, s0, s12, $0xb8;
	v63 =	vld [tilespmem:$0x0]  }
0x4a: {  	s0 =	simm.s32 $0x4D0;
	s31 =	simm.s32 $0x18300  }
0x4b: {  	[tilespmem:s31], [sflag:$0x3] =	stream.indirect.gather [hbm4b:s3+s12], $0x40, s0, s12, $0xb8;
	v63 =	vld [tilespmem:$0x0]  }
0x4c: {  	s0 =	simm.s32 $0x508;
	s31 =	simm.s32 $0x18F80  }
0x4d: {  	[tilespmem:s31], [sflag:$0x3] =	stream.indirect.gather [hbm4b:s3+s12], $0x40, s0, s12, $0xb8;
	v63 =	vld [tilespmem:$0x0]  }
0x4e: {  	_ =	swait.ge [sflag:s9], $0xC80  }
0x4f: {  	[sflag:s9] =	ssyncset.done $0x0  }
0x50: {  	[sflag:s9] =	ssyncadd.s32 $0xFFFFF380  }
0x51: {  	_ =	swait.ge [sflag:s9], $0xC80  }
0x52: {  	[sflag:s9] =	ssyncset.done $0x0  }
0x53: {  	[sflag:s9] =	ssyncadd.s32 $0xFFFFF380  }
0x54: {  	_ =	swait.ge [sflag:s9], $0xC80  }
0x55: {  	[sflag:s9] =	ssyncset.done $0x0  }
0x56: {  	[sflag:s9] =	ssyncadd.s32 $0xFFFFF380  }
0x57: {  	_ =	swait.ge [sflag:s9], $0xC80  }
0x58: {  	[sflag:s9] =	ssyncset.done $0x0  }
0x59: {  	[sflag:s9] =	ssyncadd.s32 $0xFFFFF380  }
0x5a: {  	_ =	swait.ge [sflag:s9], $0xC80  }
0x5b: {  	[sflag:s9] =	ssyncset.done $0x0  }
0x5c: {  	[sflag:s9] =	ssyncadd.s32 $0xFFFFF380  }
0x5d: {  	_ =	swait.ge [sflag:s9], $0xC80  }
0x5e: {  	[sflag:s9] =	ssyncset.done $0x0  }
0x5f: {  	[sflag:s9] =	ssyncadd.s32 $0xFFFFF380  }
0x60: {  	_ =	swait.ge [sflag:s9], $0xC80  }
0x61: {  	[sflag:s9] =	ssyncset.done $0x0  }
0x62: {  	[sflag:s9] =	ssyncadd.s32 $0xFFFFF380  }
0x63: {  	_ =	swait.ge [sflag:s9], $0xC80  }
0x64: {  	[sflag:s9] =	ssyncset.done $0x0  }
0x65: {  	s0 =	rddreg [dreg:$0x4];
	[sflag:s9] =	ssyncadd.s32 $0xFFFFF380  }
0x66: {  	[hbm4b:s0+s2] =	stream.linear.scatter [tilespmem:s13], [sflag:$0x5], $0x6400, $0x38;
	v63 =	vld [tilespmem:$0x0]  }
0x67: {  	s0 =	simm.s32 $0x540  }
0x68: {  	[tilespmem:s5], [sflag:$0x4] =	stream.indirect.gather [hbm4b:s3+s12], $0x40, s0, s12, $0xb8;
	v63 =	vld [tilespmem:$0x0]  }
0x69: {  	s31 =	simm.s32 $0x1A880;
	s0 =	simm.s32 $0x578  }
0x6a: {  	[tilespmem:s31], [sflag:$0x4] =	stream.indirect.gather [hbm4b:s3+s12], $0x40, s0, s12, $0xb8;
	v63 =	vld [tilespmem:$0x0]  }
0x6b: {  	s31 =	simm.s32 $0x1B500;
	s0 =	simm.s32 $0x5B0  }
0x6c: {  	[tilespmem:s31], [sflag:$0x4] =	stream.indirect.gather [hbm4b:s3+s12], $0x40, s0, s12, $0xb8;
	v63 =	vld [tilespmem:$0x0]  }
0x6d: {  	s31 =	simm.s32 $0x1C180;
	s0 =	simm.s32 $0x5E8  }
0x6e: {  	[tilespmem:s31], [sflag:$0x4] =	stream.indirect.gather [hbm4b:s3+s12], $0x40, s0, s12, $0xb8;
	v63 =	vld [tilespmem:$0x0]  }
0x6f: {  	s31 =	simm.s32 $0x1CE00;
	s0 =	simm.s32 $0x620  }
0x70: {  	[tilespmem:s31], [sflag:$0x4] =	stream.indirect.gather [hbm4b:s3+s12], $0x40, s0, s12, $0xb8;
	v63 =	vld [tilespmem:$0x0]  }
0x71: {  	s31 =	simm.s32 $0x1DA80;
	s0 =	simm.s32 $0x658  }
0x72: {  	[tilespmem:s31], [sflag:$0x4] =	stream.indirect.gather [hbm4b:s3+s12], $0x40, s0, s12, $0xb8;
	v63 =	vld [tilespmem:$0x0]  }
0x73: {  	s31 =	simm.s32 $0x1E700;
	s0 =	simm.s32 $0x690  }
0x74: {  	[tilespmem:s31], [sflag:$0x4] =	stream.indirect.gather [hbm4b:s3+s12], $0x40, s0, s12, $0xb8;
	v63 =	vld [tilespmem:$0x0]  }
0x75: {  	s31 =	simm.s32 $0x1F380;
	s0 =	simm.s32 $0x6C8  }
0x76: {  	[tilespmem:s31], [sflag:$0x4] =	stream.indirect.gather [hbm4b:s3+s12], $0x40, s0, s12, $0xb8;
	v63 =	vld [tilespmem:$0x0]  }
0x77: {  	_ =	swait.ge [sflag:s25], $0xC80  }
0x78: {  	[sflag:s25] =	ssyncset.done $0x0  }
0x79: {  	[sflag:s25] =	ssyncadd.s32 $0xFFFFF380  }
0x7a: {  	_ =	swait.ge [sflag:s25], $0xC80  }
0x7b: {  	[sflag:s25] =	ssyncset.done $0x0  }
0x7c: {  	[sflag:s25] =	ssyncadd.s32 $0xFFFFF380  }
0x7d: {  	_ =	swait.ge [sflag:s25], $0xC80  }
0x7e: {  	[sflag:s25] =	ssyncset.done $0x0  }
0x7f: {  	[sflag:s25] =	ssyncadd.s32 $0xFFFFF380  }
0x80: {  	_ =	swait.ge [sflag:s25], $0xC80  }
0x81: {  	[sflag:s25] =	ssyncset.done $0x0  }
0x82: {  	[sflag:s25] =	ssyncadd.s32 $0xFFFFF380  }
0x83: {  	_ =	swait.ge [sflag:s25], $0xC80  }
0x84: {  	[sflag:s25] =	ssyncset.done $0x0  }
0x85: {  	[sflag:s25] =	ssyncadd.s32 $0xFFFFF380  }
0x86: {  	_ =	swait.ge [sflag:s25], $0xC80  }
0x87: {  	[sflag:s25] =	ssyncset.done $0x0  }
0x88: {  	[sflag:s25] =	ssyncadd.s32 $0xFFFFF380  }
0x89: {  	_ =	swait.ge [sflag:s25], $0xC80  }
0x8a: {  	[sflag:s25] =	ssyncset.done $0x0  }
0x8b: {  	[sflag:s25] =	ssyncadd.s32 $0xFFFFF380  }
0x8c: {  	_ =	swait.ge [sflag:s25], $0xC80  }
0x8d: {  	[sflag:s25] =	ssyncset.done $0x0  }
0x8e: {  	s0 =	rddreg [dreg:$0x5];
	[sflag:s25] =	ssyncadd.s32 $0xFFFFF380  }
0x8f: {  	[hbm4b:s0+s2] =	stream.linear.scatter [tilespmem:s30], [sflag:$0x6], $0x6400, $0x38;
	v63 =	vld [tilespmem:$0x0]  }
0x90: {  	_ =	swait.ge [sflag:s28], $0x6400  }
0x91: {  	[sflag:s28] =	ssyncset.done $0x0  }
0x92: {  	s0 =	simm.s32 $0x700;
	[sflag:s28] =	ssyncadd.s32 $0xFFFF9C00  }
0x93: {  	[tilespmem:s13], [sflag:$0x1] =	stream.indirect.gather [hbm4b:s3+s12], $0x40, s0, s12, $0xb8;
	v63 =	vld [tilespmem:$0x0]  }
0x94: {  	s0 =	simm.s32 $0x738  }
0x95: {  	[tilespmem:s16], [sflag:$0x1] =	stream.indirect.gather [hbm4b:s3+s12], $0x40, s0, s12, $0xb8;
	v63 =	vld [tilespmem:$0x0]  }
0x96: {  	s16 =	simm.s32 $0x770  }
0x97: {  	[tilespmem:s4], [sflag:$0x1] =	stream.indirect.gather [hbm4b:s3+s12], $0x40, s16, s12, $0xb8;
	v63 =	vld [tilespmem:$0x0]  }
0x98: {  	s16 =	simm.s32 $0x7A8  }
0x99: {  	[tilespmem:s6], [sflag:$0x1] =	stream.indirect.gather [hbm4b:s3+s12], $0x40, s16, s12, $0xb8;
	v63 =	vld [tilespmem:$0x0]  }
0x9a: {  	s4 =	simm.s32 $0x7E0  }
0x9b: {  	[tilespmem:s7], [sflag:$0x1] =	stream.indirect.gather [hbm4b:s3+s12], $0x40, s4, s12, $0xb8;
	v63 =	vld [tilespmem:$0x0]  }
0x9c: {  	s6 =	simm.s32 $0x818  }
0x9d: {  	[tilespmem:s8], [sflag:$0x1] =	stream.indirect.gather [hbm4b:s3+s12], $0x40, s6, s12, $0xb8;
	v63 =	vld [tilespmem:$0x0]  }
0x9e: {  	s7 =	simm.s32 $0x850  }
0x9f: {  	[tilespmem:s11], [sflag:$0x1] =	stream.indirect.gather [hbm4b:s3+s12], $0x40, s7, s12, $0xb8;
	v63 =	vld [tilespmem:$0x0]  }
0xa0: {  	s8 =	simm.s32 $0x888  }
0xa1: {  	[tilespmem:s10], [sflag:$0x1] =	stream.indirect.gather [hbm4b:s3+s12], $0x40, s8, s12, $0xb8;
	v63 =	vld [tilespmem:$0x0]  }
0xa2: {  	_ =	swait.ge [sflag:s1], $0xC80  }
0xa3: {  	[sflag:s1] =	ssyncset.done $0x0  }
0xa4: {  	[sflag:s1] =	ssyncadd.s32 $0xFFFFF380  }
0xa5: {  	_ =	swait.ge [sflag:s1], $0xC80  }
0xa6: {  	[sflag:s1] =	ssyncset.done $0x0  }
0xa7: {  	[sflag:s1] =	ssyncadd.s32 $0xFFFFF380  }
0xa8: {  	_ =	swait.ge [sflag:s1], $0xC80  }
0xa9: {  	[sflag:s1] =	ssyncset.done $0x0  }
0xaa: {  	[sflag:s1] =	ssyncadd.s32 $0xFFFFF380  }
0xab: {  	_ =	swait.ge [sflag:s1], $0xC80  }
0xac: {  	[sflag:s1] =	ssyncset.done $0x0  }
0xad: {  	[sflag:s1] =	ssyncadd.s32 $0xFFFFF380  }
0xae: {  	_ =	swait.ge [sflag:s1], $0xC80  }
0xaf: {  	[sflag:s1] =	ssyncset.done $0x0  }
0xb0: {  	[sflag:s1] =	ssyncadd.s32 $0xFFFFF380  }
0xb1: {  	_ =	swait.ge [sflag:s1], $0xC80  }
0xb2: {  	[sflag:s1] =	ssyncset.done $0x0  }
0xb3: {  	[sflag:s1] =	ssyncadd.s32 $0xFFFFF380  }
0xb4: {  	_ =	swait.ge [sflag:s1], $0xC80  }
0xb5: {  	[sflag:s1] =	ssyncset.done $0x0  }
0xb6: {  	[sflag:s1] =	ssyncadd.s32 $0xFFFFF380  }
0xb7: {  	_ =	swait.ge [sflag:s1], $0xC80  }
0xb8: {  	[sflag:s1] =	ssyncset.done $0x0;
	s16 =	rddreg [dreg:$0x9]  }
0xb9: {  	[sflag:s1] =	ssyncadd.s32 $0xFFFFF380;
	s11 =	sadd.s32 $0xFFFFF380, s16  }
0xba: {  	[hbm4b:s11+s2] =	stream.linear.scatter [tilespmem:s24], [sflag:$0x7], $0x6400, $0x38;
	v63 =	vld [tilespmem:$0x0]  }
0xbb: {  	_ =	swait.ge [sflag:s14], $0x6400  }
0xbc: {  	[sflag:s14] =	ssyncset.done $0x0  }
0xbd: {  	s4 =	simm.s32 $0x8C0;
	[sflag:s14] =	ssyncadd.s32 $0xFFFF9C00  }
0xbe: {  	[tilespmem:s30], [sflag:$0x2] =	stream.indirect.gather [hbm4b:s3+s12], $0x40, s4, s12, $0xb8;
	v63 =	vld [tilespmem:$0x0]  }
0xbf: {  	s6 =	simm.s32 $0x8F8  }
0xc0: {  	[tilespmem:s15], [sflag:$0x2] =	stream.indirect.gather [hbm4b:s3+s12], $0x40, s6, s12, $0xb8;
	v63 =	vld [tilespmem:$0x0]  }
0xc1: {  	s7 =	simm.s32 $0x930  }
0xc2: {  	[tilespmem:s17], [sflag:$0x2] =	stream.indirect.gather [hbm4b:s3+s12], $0x40, s7, s12, $0xb8;
	v63 =	vld [tilespmem:$0x0]  }
0xc3: {  	s8 =	simm.s32 $0x968  }
0xc4: {  	[tilespmem:s19], [sflag:$0x2] =	stream.indirect.gather [hbm4b:s3+s12], $0x40, s8, s12, $0xb8;
	v63 =	vld [tilespmem:$0x0]  }
0xc5: {  	s10 =	simm.s32 $0x9A0  }
0xc6: {  	[tilespmem:s21], [sflag:$0x2] =	stream.indirect.gather [hbm4b:s3+s12], $0x40, s10, s12, $0xb8;
	v63 =	vld [tilespmem:$0x0]  }
0xc7: {  	s11 =	simm.s32 $0x9D8  }
0xc8: {  	[tilespmem:s23], [sflag:$0x2] =	stream.indirect.gather [hbm4b:s3+s12], $0x40, s11, s12, $0xb8;
	v63 =	vld [tilespmem:$0x0]  }
0xc9: {  	s15 =	simm.s32 $0xA10  }
0xca: {  	[tilespmem:s20], [sflag:$0x2] =	stream.indirect.gather [hbm4b:s3+s12], $0x40, s15, s12, $0xb8;
	v63 =	vld [tilespmem:$0x0]  }
0xcb: {  	s17 =	simm.s32 $0xA48  }
0xcc: {  	[tilespmem:s29], [sflag:$0x2] =	stream.indirect.gather [hbm4b:s3+s12], $0x40, s17, s12, $0xb8;
	v63 =	vld [tilespmem:$0x0]  }
0xcd: {  	_ =	swait.ge [sflag:s18], $0xC80  }
0xce: {  	[sflag:s18] =	ssyncset.done $0x0  }
0xcf: {  	[sflag:s18] =	ssyncadd.s32 $0xFFFFF380  }
0xd0: {  	_ =	swait.ge [sflag:s18], $0xC80  }
0xd1: {  	[sflag:s18] =	ssyncset.done $0x0  }
0xd2: {  	[sflag:s18] =	ssyncadd.s32 $0xFFFFF380  }
0xd3: {  	_ =	swait.ge [sflag:s18], $0xC80  }
0xd4: {  	[sflag:s18] =	ssyncset.done $0x0  }
0xd5: {  	[sflag:s18] =	ssyncadd.s32 $0xFFFFF380  }
0xd6: {  	_ =	swait.ge [sflag:s18], $0xC80  }
0xd7: {  	[sflag:s18] =	ssyncset.done $0x0  }
0xd8: {  	[sflag:s18] =	ssyncadd.s32 $0xFFFFF380  }
0xd9: {  	_ =	swait.ge [sflag:s18], $0xC80  }
0xda: {  	[sflag:s18] =	ssyncset.done $0x0  }
0xdb: {  	[sflag:s18] =	ssyncadd.s32 $0xFFFFF380  }
0xdc: {  	_ =	swait.ge [sflag:s18], $0xC80  }
0xdd: {  	[sflag:s18] =	ssyncset.done $0x0  }
0xde: {  	[sflag:s18] =	ssyncadd.s32 $0xFFFFF380  }
0xdf: {  	_ =	swait.ge [sflag:s18], $0xC80  }
0xe0: {  	[sflag:s18] =	ssyncset.done $0x0  }
0xe1: {  	[sflag:s18] =	ssyncadd.s32 $0xFFFFF380  }
0xe2: {  	_ =	swait.ge [sflag:s18], $0xC80  }
0xe3: {  	[sflag:s18] =	ssyncset.done $0x0  }
0xe4: {  	[sflag:s18] =	ssyncadd.s32 $0xFFFFF380  }
0xe5: {  	[hbm4b:s16+s2] =	stream.linear.scatter [tilespmem:s5], [sflag:$0x8], $0x6400, $0x38;
	v63 =	vld [tilespmem:$0x0]  }
0xe6: {  	_ =	swait.ge [sflag:s22], $0x6400  }
0xe7: {  	[sflag:s22] =	ssyncset.done $0x0  }
0xe8: {  	s19 =	simm.s32 $0xA80;
	[sflag:s22] =	ssyncadd.s32 $0xFFFF9C00  }
0xe9: {  	[tilespmem:s24], [sflag:$0x3] =	stream.indirect.gather [hbm4b:s3+s12], $0x40, s19, s12, $0xb8;
	v63 =	vld [tilespmem:$0x0]  }
0xea: {  	s21 =	simm.s32 $0x14480;
	s20 =	simm.s32 $0xAB8  }
0xeb: {  	[tilespmem:s21], [sflag:$0x3] =	stream.indirect.gather [hbm4b:s3+s12], $0x40, s20, s12, $0xb8;
	v63 =	vld [tilespmem:$0x0]  }
0xec: {  	s23 =	simm.s32 $0xAF0;
	s29 =	simm.s32 $0x15100  }
0xed: {  	[tilespmem:s29], [sflag:$0x3] =	stream.indirect.gather [hbm4b:s3+s12], $0x40, s23, s12, $0xb8;
	v63 =	vld [tilespmem:$0x0]  }
0xee: {  	s6 =	simm.s32 $0xB28;
	s7 =	simm.s32 $0x15D80  }
0xef: {  	[tilespmem:s7], [sflag:$0x3] =	stream.indirect.gather [hbm4b:s3+s12], $0x40, s6, s12, $0xb8;
	v63 =	vld [tilespmem:$0x0]  }
0xf0: {  	s8 =	simm.s32 $0xB60;
	s10 =	simm.s32 $0x16A00  }
0xf1: {  	[tilespmem:s10], [sflag:$0x3] =	stream.indirect.gather [hbm4b:s3+s12], $0x40, s8, s12, $0xb8;
	v63 =	vld [tilespmem:$0x0]  }
0xf2: {  	s11 =	simm.s32 $0xB98;
	s15 =	simm.s32 $0x17680  }
0xf3: {  	[tilespmem:s15], [sflag:$0x3] =	stream.indirect.gather [hbm4b:s3+s12], $0x40, s11, s12, $0xb8;
	v63 =	vld [tilespmem:$0x0]  }
0xf4: {  	s17 =	simm.s32 $0xBD0;
	s19 =	simm.s32 $0x18300  }
0xf5: {  	[tilespmem:s19], [sflag:$0x3] =	stream.indirect.gather [hbm4b:s3+s12], $0x40, s17, s12, $0xb8;
	v63 =	vld [tilespmem:$0x0]  }
0xf6: {  	s20 =	simm.s32 $0xC08;
	s21 =	simm.s32 $0x18F80  }
0xf7: {  	[tilespmem:s21], [sflag:$0x3] =	stream.indirect.gather [hbm4b:s3+s12], $0x40, s20, s12, $0xb8;
	v63 =	vld [tilespmem:$0x0]  }
0xf8: {  	_ =	swait.ge [sflag:s9], $0xC80  }
0xf9: {  	[sflag:s9] =	ssyncset.done $0x0  }
0xfa: {  	[sflag:s9] =	ssyncadd.s32 $0xFFFFF380  }
0xfb: {  	_ =	swait.ge [sflag:s9], $0xC80  }
0xfc: {  	[sflag:s9] =	ssyncset.done $0x0  }
0xfd: {  	[sflag:s9] =	ssyncadd.s32 $0xFFFFF380  }
0xfe: {  	_ =	swait.ge [sflag:s9], $0xC80  }
0xff: {  	[sflag:s9] =	ssyncset.done $0x0  }
0x100: {  	[sflag:s9] =	ssyncadd.s32 $0xFFFFF380  }
0x101: {  	_ =	swait.ge [sflag:s9], $0xC80  }
0x102: {  	[sflag:s9] =	ssyncset.done $0x0  }
0x103: {  	[sflag:s9] =	ssyncadd.s32 $0xFFFFF380  }
0x104: {  	_ =	swait.ge [sflag:s9], $0xC80  }
0x105: {  	[sflag:s9] =	ssyncset.done $0x0  }
0x106: {  	[sflag:s9] =	ssyncadd.s32 $0xFFFFF380  }
0x107: {  	_ =	swait.ge [sflag:s9], $0xC80  }
0x108: {  	[sflag:s9] =	ssyncset.done $0x0  }
0x109: {  	[sflag:s9] =	ssyncadd.s32 $0xFFFFF380  }
0x10a: {  	_ =	swait.ge [sflag:s9], $0xC80  }
0x10b: {  	[sflag:s9] =	ssyncset.done $0x0  }
0x10c: {  	[sflag:s9] =	ssyncadd.s32 $0xFFFFF380  }
0x10d: {  	_ =	swait.ge [sflag:s9], $0xC80  }
0x10e: {  	[sflag:s9] =	ssyncset.done $0x0  }
0x10f: {  	s23 =	sadd.s32 $0xC80, s16;
	[sflag:s9] =	ssyncadd.s32 $0xFFFFF380  }
0x110: {  	[hbm4b:s23+s2] =	stream.linear.scatter [tilespmem:s13], [sflag:$0x5], $0x6400, $0x38;
	v63 =	vld [tilespmem:$0x0]  }
0x111: {  	_ =	swait.ge [sflag:s26], $0x6400  }
0x112: {  	[sflag:s26] =	ssyncset.done $0x0  }
0x113: {  	s29 =	simm.s32 $0xC40;
	[sflag:s26] =	ssyncadd.s32 $0xFFFF9C00  }
0x114: {  	[tilespmem:s5], [sflag:$0x4] =	stream.indirect.gather [hbm4b:s3+s12], $0x40, s29, s12, $0xb8;
	v63 =	vld [tilespmem:$0x0]  }
0x115: {  	s4 =	simm.s32 $0xC78;
	s6 =	simm.s32 $0x1A880  }
0x116: {  	[tilespmem:s6], [sflag:$0x4] =	stream.indirect.gather [hbm4b:s3+s12], $0x40, s4, s12, $0xb8;
	v63 =	vld [tilespmem:$0x0]  }
0x117: {  	s7 =	simm.s32 $0xCB0;
	s8 =	simm.s32 $0x1B500  }
0x118: {  	[tilespmem:s8], [sflag:$0x4] =	stream.indirect.gather [hbm4b:s3+s12], $0x40, s7, s12, $0xb8;
	v63 =	vld [tilespmem:$0x0]  }
0x119: {  	s10 =	simm.s32 $0xCE8;
	s11 =	simm.s32 $0x1C180  }
0x11a: {  	[tilespmem:s11], [sflag:$0x4] =	stream.indirect.gather [hbm4b:s3+s12], $0x40, s10, s12, $0xb8;
	v63 =	vld [tilespmem:$0x0]  }
0x11b: {  	s15 =	simm.s32 $0xD20;
	s17 =	simm.s32 $0x1CE00  }
0x11c: {  	[tilespmem:s17], [sflag:$0x4] =	stream.indirect.gather [hbm4b:s3+s12], $0x40, s15, s12, $0xb8;
	v63 =	vld [tilespmem:$0x0]  }
0x11d: {  	s19 =	simm.s32 $0xD58;
	s20 =	simm.s32 $0x1DA80  }
0x11e: {  	[tilespmem:s20], [sflag:$0x4] =	stream.indirect.gather [hbm4b:s3+s12], $0x40, s19, s12, $0xb8;
	v63 =	vld [tilespmem:$0x0]  }
0x11f: {  	s21 =	simm.s32 $0xD90;
	s23 =	simm.s32 $0x1E700  }
0x120: {  	[tilespmem:s23], [sflag:$0x4] =	stream.indirect.gather [hbm4b:s3+s12], $0x40, s21, s12, $0xb8;
	v63 =	vld [tilespmem:$0x0]  }
0x121: {  	s31 =	simm.s32 $0x1F380;
	s29 =	simm.s32 $0xDC8  }
0x122: {  	[tilespmem:s31], [sflag:$0x4] =	stream.indirect.gather [hbm4b:s3+s12], $0x40, s29, s12, $0xb8;
	v63 =	vld [tilespmem:$0x0]  }
0x123: {  	_ =	swait.ge [sflag:s25], $0xC80  }
0x124: {  	[sflag:s25] =	ssyncset.done $0x0  }
0x125: {  	[sflag:s25] =	ssyncadd.s32 $0xFFFFF380  }
0x126: {  	_ =	swait.ge [sflag:s25], $0xC80  }
0x127: {  	[sflag:s25] =	ssyncset.done $0x0  }
0x128: {  	[sflag:s25] =	ssyncadd.s32 $0xFFFFF380  }
0x129: {  	_ =	swait.ge [sflag:s25], $0xC80  }
0x12a: {  	[sflag:s25] =	ssyncset.done $0x0  }
0x12b: {  	[sflag:s25] =	ssyncadd.s32 $0xFFFFF380  }
0x12c: {  	_ =	swait.ge [sflag:s25], $0xC80  }
0x12d: {  	[sflag:s25] =	ssyncset.done $0x0  }
0x12e: {  	[sflag:s25] =	ssyncadd.s32 $0xFFFFF380  }
0x12f: {  	_ =	swait.ge [sflag:s25], $0xC80  }
0x130: {  	[sflag:s25] =	ssyncset.done $0x0  }
0x131: {  	[sflag:s25] =	ssyncadd.s32 $0xFFFFF380  }
0x132: {  	_ =	swait.ge [sflag:s25], $0xC80  }
0x133: {  	[sflag:s25] =	ssyncset.done $0x0  }
0x134: {  	s0 =	sadd.s32 $0x1900, s16;
	s16 =	sadd.s32 $0x3200, s16;
	[sflag:s25] =	ssyncadd.s32 $0xFFFFF380  }
0x135: {  	s6 =	simm.s32 $0x14480;
	s4 =	simm.s32 $0x12B80;
	_ =	swait.ge [sflag:s25], $0xC80  }
0x136: {  	s7 =	simm.s32 $0x1DA80;
	s11 =	simm.s32 $0x1E700;
	[sflag:s25] =	ssyncset.done $0x0  }
0x137: {  	s10 =	simm.s32 $0x1F380;
	s15 =	simm.s32 $0xE080;
	[sflag:s25] =	ssyncadd.s32 $0xFFFFF380  }
0x138: {  	s17 =	simm.s32 $0xED00;
	s19 =	simm.s32 $0xF980;
	_ =	swait.ge [sflag:s25], $0xC80  }
0x139: {  	s20 =	simm.s32 $0x11F00;
	s21 =	simm.s32 $0x10600;
	[sflag:s25] =	ssyncset.done $0x0  }
0x13a: {  	s23 =	simm.s32 $0x11280;
	s31 =	simm.s32 $0x1C00;
	[sflag:s25] =	ssyncadd.s32 $0xFFFFF380  }
.LBB2_2:
0x13b: {  	[hbm4b:s0+s2] =	stream.linear.scatter [tilespmem:s30], [sflag:$0x6], $0x6400, $0x38;
	v63 =	vld [tilespmem:$0x0]  }
0x13c: {  	s0 =	smov.u32 s31  }
0x13d: {  	p0 =	sne.s32 s31, $0x18800;
	s31 =	sadd.s32 $0x1C00, s31;
	_ =	swait.ge [sflag:s28], $0x6400  }
0x13e: {  	s0 =	sshra.s32 s0, $0x2;
	[sflag:s28] =	ssyncset.done $0x0  }
0x13f: {  	s29 =	sadd.s32 $0x700, s0;
	[sflag:s28] =	ssyncadd.s32 $0xFFFF9C00  }
0x140: {  	[tilespmem:s13], [sflag:$0x1] =	stream.indirect.gather [hbm4b:s3+s12], $0x40, s29, s12, $0xb8;
	v63 =	vld [tilespmem:$0x0]  }
0x141: {  	s8 =	simm.s32 $0x7C80;
	s29 =	sadd.s32 $0x738, s0  }
0x142: {  	[tilespmem:s8], [sflag:$0x1] =	stream.indirect.gather [hbm4b:s3+s12], $0x40, s29, s12, $0xb8;
	v63 =	vld [tilespmem:$0x0]  }
0x143: {  	s29 =	sadd.s32 $0x770, s0;
	s8 =	simm.s32 $0x8900  }
0x144: {  	[tilespmem:s8], [sflag:$0x1] =	stream.indirect.gather [hbm4b:s3+s12], $0x40, s29, s12, $0xb8;
	v63 =	vld [tilespmem:$0x0]  }
0x145: {  	s29 =	sadd.s32 $0x7A8, s0;
	s8 =	simm.s32 $0x9580  }
0x146: {  	[tilespmem:s8], [sflag:$0x1] =	stream.indirect.gather [hbm4b:s3+s12], $0x40, s29, s12, $0xb8;
	v63 =	vld [tilespmem:$0x0]  }
0x147: {  	s29 =	sadd.s32 $0x7E0, s0;
	s8 =	simm.s32 $0xA200  }
0x148: {  	[tilespmem:s8], [sflag:$0x1] =	stream.indirect.gather [hbm4b:s3+s12], $0x40, s29, s12, $0xb8;
	v63 =	vld [tilespmem:$0x0]  }
0x149: {  	s29 =	sadd.s32 $0x818, s0;
	s8 =	simm.s32 $0xAE80  }
0x14a: {  	[tilespmem:s8], [sflag:$0x1] =	stream.indirect.gather [hbm4b:s3+s12], $0x40, s29, s12, $0xb8;
	v63 =	vld [tilespmem:$0x0]  }
0x14b: {  	s29 =	sadd.s32 $0x850, s0;
	s8 =	simm.s32 $0xBB00  }
0x14c: {  	[tilespmem:s8], [sflag:$0x1] =	stream.indirect.gather [hbm4b:s3+s12], $0x40, s29, s12, $0xb8;
	v63 =	vld [tilespmem:$0x0]  }
0x14d: {  	s29 =	sadd.s32 $0x888, s0;
	s8 =	simm.s32 $0xC780  }
0x14e: {  	[tilespmem:s8], [sflag:$0x1] =	stream.indirect.gather [hbm4b:s3+s12], $0x40, s29, s12, $0xb8;
	v63 =	vld [tilespmem:$0x0]  }
0x14f: {  	_ =	swait.ge [sflag:s1], $0xC80  }
0x150: {  	[sflag:s1] =	ssyncset.done $0x0  }
0x151: {  	[sflag:s1] =	ssyncadd.s32 $0xFFFFF380  }
0x152: {  	_ =	swait.ge [sflag:s1], $0xC80  }
0x153: {  	[sflag:s1] =	ssyncset.done $0x0  }
0x154: {  	[sflag:s1] =	ssyncadd.s32 $0xFFFFF380  }
0x155: {  	_ =	swait.ge [sflag:s1], $0xC80  }
0x156: {  	[sflag:s1] =	ssyncset.done $0x0  }
0x157: {  	[sflag:s1] =	ssyncadd.s32 $0xFFFFF380  }
0x158: {  	_ =	swait.ge [sflag:s1], $0xC80  }
0x159: {  	[sflag:s1] =	ssyncset.done $0x0  }
0x15a: {  	[sflag:s1] =	ssyncadd.s32 $0xFFFFF380  }
0x15b: {  	_ =	swait.ge [sflag:s1], $0xC80  }
0x15c: {  	[sflag:s1] =	ssyncset.done $0x0  }
0x15d: {  	[sflag:s1] =	ssyncadd.s32 $0xFFFFF380  }
0x15e: {  	_ =	swait.ge [sflag:s1], $0xC80  }
0x15f: {  	[sflag:s1] =	ssyncset.done $0x0  }
0x160: {  	[sflag:s1] =	ssyncadd.s32 $0xFFFFF380  }
0x161: {  	_ =	swait.ge [sflag:s1], $0xC80  }
0x162: {  	[sflag:s1] =	ssyncset.done $0x0  }
0x163: {  	[sflag:s1] =	ssyncadd.s32 $0xFFFFF380  }
0x164: {  	_ =	swait.ge [sflag:s1], $0xC80  }
0x165: {  	[sflag:s1] =	ssyncset.done $0x0  }
0x166: {  	s29 =	sadd.s32 $0xFFFFF380, s16;
	[sflag:s1] =	ssyncadd.s32 $0xFFFFF380  }
0x167: {  	[hbm4b:s29+s2] =	stream.linear.scatter [tilespmem:s24], [sflag:$0x7], $0x6400, $0x38;
	v63 =	vld [tilespmem:$0x0]  }
0x168: {  	_ =	swait.ge [sflag:s14], $0x6400  }
0x169: {  	[sflag:s14] =	ssyncset.done $0x0  }
0x16a: {  	s29 =	sadd.s32 $0x8C0, s0;
	[sflag:s14] =	ssyncadd.s32 $0xFFFF9C00  }
0x16b: {  	[tilespmem:s30], [sflag:$0x2] =	stream.indirect.gather [hbm4b:s3+s12], $0x40, s29, s12, $0xb8;
	v63 =	vld [tilespmem:$0x0]  }
0x16c: {  	s29 =	sadd.s32 $0x8F8, s0  }
0x16d: {  	[tilespmem:s15], [sflag:$0x2] =	stream.indirect.gather [hbm4b:s3+s12], $0x40, s29, s12, $0xb8;
	v63 =	vld [tilespmem:$0x0]  }
0x16e: {  	s29 =	sadd.s32 $0x930, s0  }
0x16f: {  	[tilespmem:s17], [sflag:$0x2] =	stream.indirect.gather [hbm4b:s3+s12], $0x40, s29, s12, $0xb8;
	v63 =	vld [tilespmem:$0x0]  }
0x170: {  	s29 =	sadd.s32 $0x968, s0  }
0x171: {  	[tilespmem:s19], [sflag:$0x2] =	stream.indirect.gather [hbm4b:s3+s12], $0x40, s29, s12, $0xb8;
	v63 =	vld [tilespmem:$0x0]  }
0x172: {  	s29 =	sadd.s32 $0x9A0, s0  }
0x173: {  	[tilespmem:s21], [sflag:$0x2] =	stream.indirect.gather [hbm4b:s3+s12], $0x40, s29, s12, $0xb8;
	v63 =	vld [tilespmem:$0x0]  }
0x174: {  	s29 =	sadd.s32 $0x9D8, s0  }
0x175: {  	[tilespmem:s23], [sflag:$0x2] =	stream.indirect.gather [hbm4b:s3+s12], $0x40, s29, s12, $0xb8;
	v63 =	vld [tilespmem:$0x0]  }
0x176: {  	s29 =	sadd.s32 $0xA10, s0  }
0x177: {  	[tilespmem:s20], [sflag:$0x2] =	stream.indirect.gather [hbm4b:s3+s12], $0x40, s29, s12, $0xb8;
	v63 =	vld [tilespmem:$0x0]  }
0x178: {  	s29 =	sadd.s32 $0xA48, s0  }
0x179: {  	[tilespmem:s4], [sflag:$0x2] =	stream.indirect.gather [hbm4b:s3+s12], $0x40, s29, s12, $0xb8;
	v63 =	vld [tilespmem:$0x0]  }
0x17a: {  	_ =	swait.ge [sflag:s18], $0xC80  }
0x17b: {  	[sflag:s18] =	ssyncset.done $0x0  }
0x17c: {  	[sflag:s18] =	ssyncadd.s32 $0xFFFFF380  }
0x17d: {  	_ =	swait.ge [sflag:s18], $0xC80  }
0x17e: {  	[sflag:s18] =	ssyncset.done $0x0  }
0x17f: {  	[sflag:s18] =	ssyncadd.s32 $0xFFFFF380  }
0x180: {  	_ =	swait.ge [sflag:s18], $0xC80  }
0x181: {  	[sflag:s18] =	ssyncset.done $0x0  }
0x182: {  	[sflag:s18] =	ssyncadd.s32 $0xFFFFF380  }
0x183: {  	_ =	swait.ge [sflag:s18], $0xC80  }
0x184: {  	[sflag:s18] =	ssyncset.done $0x0  }
0x185: {  	[sflag:s18] =	ssyncadd.s32 $0xFFFFF380  }
0x186: {  	_ =	swait.ge [sflag:s18], $0xC80  }
0x187: {  	[sflag:s18] =	ssyncset.done $0x0  }
0x188: {  	[sflag:s18] =	ssyncadd.s32 $0xFFFFF380  }
0x189: {  	_ =	swait.ge [sflag:s18], $0xC80  }
0x18a: {  	[sflag:s18] =	ssyncset.done $0x0  }
0x18b: {  	[sflag:s18] =	ssyncadd.s32 $0xFFFFF380  }
0x18c: {  	_ =	swait.ge [sflag:s18], $0xC80  }
0x18d: {  	[sflag:s18] =	ssyncset.done $0x0  }
0x18e: {  	[sflag:s18] =	ssyncadd.s32 $0xFFFFF380  }
0x18f: {  	_ =	swait.ge [sflag:s18], $0xC80  }
0x190: {  	[sflag:s18] =	ssyncset.done $0x0  }
0x191: {  	[sflag:s18] =	ssyncadd.s32 $0xFFFFF380  }
0x192: {  	[hbm4b:s16+s2] =	stream.linear.scatter [tilespmem:s5], [sflag:$0x8], $0x6400, $0x38;
	v63 =	vld [tilespmem:$0x0]  }
0x193: {  	_ =	swait.ge [sflag:s22], $0x6400  }
0x194: {  	[sflag:s22] =	ssyncset.done $0x0  }
0x195: {  	s29 =	sadd.s32 $0xA80, s0;
	[sflag:s22] =	ssyncadd.s32 $0xFFFF9C00  }
0x196: {  	[tilespmem:s24], [sflag:$0x3] =	stream.indirect.gather [hbm4b:s3+s12], $0x40, s29, s12, $0xb8;
	v63 =	vld [tilespmem:$0x0]  }
0x197: {  	s29 =	sadd.s32 $0xAB8, s0  }
0x198: {  	[tilespmem:s6], [sflag:$0x3] =	stream.indirect.gather [hbm4b:s3+s12], $0x40, s29, s12, $0xb8;
	v63 =	vld [tilespmem:$0x0]  }
0x199: {  	s8 =	simm.s32 $0x15100;
	s29 =	sadd.s32 $0xAF0, s0  }
0x19a: {  	[tilespmem:s8], [sflag:$0x3] =	stream.indirect.gather [hbm4b:s3+s12], $0x40, s29, s12, $0xb8;
	v63 =	vld [tilespmem:$0x0]  }
0x19b: {  	s29 =	sadd.s32 $0xB28, s0;
	s8 =	simm.s32 $0x15D80  }
0x19c: {  	[tilespmem:s8], [sflag:$0x3] =	stream.indirect.gather [hbm4b:s3+s12], $0x40, s29, s12, $0xb8;
	v63 =	vld [tilespmem:$0x0]  }
0x19d: {  	s29 =	sadd.s32 $0xB60, s0;
	s8 =	simm.s32 $0x16A00  }
0x19e: {  	[tilespmem:s8], [sflag:$0x3] =	stream.indirect.gather [hbm4b:s3+s12], $0x40, s29, s12, $0xb8;
	v63 =	vld [tilespmem:$0x0]  }
0x19f: {  	s29 =	sadd.s32 $0xB98, s0;
	s8 =	simm.s32 $0x17680  }
0x1a0: {  	[tilespmem:s8], [sflag:$0x3] =	stream.indirect.gather [hbm4b:s3+s12], $0x40, s29, s12, $0xb8;
	v63 =	vld [tilespmem:$0x0]  }
0x1a1: {  	s29 =	sadd.s32 $0xBD0, s0;
	s8 =	simm.s32 $0x18300  }
0x1a2: {  	[tilespmem:s8], [sflag:$0x3] =	stream.indirect.gather [hbm4b:s3+s12], $0x40, s29, s12, $0xb8;
	v63 =	vld [tilespmem:$0x0]  }
0x1a3: {  	s29 =	sadd.s32 $0xC08, s0;
	s8 =	simm.s32 $0x18F80  }
0x1a4: {  	[tilespmem:s8], [sflag:$0x3] =	stream.indirect.gather [hbm4b:s3+s12], $0x40, s29, s12, $0xb8;
	v63 =	vld [tilespmem:$0x0]  }
0x1a5: {  	_ =	swait.ge [sflag:s9], $0xC80  }
0x1a6: {  	[sflag:s9] =	ssyncset.done $0x0  }
0x1a7: {  	[sflag:s9] =	ssyncadd.s32 $0xFFFFF380  }
0x1a8: {  	_ =	swait.ge [sflag:s9], $0xC80  }
0x1a9: {  	[sflag:s9] =	ssyncset.done $0x0  }
0x1aa: {  	[sflag:s9] =	ssyncadd.s32 $0xFFFFF380  }
0x1ab: {  	_ =	swait.ge [sflag:s9], $0xC80  }
0x1ac: {  	[sflag:s9] =	ssyncset.done $0x0  }
0x1ad: {  	[sflag:s9] =	ssyncadd.s32 $0xFFFFF380  }
0x1ae: {  	_ =	swait.ge [sflag:s9], $0xC80  }
0x1af: {  	[sflag:s9] =	ssyncset.done $0x0  }
0x1b0: {  	[sflag:s9] =	ssyncadd.s32 $0xFFFFF380  }
0x1b1: {  	_ =	swait.ge [sflag:s9], $0xC80  }
0x1b2: {  	[sflag:s9] =	ssyncset.done $0x0  }
0x1b3: {  	[sflag:s9] =	ssyncadd.s32 $0xFFFFF380  }
0x1b4: {  	_ =	swait.ge [sflag:s9], $0xC80  }
0x1b5: {  	[sflag:s9] =	ssyncset.done $0x0  }
0x1b6: {  	[sflag:s9] =	ssyncadd.s32 $0xFFFFF380  }
0x1b7: {  	_ =	swait.ge [sflag:s9], $0xC80  }
0x1b8: {  	[sflag:s9] =	ssyncset.done $0x0  }
0x1b9: {  	[sflag:s9] =	ssyncadd.s32 $0xFFFFF380  }
0x1ba: {  	_ =	swait.ge [sflag:s9], $0xC80  }
0x1bb: {  	[sflag:s9] =	ssyncset.done $0x0  }
0x1bc: {  	s29 =	sadd.s32 $0xC80, s16;
	[sflag:s9] =	ssyncadd.s32 $0xFFFFF380  }
0x1bd: {  	[hbm4b:s29+s2] =	stream.linear.scatter [tilespmem:s13], [sflag:$0x5], $0x6400, $0x38;
	v63 =	vld [tilespmem:$0x0]  }
0x1be: {  	_ =	swait.ge [sflag:s26], $0x6400  }
0x1bf: {  	[sflag:s26] =	ssyncset.done $0x0  }
0x1c0: {  	s29 =	sadd.s32 $0xC40, s0;
	[sflag:s26] =	ssyncadd.s32 $0xFFFF9C00  }
0x1c1: {  	[tilespmem:s5], [sflag:$0x4] =	stream.indirect.gather [hbm4b:s3+s12], $0x40, s29, s12, $0xb8;
	v63 =	vld [tilespmem:$0x0]  }
0x1c2: {  	s8 =	simm.s32 $0x1A880;
	s29 =	sadd.s32 $0xC78, s0  }
0x1c3: {  	[tilespmem:s8], [sflag:$0x4] =	stream.indirect.gather [hbm4b:s3+s12], $0x40, s29, s12, $0xb8;
	v63 =	vld [tilespmem:$0x0]  }
0x1c4: {  	s29 =	sadd.s32 $0xCB0, s0;
	s8 =	simm.s32 $0x1B500  }
0x1c5: {  	[tilespmem:s8], [sflag:$0x4] =	stream.indirect.gather [hbm4b:s3+s12], $0x40, s29, s12, $0xb8;
	v63 =	vld [tilespmem:$0x0]  }
0x1c6: {  	s29 =	sadd.s32 $0xCE8, s0;
	s8 =	simm.s32 $0x1C180  }
0x1c7: {  	[tilespmem:s8], [sflag:$0x4] =	stream.indirect.gather [hbm4b:s3+s12], $0x40, s29, s12, $0xb8;
	v63 =	vld [tilespmem:$0x0]  }
0x1c8: {  	s29 =	sadd.s32 $0xD20, s0;
	s8 =	simm.s32 $0x1CE00  }
0x1c9: {  	[tilespmem:s8], [sflag:$0x4] =	stream.indirect.gather [hbm4b:s3+s12], $0x40, s29, s12, $0xb8;
	v63 =	vld [tilespmem:$0x0]  }
0x1ca: {  	s29 =	sadd.s32 $0xD58, s0  }
0x1cb: {  	[tilespmem:s7], [sflag:$0x4] =	stream.indirect.gather [hbm4b:s3+s12], $0x40, s29, s12, $0xb8;
	v63 =	vld [tilespmem:$0x0]  }
0x1cc: {  	s29 =	sadd.s32 $0xD90, s0  }
0x1cd: {  	[tilespmem:s11], [sflag:$0x4] =	stream.indirect.gather [hbm4b:s3+s12], $0x40, s29, s12, $0xb8;
	v63 =	vld [tilespmem:$0x0]  }
0x1ce: {  	s0 =	sadd.s32 $0xDC8, s0  }
0x1cf: {  	[tilespmem:s10], [sflag:$0x4] =	stream.indirect.gather [hbm4b:s3+s12], $0x40, s0, s12, $0xb8;
	v63 =	vld [tilespmem:$0x0]  }
0x1d0: {  	_ =	swait.ge [sflag:s25], $0xC80  }
0x1d1: {  	[sflag:s25] =	ssyncset.done $0x0  }
0x1d2: {  	[sflag:s25] =	ssyncadd.s32 $0xFFFFF380  }
0x1d3: {  	_ =	swait.ge [sflag:s25], $0xC80  }
0x1d4: {  	[sflag:s25] =	ssyncset.done $0x0  }
0x1d5: {  	[sflag:s25] =	ssyncadd.s32 $0xFFFFF380  }
0x1d6: {  	_ =	swait.ge [sflag:s25], $0xC80  }
0x1d7: {  	[sflag:s25] =	ssyncset.done $0x0  }
0x1d8: {  	[sflag:s25] =	ssyncadd.s32 $0xFFFFF380  }
0x1d9: {  	_ =	swait.ge [sflag:s25], $0xC80  }
0x1da: {  	[sflag:s25] =	ssyncset.done $0x0  }
0x1db: {  	[sflag:s25] =	ssyncadd.s32 $0xFFFFF380  }
0x1dc: {  	_ =	swait.ge [sflag:s25], $0xC80  }
0x1dd: {  	[sflag:s25] =	ssyncset.done $0x0  }
0x1de: {  	[sflag:s25] =	ssyncadd.s32 $0xFFFFF380  }
0x1df: {  	_ =	swait.ge [sflag:s25], $0xC80  }
0x1e0: {  	[sflag:s25] =	ssyncset.done $0x0  }
0x1e1: {  	[sflag:s25] =	ssyncadd.s32 $0xFFFFF380  }
0x1e2: {  	_ =	swait.ge [sflag:s25], $0xC80  }
.Ltmp0:
0x1e3: {  	[sflag:s25] =	ssyncset.done $0x0;
	(pc) =	sbr.rel @p0 .LBB2_2-.Ltmp0, $4  }
0x1e4: {  	[sflag:s25] =	ssyncadd.s32 $0xFFFFF380  }
0x1e5: {  	_ =	swait.ge [sflag:s25], $0xC80  }
0x1e6: {  	[sflag:s25] =	ssyncset.done $0x0  }
0x1e7: {  	s0 =	sadd.s32 $0x1900, s16;
	s16 =	sadd.s32 $0x3200, s16;
	[sflag:s25] =	ssyncadd.s32 $0xFFFFF380  }
0x1e8: {  	[hbm4b:s0+s2] =	stream.linear.scatter [tilespmem:s30], [sflag:$0x6], $0x6400, $0x38;
	v63 =	vld [tilespmem:$0x0]  }
0x1e9: {  	_ =	swait.ge [sflag:s1], $0xC80  }
0x1ea: {  	[sflag:s1] =	ssyncset.done $0x0  }
0x1eb: {  	[sflag:s1] =	ssyncadd.s32 $0xFFFFF380  }
0x1ec: {  	_ =	swait.ge [sflag:s1], $0xC80  }
0x1ed: {  	[sflag:s1] =	ssyncset.done $0x0  }
0x1ee: {  	[sflag:s1] =	ssyncadd.s32 $0xFFFFF380  }
0x1ef: {  	_ =	swait.ge [sflag:s1], $0xC80  }
0x1f0: {  	[sflag:s1] =	ssyncset.done $0x0  }
0x1f1: {  	[sflag:s1] =	ssyncadd.s32 $0xFFFFF380  }
0x1f2: {  	_ =	swait.ge [sflag:s1], $0xC80  }
0x1f3: {  	[sflag:s1] =	ssyncset.done $0x0  }
0x1f4: {  	[sflag:s1] =	ssyncadd.s32 $0xFFFFF380  }
0x1f5: {  	_ =	swait.ge [sflag:s1], $0xC80  }
0x1f6: {  	[sflag:s1] =	ssyncset.done $0x0  }
0x1f7: {  	[sflag:s1] =	ssyncadd.s32 $0xFFFFF380  }
0x1f8: {  	_ =	swait.ge [sflag:s1], $0xC80  }
0x1f9: {  	[sflag:s1] =	ssyncset.done $0x0  }
0x1fa: {  	[sflag:s1] =	ssyncadd.s32 $0xFFFFF380  }
0x1fb: {  	_ =	swait.ge [sflag:s1], $0xC80  }
0x1fc: {  	[sflag:s1] =	ssyncset.done $0x0  }
0x1fd: {  	[sflag:s1] =	ssyncadd.s32 $0xFFFFF380  }
0x1fe: {  	_ =	swait.ge [sflag:s1], $0xC80  }
0x1ff: {  	[sflag:s1] =	ssyncset.done $0x0  }
0x200: {  	s20 =	rddreg [dreg:$0x6];
	[sflag:s1] =	ssyncadd.s32 $0xFFFFF380  }
0x201: {  	[hbm4b:s20+s2] =	stream.linear.scatter [tilespmem:s24], [sflag:$0x7], $0x6400, $0x38;
	v63 =	vld [tilespmem:$0x0]  }
0x202: {  	_ =	swait.ge [sflag:s18], $0xC80  }
0x203: {  	[sflag:s18] =	ssyncset.done $0x0  }
0x204: {  	[sflag:s18] =	ssyncadd.s32 $0xFFFFF380  }
0x205: {  	_ =	swait.ge [sflag:s18], $0xC80  }
0x206: {  	[sflag:s18] =	ssyncset.done $0x0  }
0x207: {  	[sflag:s18] =	ssyncadd.s32 $0xFFFFF380  }
0x208: {  	_ =	swait.ge [sflag:s18], $0xC80  }
0x209: {  	[sflag:s18] =	ssyncset.done $0x0  }
0x20a: {  	[sflag:s18] =	ssyncadd.s32 $0xFFFFF380  }
0x20b: {  	_ =	swait.ge [sflag:s18], $0xC80  }
0x20c: {  	[sflag:s18] =	ssyncset.done $0x0  }
0x20d: {  	[sflag:s18] =	ssyncadd.s32 $0xFFFFF380  }
0x20e: {  	_ =	swait.ge [sflag:s18], $0xC80  }
0x20f: {  	[sflag:s18] =	ssyncset.done $0x0  }
0x210: {  	[sflag:s18] =	ssyncadd.s32 $0xFFFFF380  }
0x211: {  	_ =	swait.ge [sflag:s18], $0xC80  }
0x212: {  	[sflag:s18] =	ssyncset.done $0x0  }
0x213: {  	[sflag:s18] =	ssyncadd.s32 $0xFFFFF380  }
0x214: {  	_ =	swait.ge [sflag:s18], $0xC80  }
0x215: {  	[sflag:s18] =	ssyncset.done $0x0  }
0x216: {  	[sflag:s18] =	ssyncadd.s32 $0xFFFFF380  }
0x217: {  	_ =	swait.ge [sflag:s18], $0xC80  }
0x218: {  	[sflag:s18] =	ssyncset.done $0x0  }
0x219: {  	s21 =	rddreg [dreg:$0x7];
	[sflag:s18] =	ssyncadd.s32 $0xFFFFF380  }
0x21a: {  	[hbm4b:s21+s2] =	stream.linear.scatter [tilespmem:s5], [sflag:$0x8], $0x6400, $0x38;
	v63 =	vld [tilespmem:$0x0]  }
0x21b: {  	_ =	swait.ge [sflag:s28], $0x6400  }
0x21c: {  	[sflag:s28] =	ssyncset.done $0x0  }
0x21d: {  	[sflag:s28] =	ssyncadd.s32 $0xFFFF9C00  }
0x21e: {  	_ =	swait.ge [sflag:s14], $0x6400  }
0x21f: {  	[sflag:s14] =	ssyncset.done $0x0  }
0x220: {  	[sflag:s14] =	ssyncadd.s32 $0xFFFF9C00  }
0x221: {  	_ =	swait.ge [sflag:s22], $0x6400  }
0x222: {  	[sflag:s22] =	ssyncset.done $0x0  }
0x223: {  	[sflag:s22] =	ssyncadd.s32 $0xFFFF9C00  }
0x224: {  	_ =	swait.ge [sflag:s26], $0x6400  }
0x225: {  	s16 =	simm.s32 $0x7C80;
	s4 =	rddreg [dreg:$0xa]  }
0x226: {  	s6 =	simm.s32 $0x9580;
	s23 =	rddreg [dreg:$0x8];
	s4 =	sadd.s32 $0x1, s4  }
0x227: {  	s7 =	simm.s32 $0xA200;
	s8 =	simm.s32 $0xAE80;
	p0 =	sne.s32 s4, s23  }
.Ltmp1:
0x228: {  	s11 =	simm.s32 $0xBB00;
	s10 =	simm.s32 $0xC780;
	(pc) =	sbr.rel @p0 .LBB2_1-.Ltmp1, $4  }
0x229: {  	s15 =	simm.s32 $0xE080;
	s17 =	simm.s32 $0xED00;
	s19 =	simm.s32 $0xF980  }
0x22a: {  	s29 =	simm.s32 $0x12B80;
	s31 =	simm.s32 $0x14480;
	[sflag:s26] =	ssyncset.done $0x0  }
0x22b: {  	s20 =	simm.s32 $0x11F00;
	s21 =	simm.s32 $0x10600;
	[sflag:s26] =	ssyncadd.s32 $0xFFFF9C00  }
0x22c: {  	[dreg:$0xa] =	wrdreg s4;
	s4 =	simm.s32 $0x8900;
	s23 =	simm.s32 $0x11280  }
0x22d: {  	_ =	sfence.sel $0x180000  }
0x22e: {  	[bflag:$0x0] =	sbarrier.arrive $0xFFFF  }
0x22f: {  	_ =	strace $0x90000047  }
0x230: {  	s0 =	stileid.u32;
	[bflag:$0x2] =	sbarrier.arrive $0xFFFF  }
0x231: {  	p0 =	sne.s32 s0, $0x0;
	s0 =	rddreg [dreg:$0x2]  }
0x232: {  	s0 =	sadd.s32 @!p0 $0x100000, s0  }
0x233: {  	[sflag:s0] =	ssyncadd.tile.s32 @!p0 $0x1;
	_ =	shalt  }
.Lfunc_end2:
_tile_overlayer_lowered:
.L_overlay_start_2:
0x234: {  	(tag) =	ssettag $0x2  }
0x235: {  	s0 =	rddreg [dreg:$0x0];
	s2 =	stileid.u32  }
0x236: {  	s1 =	rddreg [dreg:$0x1];
	p0 =	sne.s32 s2, $0x0  }
0x237: {  	s3 =	rddreg [dreg:$0x2];
	[bflag:$0x3] =	sbarrier.arrive $0xFFFF;
	s2 =	simm.s32 @!p0 $0x1C09  }
0x238: {  	[timem:s3], [sflag:s2] =	dma.local @!p0 [hbm:s0], s1  }
0x239: {  	s0 =	simm.s32 @!p0 $0x9  }
0x23a: {  	_ =	swait.ge @!p0 [sflag:s0], s1  }
0x23b: {  	s1 =	ssub.s32 @!p0 $0x0, s1;
	[sflag:s0] =	ssyncset.done @!p0 $0x0  }
0x23c: {  	[sflag:s0] =	ssyncadd.s32 @!p0 s1  }
0x23d: {  	[bflag:$0x3] =	sbarrier.arrive $0xFFFF  }
0x23e: {  	_ =	shalt  }

// kernel: sparse-core-data-format-call.cloned.1.call-start
scs
called_computation_lowered:
.L_overlay_start_0:
0x0: {  	s2 =	sld [smem:$0x3FD9]  }
0x1: {  	s3 =	sld [smem:$0x3FFE];
	_ =	sdelay $0x1  }
0x2: {  	s1 =	srdreg.scid  }
0x3: {  	s0 =	sand.u32 $0x1, s1  }
0x4: {  	s18 =	sshll.u32 s0, $0xA;
	s2 =	sadd.s32 s3, s2  }
0x5: {  	s2 =	sadd.s32 s2, s18  }
0x6: {  	[smem:$0x3FC6] =	sst s2  }
0x7: {  	_ = 	snop  }
0x8: {  	s2 =	sld [smem:$0x3FD0];
	(tm) =	ssettm $0x1  }
0x9: {  	s19 =	sld [smem:$0x3FFB];
	_ =	sdelay $0x3  }
0xa: {  	_ =	strace s19  }
0xb: {  	s3 =	sld [smem:$0x3FFC];
	_ =	sdelay $0x3  }
0xc: {  	_ =	strace s3  }
0xd: {  	s3 =	sld [smem:$0x3FFD];
	_ =	sdelay $0x3  }
0xe: {  	_ =	strace s3  }
0xf: {  	_ =	strace $0x8FFFFFFF  }
0x10: {  	s20 =	sld [smem:$0x3FDB];
	_ =	sdelay $0x1  }
0x11: {  	s4 =	simm.s32 $_scs_section_size  }
0x12: {  	s5 =	simm.s32 $_size__tile_overlayer_lowered;
	s6 =	simm.s32 $_tile_overlayer_lowered  }
0x13: {  	s23 =	simm.s32 $0x1BFF;
	s22 =	sshll.u32 s6, $0x1;
	s3 =	sadd.s32 s4, s20  }
0x14: {  	s7 =	simm.s32 $0x0;
	s21 =	sshll.u32 s5, $0x1;
	s5 =	sadd.s32 s22, s3  }
0x15: {  	[timem:s7], [sflag:s23] =	dma.local [hbm:s5], s21  }
0x16: {  	_ =	swait.ge [sflag:s23], s21  }
0x17: {  	s4 =	ssub.s32 $0x0, s21;
	[sflag:s23] =	ssyncset.done $0x0  }
0x18: {  	[sflag:s23] =	ssyncadd.s32 s4;
	_ =	sdelay $0x1  }
0x19: {  	s24 =	simm.s32 $0x1B8B  }
0x1a: {  	_ =	swait.ge [sflag:s24], $0x1  }
0x1b: {  	[sflag:s24] =	ssyncset.done $0x0  }
0x1c: {  	s26 =	simm.s32 $0x1B8E;
	s25 =	sld [smem:$0x3FFE];
	[sflag:s24] =	ssyncadd.s32 $0xFFFFFFFF  }
0x1d: {  	s27 =	simm.s32 $execute0_lowered;
	[smem:$0x3FD2] =	sst s26  }
0x1e: {  	s5 =	sshll.u32 s27, $0x1;
	_ =	strace $0x80000049;
	[dreg:$0x1] =	wrdreg $0xFFFFFFFF  }
0x1f: {  	s28 =	simm.s32 $_size_execute0_lowered;
	s3 =	sadd.s32 s3, s5;
	[dreg:$0x0] =	wrdreg $0x0  }
0x20: {  	s5 =	sshll.u32 s28, $0x1;
	[dreg:$0x2] =	wrdreg s3  }
0x21: {  	[dreg:$0x3] =	wrdreg s5  }
0x22: {  	[dreg:$0x4] =	wrdreg $0xC0  }
0x23: {  	_ =	task [dreg:s7], $0x5FFFF  }
0x24: {  	[dreg:$0x1] =	wrdreg $0xFFFFFFFF  }
0x25: {  	[dreg:$0x0] =	wrdreg $0x60  }
0x26: {  	[dreg:$0x2] =	wrdreg s25  }
0x27: {  	[dreg:$0x3] =	wrdreg s2  }
0x28: {  	[dreg:$0x4] =	wrdreg $0x9  }
0x29: {  	_ =	task.clear_ibuf [dreg:s7], $0x5FFFF;
	_ =	strace $0x90000049  }
0x2a: {  	s29 =	simm.s32 $0x9;
	_ =	strace $0x8000004B  }
0x2b: {  	_ =	swait.ge [sflag:s29], $0x1  }
0x2c: {  	[sflag:s29] =	ssyncadd.s32 $0xFFFFFFFF  }
0x2d: {  	_ =	strace $0x9000004B  }
0x2e: {  	_ =	sfence  }
0x2f: {  	s30 =	sld [smem:$0x0];
	_ =	sdelay $0x2  }
0x30: {  	s31 =	sshll.u32 s1, $0xD;
	s1 =	sshrl.u32 s1, $0x2  }
0x31: {  	s3 =	sand.u32 $0x4000, s31;
	s1 =	sadd.s32 s1, s30  }
0x32: {  	s0 =	sor.u32 s3, s0;
	s1 =	sshll.u32 s1, $0x11  }
0x33: {  	s0 =	sor.u32 s1, s0  }
0x34: {  	s0 =	sadd.s32 $0x8F2B, s0  }
0x35: {  	[sflag:s0] =	ssyncadd.remote.s32 $0x1  }
0x36: {  	_ =	sfence.sel $0xFFFF  }
0x37: {  	[dreg:$0x0] =	wrdreg $0xFFFFFFFF;
	(pc) =	sbr.abs _section_cstart, $3  }
0x38: {  	[dreg:$0x1] =	wrdreg $0xFFFFFFFF  }
0x39: {  	_ =	task.clear_ibuf [dreg:s7], $0x2FFFF;
	_ =	strace $0x9FFFFFFF  }
0x3a: {  	(tm) =	ssettm $0x7FFFFFFF  }
0x3b: {  	_ =	shalt  }
tec
execute0_lowered:
.L_overlay_start_1:
0x0: {  	(tag) =	ssettag $0x1  }
0x1: {  	s0 =	srdreg.scid  }
0x2: {  	s1 =	sshll.u32 s0, $0x4  }
0x3: {  	s0 =	stileid.u32;
	s1 =	sand.u32 $0x10, s1  }
0x4: {  	s1 =	sor.u32 s0, s1  }
0x5: {  	s6 =	rddreg [dreg:$0x0];
	s4 =	simm.s32 $0x1;
	s2 =	sshll.u32 s1, $0x7  }
0x6: {  	s7 =	simm.s32 $0x2;
	s12 =	simm.s32 $0x0;
	s1 =	ssub.s32 $0x4000, s2  }
0x7: {  	s8 =	simm.s32 $0x20000;
	s13 =	simm.s32 $0x0;
	s3 =	sand.u32 $0xF80, s1  }
0x8: {  	s9 =	simm.s32 $0x0;
	s5 =	sshrl.u32 s1, $0xC;
	p0 =	sne.s32 s3, $0x0  }
.Ltmp0:
0x9: {  	s1 =	rddreg [dreg:$0x2];
	s4 =	simm.s32 @!p0 $0x0;
	(pc) =	sbr.rel .LBB1_1-.Ltmp0, $4  }
0xa: {  	s11 =	simm.s32 $0x0;
	s3 =	rddreg [dreg:$0x1];
	s5 =	sadd.s32 s4, s5  }
0xb: {  	_ =	strace $0x8000004A;
	s4 =	simm.s32 $0x1;
	s5 =	smul.u32 $0x32, s5  }
0xc: {  	s6 =	sadd.s32 $0xA00, s6;
	s10 =	smov.u32 s2;
	[sflag:s4] =	ssyncpa.u1 $0x0  }
0xd: {  	p0 =	por $0x0, $0x0;
	[sflag:s7] =	ssyncpa.u1 $0x0;
	s7 =	sor.u32 $0x1, s5  }
.LBB1_4:
0xe: {  	s16 =	sshll.u32 s13, $0x3;
	s17 =	sand.u32 $0x78, s13  }
0xf: {  	s30 =	sand.u32 $0x1F800, s13;
	s12 =	sshll.u32 s12, $0x11;
	s16 =	sand.u32 $0x3C00, s16  }
0x10: {  	[tilespmem:s15+$0x810 ss:$0x81] =	vst.msk $0xffff, v2;
	s31 =	sand.u32 $0x7, s13;
	s16 =	sor.u32 s17, s16;
	s17 =	sadd.s32 s3, s30  }
0x11: {  	[tilespmem:s15+$0x1020 ss:$0x81] =	vst.msk $0xffff, v0;
	s13 =	sshll.u32 s31, $0x12;
	s12 =	sadd.s32 s12, s17;
	s16 =	sshrl.u32 s16, $0x3  }
0x12: {  	[tilespmem:s15+$0x0 ss:$0x81] =	vst.msk $0xffff, v1;
	s13 =	sor.u32 $0x400, s13;
	s12 =	sadd.s32 s16, s12  }
0x13: {  	[hbm4b:s12+s13] =	stream.strided.scatter [tilespmem:s14], [sflag:$0x2], $0x2000, s8, s13, $0x20;
	[tilespmem:$0x8080] =	vst v63  }
.LBB1_5:
0x14: {  	s14 =	sadd.s32 $0x1, s9  }
0x15: {  	s12 =	sadd.s32 $0x1000, s10;
	s16 =	smov.u32 s10;
	p2 =	sgt.s32 s14, $0x31  }
0x16: {  	s16 =	smov.u32 @p2 s12  }
0x17: {  	s14 =	simm.s32 @p2 $0x0;
	p2 =	sgt.s32 s16, $0x3FFF  }
0x18: {  	s16 =	smov.u32 @p2 s2;
	p2 =	sne.s32 s11, s7  }
.Ltmp1:
0x19: {  	p1 =	slt.u32 s11, $0x2;
	(pc) =	sbr.rel @!p2 .LBB1_6-.Ltmp1, $4  }
0x1a: {  	s15 =	simm.s32 @!p1 $0x2  }
0x1b: {  	s13 =	smov.u32 s10;
	p0 =	por !p0, !p0;
	_ =	swait.ge @!p1 [sflag:s15], $0x2000  }
0x1c: {  	s12 =	smov.u32 s9;
	[sflag:s15] =	ssyncset.done @!p1 $0x0;
	s9 =	smov.u32 s14  }
0x1d: {  	s11 =	sadd.s32 $0x1, s11;
	[sflag:s15] =	ssyncadd.s32 @!p1 $0xFFFFE000;
	s10 =	smov.u32 s16  }
.LBB1_1:
0x1e: {  	p1 =	sge.u32 s11, s5  }
0x1f: {  	s14 =	sand.u32 @!p1 $0x1FFFFFF, s9  }
0x20: {  	s15 =	smulhi.u32 @!p1 $0x4924925, s14;
	_ =	sdelay $0x1  }
0x21: {  	s15 =	smul.u32 @!p1 $0x38, s15  }
0x22: {  	s16 =	sxor.u32 @!p1 $0xFFFFFFFF, s11;
	s17 =	smul.u32 @!p1 $0x380, s10  }
0x23: {  	s31 =	sadd.s32 $0xFFFFFFFF, s11;
	s16 =	sshll.u32 @!p1 s16, $0xD;
	s14 =	ssub.s32 @!p1 s14, s15  }
0x24: {  	s15 =	sand.u32 @!p1 $0x2000, s16;
	s16 =	sadd.s32 @!p1 s6, s17;
	s14 =	sshll.u32 @!p1 s14, $0x4  }
0x25: {  	s17 =	simm.s32 @!p1 $0x1C00;
	s14 =	sadd.s32 @!p1 s14, s16;
	s16 =	simm.s32 @!p1 $0x40  }
0x26: {  	[tilespmem:s15], [sflag:$0x1] =	stream.strided.gather @!p1 [hbm4b:s14+s16], $0x2000, s17, s16, $0x38;
	[tilespmem:$0x8080] =	vst v63  }
0x27: {  	p1 =	sge.u32 s31, s5  }
.Ltmp2:
0x28: {  	_ = 	snop;
	(pc) =	sbr.rel @p1 .LBB1_5-.Ltmp2, $1  }
0x29: {  	_ =	sdelay $0x3  }
0x2a: {  	s14 =	simm.s32 $0x1  }
0x2b: {  	_ =	swait.ge [sflag:s4], $0x2000;
	s14 =	simm.s32 @!p0 $0x0  }
0x2c: {  	[sflag:s4] =	ssyncset.done $0x0;
	s15 =	sshll.u32 s14, $0xD  }
0x2d: {  	[sflag:s4] =	ssyncadd.s32 $0xFFFFE000;
	s18 =	sor.u32 $0x20, s15  }
0x2e: {  	s14 =	smul.u32 $0x8100, s14;
	v3 =	vld [tilespmem:s18+$0x10]  }
0x2f: {  	s30 =	sand.u32 $0x1, s11;
	v2 =	vld [tilespmem:s18+$0xFFFFFFF0]  }
0x30: {  	s15 =	smul.u32 $0x8100, s30;
	s14 =	sshrl.u32 s14, $0x2;
	v0 =	vld [tilespmem:s18+$0x0]  }
0x31: {  	v1 =	vld [tilespmem:s18+$0xFFFFFFE0];
	s16 =	sor.u32 $0x4000, s14  }
0x32: {  	s31 =	sshrl.u32 s15, $0x2;
	s15 =	sadd.s32 $0x0, s16  }
0x33: {  	s17 =	simm.s32 $0x4;
	s18 =	sadd.s32 $0x40, s18;
	s14 =	sor.u32 $0x4000, s31;
	[tilespmem:s15+$0x1830 ss:$0x81] =	vst.msk $0xffff, v3  }
.LBB1_3:
0x34: {  	v3 =	vld [tilespmem:s18+$0x10];
	p1 =	sne.s32 s17, $0x1FC;
	[tilespmem:s15+$0x810 ss:$0x81] =	vst.msk $0xffff, v2;
	s19 =	smov.u32 s17;
	s17 =	sadd.s32 $0x4, s17  }
.Ltmp3:
0x35: {  	v2 =	vld [tilespmem:s18+$0xFFFFFFF0];
	[tilespmem:s15+$0x1020 ss:$0x81] =	vst.msk $0xffff, v0;
	(pc) =	sbr.rel @p1 .LBB1_3-.Ltmp3, $4  }
0x36: {  	v0 =	vld [tilespmem:s18+$0x0];
	[tilespmem:s15+$0x0 ss:$0x81] =	vst.msk $0xffff, v1  }
0x37: {  	s15 =	sshra.s32 s19, $0x2;
	v1 =	vld [tilespmem:s18+$0xFFFFFFE0]  }
0x38: {  	s15 =	sadd.s32 s15, s16  }
0x39: {  	s18 =	sadd.s32 $0x40, s18;
	[tilespmem:s15+$0x1830 ss:$0x81] =	vst.msk $0xffff, v3  }
.Ltmp4:
0x3a: {  	_ = 	snop;
	(pc) =	sbr.rel .LBB1_4-.Ltmp4, $1  }
0x3b: {  	_ =	sdelay $0x3  }
.LBB1_6:
0x3c: {  	_ =	sfence.sel $0x180000  }
0x3d: {  	s2 =	simm.s32 $0x1;
	[bflag:$0x0] =	sbarrier.arrive $0xFFFF  }
0x3e: {  	s31 =	simm.s32 $0x2;
	[sflag:s2] =	ssyncpa.u1 $0x1  }
0x3f: {  	[sflag:s31] =	ssyncpa.u1 $0x1  }
0x40: {  	p0 =	sne.s32 s0, $0x0;
	_ =	strace $0x9000004A  }
0x41: {  	s0 =	sadd.s32 @!p0 $0x100000, s1;
	[bflag:$0x2] =	sbarrier.arrive $0xFFFF  }
0x42: {  	[sflag:s0] =	ssyncadd.tile.s32 @!p0 $0x1;
	_ =	shalt  }
.Lfunc_end1:
_tile_overlayer_lowered:
.L_overlay_start_2:
0x43: {  	(tag) =	ssettag $0x2  }
0x44: {  	s0 =	rddreg [dreg:$0x0];
	s2 =	stileid.u32  }
0x45: {  	s1 =	rddreg [dreg:$0x1];
	p0 =	sne.s32 s2, $0x0  }
0x46: {  	s3 =	rddreg [dreg:$0x2];
	[bflag:$0x3] =	sbarrier.arrive $0xFFFF;
	s2 =	simm.s32 @!p0 $0x1C01  }
0x47: {  	[timem:s3], [sflag:s2] =	dma.local @!p0 [hbm:s0], s1  }
0x48: {  	s0 =	simm.s32 @!p0 $0x1  }
0x49: {  	_ =	swait.ge @!p0 [sflag:s0], s1  }
0x4a: {  	s1 =	ssub.s32 @!p0 $0x0, s1;
	[sflag:s0] =	ssyncset.done @!p0 $0x0  }
0x4b: {  	[sflag:s0] =	ssyncadd.s32 @!p0 s1  }
0x4c: {  	[bflag:$0x3] =	sbarrier.arrive $0xFFFF  }
0x4d: {  	_ =	shalt  }

</sc_bundles>
